<compile_context>
chip_gen: v7x
topology: tpu7x:2x2x1
jax: 0.10.2.dev20260603
libtpu: 0.0.44.dev20260713+nightly
codegen_flags: <defaults>
</compile_context>

<pallas_src>
import functools

import jax
import jax.numpy as jnp
from jax import lax
from jax.experimental import pallas as pl
from jax.experimental.pallas import tpu as pltpu
from jax.experimental.pallas import tpu_sc as plsc

_NUM_CORES = 2
_NUM_SUBCORES = 16
_NUM_WORKERS = _NUM_CORES * _NUM_SUBCORES
_LANES = 16
_WIN = 128
_CHUNK = 8
_SC_SHARE = 8192
_SB = 512


def _sc_gather(tT, idx, n):
    dim = tT.shape[0]
    b_per_w = n // _NUM_WORKERS
    mesh = plsc.VectorSubcoreMesh(core_axis_name="c", subcore_axis_name="s")

    @functools.partial(
        pl.kernel, mesh=mesh,
        out_type=jax.ShapeDtypeStruct((dim, n), tT.dtype),
        scratch_types=[
            pltpu.VMEM((b_per_w,), jnp.int32),
            pltpu.VMEM((2 * _CHUNK, dim, _WIN), tT.dtype),
            pltpu.VMEM((dim, b_per_w), tT.dtype),
            pltpu.SemaphoreType.DMA,
            pltpu.SemaphoreType.DMA,
        ],
        compiler_params=pltpu.CompilerParams(disable_bounds_checks=True,
                                             needs_layout_passes=False),
    )
    def gather_kernel(tT_hbm, idx_hbm, outT_hbm, idx_v, win_v, acc_v,
                      sem0, sem1):
        wid = lax.axis_index("s") * _NUM_CORES + lax.axis_index("c")
        base = wid * b_per_w
        pltpu.sync_copy(idx_hbm.at[pl.ds(base, b_per_w)], idx_v)

        row_lo = lax.iota(jnp.int32, _LANES)
        row_hi = row_lo + _LANES
        sems = (sem0, sem1)

        def fire(v, half):
            for m in range(_CHUNK):
                s = v[half * _CHUNK + m]
                soff = pl.multiple_of((s >> 7) << 7, _WIN)
                pltpu.async_copy(
                    tT_hbm.at[:, pl.ds(soff, _WIN)],
                    win_v.at[half * _CHUNK + m], sems[half])

        def drain_and_extract(v, i, half):
            for m in range(_CHUNK):
                pltpu.make_async_copy(
                    tT_hbm.at[:, pl.ds(0, _WIN)],
                    win_v.at[half * _CHUNK + m], sems[half]).wait()
            for m in range(_CHUNK):
                c = v[half * _CHUNK + m] & (_WIN - 1)
                cvec = jnp.zeros((_LANES,), jnp.int32) + c
                kvec = jnp.zeros((_LANES,), jnp.int32) + (i + half * _CHUNK + m)
                g0 = plsc.load_gather(win_v.at[half * _CHUNK + m],
                                      [row_lo, cvec])
                g1 = plsc.load_gather(win_v.at[half * _CHUNK + m],
                                      [row_hi, cvec])
                plsc.store_scatter(acc_v, [row_lo, kvec], g0)
                plsc.store_scatter(acc_v, [row_hi, kvec], g1)

        v0 = idx_v[pl.ds(0, 2 * _CHUNK)]
        fire(v0, 0)

        @pl.loop(0, b_per_w, step=2 * _CHUNK)
        def _(i):
            v = idx_v[pl.ds(i, 2 * _CHUNK)]
            fire(v, 1)
            drain_and_extract(v, i, 0)

            @pl.when(i + 2 * _CHUNK < b_per_w)
            def _():
                vn = idx_v[pl.ds(i + 2 * _CHUNK, 2 * _CHUNK)]
                fire(vn, 0)

            drain_and_extract(v, i, 1)

        pltpu.sync_copy(acc_v, outT_hbm.at[:, pl.ds(base, b_per_w)])

    return gather_kernel(tT, idx)


def _tc_gather(tT, idx, n):
    dim = tT.shape[0]
    n_steps = n // _SB
    idx2d = idx.reshape(n, 1)

    def body(idx_pf, tT_any, idx_blk, out_ref, win0, win1, sem0, sem1):
        g = pl.program_id(0)

        def fire(step, win, sem):
            base = step * _SB

            def body_m(m, carry):
                s = idx_pf[base + m]
                soff = pl.multiple_of((s >> 7) << 7, _WIN)
                pltpu.make_async_copy(
                    tT_any.at[:, pl.ds(soff, _WIN)], win.at[m], sem).start()
                return carry

            lax.fori_loop(0, _SB, body_m, 0, unroll=16)

        def drain(win, sem):
            def body_m(m, carry):
                pltpu.make_async_copy(
                    tT_any.at[:, pl.ds(0, _WIN)], win.at[m], sem).wait()
                return carry

            lax.fori_loop(0, _SB, body_m, 0, unroll=16)

        def extract(win):
            w = win[...]
            c = (idx_blk[...] & (_WIN - 1))[:, :, None]
            lane = lax.broadcasted_iota(jnp.int32, (_SB, dim, _WIN), 2)
            out_ref[...] = jnp.sum(
                jnp.where(lane == c, w, 0.0), axis=2)

        @pl.when(g == 0)
        def _():
            fire(0, win0, sem0)

        even = g % 2 == 0

        @pl.when((g + 1 < n_steps) & even)
        def _():
            fire(g + 1, win1, sem1)

        @pl.when((g + 1 < n_steps) & jnp.logical_not(even))
        def _():
            fire(g + 1, win0, sem0)

        @pl.when(even)
        def _():
            drain(win0, sem0)
            extract(win0)

        @pl.when(jnp.logical_not(even))
        def _():
            drain(win1, sem1)
            extract(win1)

    grid_spec = pltpu.PrefetchScalarGridSpec(
        num_scalar_prefetch=1,
        grid=(n_steps,),
        in_specs=[
            pl.BlockSpec(memory_space=pl.ANY),
            pl.BlockSpec((_SB, 1), lambda g, idx_ref: (g, 0)),
        ],
        out_specs=pl.BlockSpec((_SB, dim), lambda g, idx_ref: (g, 0)),
        scratch_shapes=[
            pltpu.VMEM((_SB, dim, _WIN), tT.dtype),
            pltpu.VMEM((_SB, dim, _WIN), tT.dtype),
            pltpu.SemaphoreType.DMA,
            pltpu.SemaphoreType.DMA,
        ],
    )
    return pl.pallas_call(
        body,
        grid_spec=grid_spec,
        out_shape=jax.ShapeDtypeStruct((n, dim), tT.dtype),
        compiler_params=pltpu.CompilerParams(
            disable_bounds_checks=True,
            vmem_limit_bytes=60 * 1024 * 1024),
    )(idx, tT, idx2d)


def kernel(user_indices, table):
    batch = user_indices.shape[0]
    idx = user_indices.astype(jnp.int32)
    tT = table.T

    outT_sc = _sc_gather(tT, idx[:_SC_SHARE], _SC_SHARE)
    out_tc = _tc_gather(tT, idx[_SC_SHARE:], batch - _SC_SHARE)
    return jnp.concatenate([outT_sc.T, out_tc], axis=0)

# --- scband reference (transcript-rebuilt; emitter-appended) ---
"""Pipeline reference for scband-user-tower-42949673281 (READ-ONLY COPY).

The authoritative reference and input builder live on the scoring server;
editing this copy changes nothing except your own understanding.
"""

import jax, jax.numpy as jnp
import numpy as np

NUM_USERS = 1000000
EMBED_DIM = 32
BATCH = 16384

def setup_inputs(seed: int = 0) -> dict:
    key = jax.random.key(seed)
    k_idx, k_tab = jax.random.split(key)
    user_indices = jax.random.randint(k_idx, (BATCH,), 0, NUM_USERS, dtype=jnp.int64 if jax.config.jax_enable_x64 else jnp.int32)
    table = jax.random.normal(k_tab, (NUM_USERS, EMBED_DIM), dtype=jnp.float32)
    return {"user_indices": user_indices, "table": table}

def reference(user_indices, table):
    # nn.Embedding forward: simple row gather from the embedding table
    return jnp.take(table, user_indices, axis=0)

if __name__ == "__main__":
    import jax
    _d = setup_inputs()
    print(jax.jit(kernel)(*tuple(_d.values())))

</pallas_src>

<mosaic_0001>
#map = affine_map<(d0, d1) -> (0, 0)>
#map1 = affine_map<(d0, d1) -> (0)>
module attributes {stable_mosaic.version = 14 : i64} {
  func.func @gather_kernel(%arg0: i32, %arg1: i32, %arg2: memref<32x1000000xf32, #tpu.memory_space<hbm>>, %arg3: memref<8192xi32, #tpu.memory_space<hbm>>, %arg4: memref<32x8192xf32, #tpu.memory_space<hbm>>, %arg5: memref<256xi32, #tpu.memory_space<vmem>>, %arg6: memref<16x32x128xf32, #tpu.memory_space<vmem>>, %arg7: memref<32x256xf32, #tpu.memory_space<vmem>>, %arg8: memref<!tpu.dma_semaphore, #tpu.memory_space<semaphore_mem>>, %arg9: memref<!tpu.dma_semaphore, #tpu.memory_space<semaphore_mem>>) attributes {dimension_semantics = [#tpu.dimension_semantics<core_parallel>, #tpu.dimension_semantics<subcore_parallel>], iteration_bounds = array<i64: 2, 16>, scalar_prefetch = 0 : i64, scratch_operands = 5 : i64, tpu.core_type = #tpu.core_type<sc_vector_subcore>, window_params = [{transform_indices = #map}, {transform_indices = #map1}, {transform_indices = #map}]} {
    %mul3A = arith.constant 2 : i32
    %mul3A_0 = arith.muli %arg1, %mul3A : i32
    %add3A = arith.addi %mul3A_0, %arg0 : i32
    %mul3A_1 = arith.constant 256 : i32
    %mul3A_2 = arith.muli %add3A, %mul3A_1 : i32
    "tpu.region"() ({
      %run_scoped3A = tpu.sem_alloc : memref<!tpu.dma_semaphore, #tpu.memory_space<semaphore_mem>>
      %dma_start3A_165 = tpu.memref_slice %arg3[%mul3A_2] : memref<8192xi32, #tpu.memory_space<hbm>> -> memref<256xi32, #tpu.memory_space<hbm>>
      %dma_start3A_166 = tpu.memref_slice %arg3[%mul3A_2] : memref<8192xi32, #tpu.memory_space<hbm>> -> memref<256xi32, #tpu.memory_space<hbm>>
      tpu.enqueue_dma source(%dma_start3A_166 : memref<256xi32, #tpu.memory_space<hbm>>) target(%arg5 : memref<256xi32, #tpu.memory_space<vmem>>) target_semaphore(%run_scoped3A : memref<!tpu.dma_semaphore, #tpu.memory_space<semaphore_mem>>)
      %dma_wait3A = tpu.memref_slice %arg3[%mul3A_2] : memref<8192xi32, #tpu.memory_space<hbm>> -> memref<256xi32, #tpu.memory_space<hbm>>
      %dma_wait3A_167 = tpu.memref_slice %arg3[%mul3A_2] : memref<8192xi32, #tpu.memory_space<hbm>> -> memref<256xi32, #tpu.memory_space<hbm>>
      tpu.wait_dma2 semaphore(%run_scoped3A : memref<!tpu.dma_semaphore, #tpu.memory_space<semaphore_mem>>) src(%dma_wait3A_167 : memref<256xi32, #tpu.memory_space<hbm>>) dst(%arg5 : memref<256xi32, #tpu.memory_space<vmem>>)
      tpu.yield
    }) : () -> ()
    %iota3A = tpu.iota {dimensions = array<i32: 0>} : vector<16xi32>
    %add3A_3 = arith.constant 16 : i32
    %add3A_4 = vector.broadcast %add3A_3 : i32 to vector<16xi32>
    %add3A_5 = arith.addi %iota3A, %add3A_4 : vector<16xi32>
    %get3A = arith.constant 0 : index
    %get3A_6 = tpu.vector_load %arg5[%get3A] {strides = array<i32>} : memref<256xi32, #tpu.memory_space<vmem>>, vector<16xi32>,
    %slice3A = vector.extract_strided_slice %get3A_6 {offsets = [0], sizes = [1], strides = [1]} : vector<16xi32> to vector<1xi32>
    %squeeze3A = vector.extract %slice3A[0] : i32 from vector<1xi32>
    %shift_right_arithmetic3A = arith.constant 7 : i32
    %shift_right_arithmetic3A_7 = arith.shrsi %squeeze3A, %shift_right_arithmetic3A : i32
    %shift_left3A = arith.constant 7 : i32
    %shift_left3A_8 = arith.shli %shift_right_arithmetic3A_7, %shift_left3A : i32
    %multiple_of3A = tpu.assume_multiple %shift_left3A_8, 128 : i32
    %dma_start3A = arith.constant 0 : i32
    %dma_start3A_9 = arith.constant 0 : i32
    %dma_start3A_10 = arith.constant 0 : i32
    %dma_start3A_11 = tpu.memref_slice %arg6[%dma_start3A, %dma_start3A_9, %dma_start3A_10] : memref<16x32x128xf32, #tpu.memory_space<vmem>> -> memref<1x32x128xf32, #tpu.memory_space<vmem>>
    %dma_start3A_12 = tpu.memref_squeeze %dma_start3A_11 : memref<1x32x128xf32, #tpu.memory_space<vmem>> -> memref<32x128xf32, #tpu.memory_space<vmem>>
    %dma_start3A_13 = arith.constant 0 : i32
    %dma_start3A_14 = tpu.memref_slice %arg2[%dma_start3A_13, %multiple_of3A] : memref<32x1000000xf32, #tpu.memory_space<hbm>> -> memref<32x128xf32, #tpu.memory_space<hbm>>
    %dma_start3A_15 = arith.constant 0 : i32
    %dma_start3A_16 = arith.constant 0 : i32
    %dma_start3A_17 = tpu.memref_slice %arg6[%dma_start3A, %dma_start3A_15, %dma_start3A_16] : memref<16x32x128xf32, #tpu.memory_space<vmem>> -> memref<1x32x128xf32, #tpu.memory_space<vmem>>
    %dma_start3A_18 = tpu.memref_squeeze %dma_start3A_17 : memref<1x32x128xf32, #tpu.memory_space<vmem>> -> memref<32x128xf32, #tpu.memory_space<vmem>>
    %dma_start3A_19 = arith.constant 0 : i32
    %dma_start3A_20 = tpu.memref_slice %arg2[%dma_start3A_19, %multiple_of3A] : memref<32x1000000xf32, #tpu.memory_space<hbm>> -> memref<32x128xf32, #tpu.memory_space<hbm>>
    tpu.enqueue_dma source(%dma_start3A_20 : memref<32x128xf32, #tpu.memory_space<hbm>>) target(%dma_start3A_18 : memref<32x128xf32, #tpu.memory_space<vmem>>) target_semaphore(%arg8 : memref<!tpu.dma_semaphore, #tpu.memory_space<semaphore_mem>>)
    %slice3A_21 = vector.extract_strided_slice %get3A_6 {offsets = [1], sizes = [1], strides = [1]} : vector<16xi32> to vector<1xi32>
    %squeeze3A_22 = vector.extract %slice3A_21[0] : i32 from vector<1xi32>
    %shift_right_arithmetic3A_23 = arith.constant 7 : i32
    %shift_right_arithmetic3A_24 = arith.shrsi %squeeze3A_22, %shift_right_arithmetic3A_23 : i32
    %shift_left3A_25 = arith.constant 7 : i32
    %shift_left3A_26 = arith.shli %shift_right_arithmetic3A_24, %shift_left3A_25 : i32
    %multiple_of3A_27 = tpu.assume_multiple %shift_left3A_26, 128 : i32
    %dma_start3A_28 = arith.constant 1 : i32
    %dma_start3A_29 = arith.constant 0 : i32
    %dma_start3A_30 = arith.constant 0 : i32
    %dma_start3A_31 = tpu.memref_slice %arg6[%dma_start3A_28, %dma_start3A_29, %dma_start3A_30] : memref<16x32x128xf32, #tpu.memory_space<vmem>> -> memref<1x32x128xf32, #tpu.memory_space<vmem>>
    %dma_start3A_32 = tpu.memref_squeeze %dma_start3A_31 : memref<1x32x128xf32, #tpu.memory_space<vmem>> -> memref<32x128xf32, #tpu.memory_space<vmem>>
    %dma_start3A_33 = arith.constant 0 : i32
    %dma_start3A_34 = tpu.memref_slice %arg2[%dma_start3A_33, %multiple_of3A_27] : memref<32x1000000xf32, #tpu.memory_space<hbm>> -> memref<32x128xf32, #tpu.memory_space<hbm>>
    %dma_start3A_35 = arith.constant 0 : i32
    %dma_start3A_36 = arith.constant 0 : i32
    %dma_start3A_37 = tpu.memref_slice %arg6[%dma_start3A_28, %dma_start3A_35, %dma_start3A_36] : memref<16x32x128xf32, #tpu.memory_space<vmem>> -> memref<1x32x128xf32, #tpu.memory_space<vmem>>
    %dma_start3A_38 = tpu.memref_squeeze %dma_start3A_37 : memref<1x32x128xf32, #tpu.memory_space<vmem>> -> memref<32x128xf32, #tpu.memory_space<vmem>>
    %dma_start3A_39 = arith.constant 0 : i32
    %dma_start3A_40 = tpu.memref_slice %arg2[%dma_start3A_39, %multiple_of3A_27] : memref<32x1000000xf32, #tpu.memory_space<hbm>> -> memref<32x128xf32, #tpu.memory_space<hbm>>
    tpu.enqueue_dma source(%dma_start3A_40 : memref<32x128xf32, #tpu.memory_space<hbm>>) target(%dma_start3A_38 : memref<32x128xf32, #tpu.memory_space<vmem>>) target_semaphore(%arg8 : memref<!tpu.dma_semaphore, #tpu.memory_space<semaphore_mem>>)
    %slice3A_41 = vector.extract_strided_slice %get3A_6 {offsets = [2], sizes = [1], strides = [1]} : vector<16xi32> to vector<1xi32>
    %squeeze3A_42 = vector.extract %slice3A_41[0] : i32 from vector<1xi32>
    %shift_right_arithmetic3A_43 = arith.constant 7 : i32
    %shift_right_arithmetic3A_44 = arith.shrsi %squeeze3A_42, %shift_right_arithmetic3A_43 : i32
    %shift_left3A_45 = arith.constant 7 : i32
    %shift_left3A_46 = arith.shli %shift_right_arithmetic3A_44, %shift_left3A_45 : i32
    %multiple_of3A_47 = tpu.assume_multiple %shift_left3A_46, 128 : i32
    %dma_start3A_48 = arith.constant 2 : i32
    %dma_start3A_49 = arith.constant 0 : i32
    %dma_start3A_50 = arith.constant 0 : i32
    %dma_start3A_51 = tpu.memref_slice %arg6[%dma_start3A_48, %dma_start3A_49, %dma_start3A_50] : memref<16x32x128xf32, #tpu.memory_space<vmem>> -> memref<1x32x128xf32, #tpu.memory_space<vmem>>
    %dma_start3A_52 = tpu.memref_squeeze %dma_start3A_51 : memref<1x32x128xf32, #tpu.memory_space<vmem>> -> memref<32x128xf32, #tpu.memory_space<vmem>>
    %dma_start3A_53 = arith.constant 0 : i32
    %dma_start3A_54 = tpu.memref_slice %arg2[%dma_start3A_53, %multiple_of3A_47] : memref<32x1000000xf32, #tpu.memory_space<hbm>> -> memref<32x128xf32, #tpu.memory_space<hbm>>
    %dma_start3A_55 = arith.constant 0 : i32
    %dma_start3A_56 = arith.constant 0 : i32
    %dma_start3A_57 = tpu.memref_slice %arg6[%dma_start3A_48, %dma_start3A_55, %dma_start3A_56] : memref<16x32x128xf32, #tpu.memory_space<vmem>> -> memref<1x32x128xf32, #tpu.memory_space<vmem>>
    %dma_start3A_58 = tpu.memref_squeeze %dma_start3A_57 : memref<1x32x128xf32, #tpu.memory_space<vmem>> -> memref<32x128xf32, #tpu.memory_space<vmem>>
    %dma_start3A_59 = arith.constant 0 : i32
    %dma_start3A_60 = tpu.memref_slice %arg2[%dma_start3A_59, %multiple_of3A_47] : memref<32x1000000xf32, #tpu.memory_space<hbm>> -> memref<32x128xf32, #tpu.memory_space<hbm>>
    tpu.enqueue_dma source(%dma_start3A_60 : memref<32x128xf32, #tpu.memory_space<hbm>>) target(%dma_start3A_58 : memref<32x128xf32, #tpu.memory_space<vmem>>) target_semaphore(%arg8 : memref<!tpu.dma_semaphore, #tpu.memory_space<semaphore_mem>>)
    %slice3A_61 = vector.extract_strided_slice %get3A_6 {offsets = [3], sizes = [1], strides = [1]} : vector<16xi32> to vector<1xi32>
    %squeeze3A_62 = vector.extract %slice3A_61[0] : i32 from vector<1xi32>
    %shift_right_arithmetic3A_63 = arith.constant 7 : i32
    %shift_right_arithmetic3A_64 = arith.shrsi %squeeze3A_62, %shift_right_arithmetic3A_63 : i32
    %shift_left3A_65 = arith.constant 7 : i32
    %shift_left3A_66 = arith.shli %shift_right_arithmetic3A_64, %shift_left3A_65 : i32
    %multiple_of3A_67 = tpu.assume_multiple %shift_left3A_66, 128 : i32
    %dma_start3A_68 = arith.constant 3 : i32
    %dma_start3A_69 = arith.constant 0 : i32
    %dma_start3A_70 = arith.constant 0 : i32
    %dma_start3A_71 = tpu.memref_slice %arg6[%dma_start3A_68, %dma_start3A_69, %dma_start3A_70] : memref<16x32x128xf32, #tpu.memory_space<vmem>> -> memref<1x32x128xf32, #tpu.memory_space<vmem>>
    %dma_start3A_72 = tpu.memref_squeeze %dma_start3A_71 : memref<1x32x128xf32, #tpu.memory_space<vmem>> -> memref<32x128xf32, #tpu.memory_space<vmem>>
    %dma_start3A_73 = arith.constant 0 : i32
    %dma_start3A_74 = tpu.memref_slice %arg2[%dma_start3A_73, %multiple_of3A_67] : memref<32x1000000xf32, #tpu.memory_space<hbm>> -> memref<32x128xf32, #tpu.memory_space<hbm>>
    %dma_start3A_75 = arith.constant 0 : i32
    %dma_start3A_76 = arith.constant 0 : i32
    %dma_start3A_77 = tpu.memref_slice %arg6[%dma_start3A_68, %dma_start3A_75, %dma_start3A_76] : memref<16x32x128xf32, #tpu.memory_space<vmem>> -> memref<1x32x128xf32, #tpu.memory_space<vmem>>
    %dma_start3A_78 = tpu.memref_squeeze %dma_start3A_77 : memref<1x32x128xf32, #tpu.memory_space<vmem>> -> memref<32x128xf32, #tpu.memory_space<vmem>>
    %dma_start3A_79 = arith.constant 0 : i32
    %dma_start3A_80 = tpu.memref_slice %arg2[%dma_start3A_79, %multiple_of3A_67] : memref<32x1000000xf32, #tpu.memory_space<hbm>> -> memref<32x128xf32, #tpu.memory_space<hbm>>
    tpu.enqueue_dma source(%dma_start3A_80 : memref<32x128xf32, #tpu.memory_space<hbm>>) target(%dma_start3A_78 : memref<32x128xf32, #tpu.memory_space<vmem>>) target_semaphore(%arg8 : memref<!tpu.dma_semaphore, #tpu.memory_space<semaphore_mem>>)
    %slice3A_81 = vector.extract_strided_slice %get3A_6 {offsets = [4], sizes = [1], strides = [1]} : vector<16xi32> to vector<1xi32>
    %squeeze3A_82 = vector.extract %slice3A_81[0] : i32 from vector<1xi32>
    %shift_right_arithmetic3A_83 = arith.constant 7 : i32
    %shift_right_arithmetic3A_84 = arith.shrsi %squeeze3A_82, %shift_right_arithmetic3A_83 : i32
    %shift_left3A_85 = arith.constant 7 : i32
    %shift_left3A_86 = arith.shli %shift_right_arithmetic3A_84, %shift_left3A_85 : i32
    %multiple_of3A_87 = tpu.assume_multiple %shift_left3A_86, 128 : i32
    %dma_start3A_88 = arith.constant 4 : i32
    %dma_start3A_89 = arith.constant 0 : i32
    %dma_start3A_90 = arith.constant 0 : i32
    %dma_start3A_91 = tpu.memref_slice %arg6[%dma_start3A_88, %dma_start3A_89, %dma_start3A_90] : memref<16x32x128xf32, #tpu.memory_space<vmem>> -> memref<1x32x128xf32, #tpu.memory_space<vmem>>
    %dma_start3A_92 = tpu.memref_squeeze %dma_start3A_91 : memref<1x32x128xf32, #tpu.memory_space<vmem>> -> memref<32x128xf32, #tpu.memory_space<vmem>>
    %dma_start3A_93 = arith.constant 0 : i32
    %dma_start3A_94 = tpu.memref_slice %arg2[%dma_start3A_93, %multiple_of3A_87] : memref<32x1000000xf32, #tpu.memory_space<hbm>> -> memref<32x128xf32, #tpu.memory_space<hbm>>
    %dma_start3A_95 = arith.constant 0 : i32
    %dma_start3A_96 = arith.constant 0 : i32
    %dma_start3A_97 = tpu.memref_slice %arg6[%dma_start3A_88, %dma_start3A_95, %dma_start3A_96] : memref<16x32x128xf32, #tpu.memory_space<vmem>> -> memref<1x32x128xf32, #tpu.memory_space<vmem>>
    %dma_start3A_98 = tpu.memref_squeeze %dma_start3A_97 : memref<1x32x128xf32, #tpu.memory_space<vmem>> -> memref<32x128xf32, #tpu.memory_space<vmem>>
    %dma_start3A_99 = arith.constant 0 : i32
    %dma_start3A_100 = tpu.memref_slice %arg2[%dma_start3A_99, %multiple_of3A_87] : memref<32x1000000xf32, #tpu.memory_space<hbm>> -> memref<32x128xf32, #tpu.memory_space<hbm>>
    tpu.enqueue_dma source(%dma_start3A_100 : memref<32x128xf32, #tpu.memory_space<hbm>>) target(%dma_start3A_98 : memref<32x128xf32, #tpu.memory_space<vmem>>) target_semaphore(%arg8 : memref<!tpu.dma_semaphore, #tpu.memory_space<semaphore_mem>>)
    %slice3A_101 = vector.extract_strided_slice %get3A_6 {offsets = [5], sizes = [1], strides = [1]} : vector<16xi32> to vector<1xi32>
    %squeeze3A_102 = vector.extract %slice3A_101[0] : i32 from vector<1xi32>
    %shift_right_arithmetic3A_103 = arith.constant 7 : i32
    %shift_right_arithmetic3A_104 = arith.shrsi %squeeze3A_102, %shift_right_arithmetic3A_103 : i32
    %shift_left3A_105 = arith.constant 7 : i32
    %shift_left3A_106 = arith.shli %shift_right_arithmetic3A_104, %shift_left3A_105 : i32
    %multiple_of3A_107 = tpu.assume_multiple %shift_left3A_106, 128 : i32
    %dma_start3A_108 = arith.constant 5 : i32
    %dma_start3A_109 = arith.constant 0 : i32
    %dma_start3A_110 = arith.constant 0 : i32
    %dma_start3A_111 = tpu.memref_slice %arg6[%dma_start3A_108, %dma_start3A_109, %dma_start3A_110] : memref<16x32x128xf32, #tpu.memory_space<vmem>> -> memref<1x32x128xf32, #tpu.memory_space<vmem>>
    %dma_start3A_112 = tpu.memref_squeeze %dma_start3A_111 : memref<1x32x128xf32, #tpu.memory_space<vmem>> -> memref<32x128xf32, #tpu.memory_space<vmem>>
    %dma_start3A_113 = arith.constant 0 : i32
    %dma_start3A_114 = tpu.memref_slice %arg2[%dma_start3A_113, %multiple_of3A_107] : memref<32x1000000xf32, #tpu.memory_space<hbm>> -> memref<32x128xf32, #tpu.memory_space<hbm>>
    %dma_start3A_115 = arith.constant 0 : i32
    %dma_start3A_116 = arith.constant 0 : i32
    %dma_start3A_117 = tpu.memref_slice %arg6[%dma_start3A_108, %dma_start3A_115, %dma_start3A_116] : memref<16x32x128xf32, #tpu.memory_space<vmem>> -> memref<1x32x128xf32, #tpu.memory_space<vmem>>
    %dma_start3A_118 = tpu.memref_squeeze %dma_start3A_117 : memref<1x32x128xf32, #tpu.memory_space<vmem>> -> memref<32x128xf32, #tpu.memory_space<vmem>>
    %dma_start3A_119 = arith.constant 0 : i32
    %dma_start3A_120 = tpu.memref_slice %arg2[%dma_start3A_119, %multiple_of3A_107] : memref<32x1000000xf32, #tpu.memory_space<hbm>> -> memref<32x128xf32, #tpu.memory_space<hbm>>
    tpu.enqueue_dma source(%dma_start3A_120 : memref<32x128xf32, #tpu.memory_space<hbm>>) target(%dma_start3A_118 : memref<32x128xf32, #tpu.memory_space<vmem>>) target_semaphore(%arg8 : memref<!tpu.dma_semaphore, #tpu.memory_space<semaphore_mem>>)
    %slice3A_121 = vector.extract_strided_slice %get3A_6 {offsets = [6], sizes = [1], strides = [1]} : vector<16xi32> to vector<1xi32>
    %squeeze3A_122 = vector.extract %slice3A_121[0] : i32 from vector<1xi32>
    %shift_right_arithmetic3A_123 = arith.constant 7 : i32
    %shift_right_arithmetic3A_124 = arith.shrsi %squeeze3A_122, %shift_right_arithmetic3A_123 : i32
    %shift_left3A_125 = arith.constant 7 : i32
    %shift_left3A_126 = arith.shli %shift_right_arithmetic3A_124, %shift_left3A_125 : i32
    %multiple_of3A_127 = tpu.assume_multiple %shift_left3A_126, 128 : i32
    %dma_start3A_128 = arith.constant 6 : i32
    %dma_start3A_129 = arith.constant 0 : i32
    %dma_start3A_130 = arith.constant 0 : i32
    %dma_start3A_131 = tpu.memref_slice %arg6[%dma_start3A_128, %dma_start3A_129, %dma_start3A_130] : memref<16x32x128xf32, #tpu.memory_space<vmem>> -> memref<1x32x128xf32, #tpu.memory_space<vmem>>
    %dma_start3A_132 = tpu.memref_squeeze %dma_start3A_131 : memref<1x32x128xf32, #tpu.memory_space<vmem>> -> memref<32x128xf32, #tpu.memory_space<vmem>>
    %dma_start3A_133 = arith.constant 0 : i32
    %dma_start3A_134 = tpu.memref_slice %arg2[%dma_start3A_133, %multiple_of3A_127] : memref<32x1000000xf32, #tpu.memory_space<hbm>> -> memref<32x128xf32, #tpu.memory_space<hbm>>
    %dma_start3A_135 = arith.constant 0 : i32
    %dma_start3A_136 = arith.constant 0 : i32
    %dma_start3A_137 = tpu.memref_slice %arg6[%dma_start3A_128, %dma_start3A_135, %dma_start3A_136] : memref<16x32x128xf32, #tpu.memory_space<vmem>> -> memref<1x32x128xf32, #tpu.memory_space<vmem>>
    %dma_start3A_138 = tpu.memref_squeeze %dma_start3A_137 : memref<1x32x128xf32, #tpu.memory_space<vmem>> -> memref<32x128xf32, #tpu.memory_space<vmem>>
    %dma_start3A_139 = arith.constant 0 : i32
    %dma_start3A_140 = tpu.memref_slice %arg2[%dma_start3A_139, %multiple_of3A_127] : memref<32x1000000xf32, #tpu.memory_space<hbm>> -> memref<32x128xf32, #tpu.memory_space<hbm>>
    tpu.enqueue_dma source(%dma_start3A_140 : memref<32x128xf32, #tpu.memory_space<hbm>>) target(%dma_start3A_138 : memref<32x128xf32, #tpu.memory_space<vmem>>) target_semaphore(%arg8 : memref<!tpu.dma_semaphore, #tpu.memory_space<semaphore_mem>>)
    %slice3A_141 = vector.extract_strided_slice %get3A_6 {offsets = [7], sizes = [1], strides = [1]} : vector<16xi32> to vector<1xi32>
    %squeeze3A_142 = vector.extract %slice3A_141[0] : i32 from vector<1xi32>
    %shift_right_arithmetic3A_143 = arith.constant 7 : i32
    %shift_right_arithmetic3A_144 = arith.shrsi %squeeze3A_142, %shift_right_arithmetic3A_143 : i32
    %shift_left3A_145 = arith.constant 7 : i32
    %shift_left3A_146 = arith.shli %shift_right_arithmetic3A_144, %shift_left3A_145 : i32
    %multiple_of3A_147 = tpu.assume_multiple %shift_left3A_146, 128 : i32
    %dma_start3A_148 = arith.constant 7 : i32
    %dma_start3A_149 = arith.constant 0 : i32
    %dma_start3A_150 = arith.constant 0 : i32
    %dma_start3A_151 = tpu.memref_slice %arg6[%dma_start3A_148, %dma_start3A_149, %dma_start3A_150] : memref<16x32x128xf32, #tpu.memory_space<vmem>> -> memref<1x32x128xf32, #tpu.memory_space<vmem>>
    %dma_start3A_152 = tpu.memref_squeeze %dma_start3A_151 : memref<1x32x128xf32, #tpu.memory_space<vmem>> -> memref<32x128xf32, #tpu.memory_space<vmem>>
    %dma_start3A_153 = arith.constant 0 : i32
    %dma_start3A_154 = tpu.memref_slice %arg2[%dma_start3A_153, %multiple_of3A_147] : memref<32x1000000xf32, #tpu.memory_space<hbm>> -> memref<32x128xf32, #tpu.memory_space<hbm>>
    %dma_start3A_155 = arith.constant 0 : i32
    %dma_start3A_156 = arith.constant 0 : i32
    %dma_start3A_157 = tpu.memref_slice %arg6[%dma_start3A_148, %dma_start3A_155, %dma_start3A_156] : memref<16x32x128xf32, #tpu.memory_space<vmem>> -> memref<1x32x128xf32, #tpu.memory_space<vmem>>
    %dma_start3A_158 = tpu.memref_squeeze %dma_start3A_157 : memref<1x32x128xf32, #tpu.memory_space<vmem>> -> memref<32x128xf32, #tpu.memory_space<vmem>>
    %dma_start3A_159 = arith.constant 0 : i32
    %dma_start3A_160 = tpu.memref_slice %arg2[%dma_start3A_159, %multiple_of3A_147] : memref<32x1000000xf32, #tpu.memory_space<hbm>> -> memref<32x128xf32, #tpu.memory_space<hbm>>
    tpu.enqueue_dma source(%dma_start3A_160 : memref<32x128xf32, #tpu.memory_space<hbm>>) target(%dma_start3A_158 : memref<32x128xf32, #tpu.memory_space<vmem>>) target_semaphore(%arg8 : memref<!tpu.dma_semaphore, #tpu.memory_space<semaphore_mem>>)
    %scan3A = arith.constant 0 : i32
    %scan3A_161 = arith.constant 16 : i32
    %scan3A_162 = arith.addi %scan3A, %scan3A_161 : i32
    %scan3A_163 = arith.constant 1 : i32
    scf.for %scan3A_165 = %scan3A to %scan3A_162 step %scan3A_163  : i32 {
      %mul3A_166 = arith.constant 16 : i32
      %mul3A_167 = arith.muli %scan3A_165, %mul3A_166 : i32
      %add3A_168 = arith.constant 0 : i32
      %add3A_169 = arith.addi %add3A_168, %mul3A_167 : i32
      %get3A_170 = arith.index_cast %add3A_169 : i32 to index
      %get3A_171 = tpu.vector_load %arg5[%get3A_170] {strides = array<i32>} : memref<256xi32, #tpu.memory_space<vmem>>, vector<16xi32>,
      %slice3A_172 = vector.extract_strided_slice %get3A_171 {offsets = [8], sizes = [1], strides = [1]} : vector<16xi32> to vector<1xi32>
      %squeeze3A_173 = vector.extract %slice3A_172[0] : i32 from vector<1xi32>
      %shift_right_arithmetic3A_174 = arith.constant 7 : i32
      %shift_right_arithmetic3A_175 = arith.shrsi %squeeze3A_173, %shift_right_arithmetic3A_174 : i32
      %shift_left3A_176 = arith.constant 7 : i32
      %shift_left3A_177 = arith.shli %shift_right_arithmetic3A_175, %shift_left3A_176 : i32
      %multiple_of3A_178 = tpu.assume_multiple %shift_left3A_177, 128 : i32
      %dma_start3A_179 = arith.constant 8 : i32
      %dma_start3A_180 = arith.constant 0 : i32
      %dma_start3A_181 = arith.constant 0 : i32
      %dma_start3A_182 = tpu.memref_slice %arg6[%dma_start3A_179, %dma_start3A_180, %dma_start3A_181] : memref<16x32x128xf32, #tpu.memory_space<vmem>> -> memref<1x32x128xf32, #tpu.memory_space<vmem>>
      %dma_start3A_183 = tpu.memref_squeeze %dma_start3A_182 : memref<1x32x128xf32, #tpu.memory_space<vmem>> -> memref<32x128xf32, #tpu.memory_space<vmem>>
      %dma_start3A_184 = arith.constant 0 : i32
      %dma_start3A_185 = tpu.memref_slice %arg2[%dma_start3A_184, %multiple_of3A_178] : memref<32x1000000xf32, #tpu.memory_space<hbm>> -> memref<32x128xf32, #tpu.memory_space<hbm>>
      %dma_start3A_186 = arith.constant 0 : i32
      %dma_start3A_187 = arith.constant 0 : i32
      %dma_start3A_188 = tpu.memref_slice %arg6[%dma_start3A_179, %dma_start3A_186, %dma_start3A_187] : memref<16x32x128xf32, #tpu.memory_space<vmem>> -> memref<1x32x128xf32, #tpu.memory_space<vmem>>
      %dma_start3A_189 = tpu.memref_squeeze %dma_start3A_188 : memref<1x32x128xf32, #tpu.memory_space<vmem>> -> memref<32x128xf32, #tpu.memory_space<vmem>>
      %dma_start3A_190 = arith.constant 0 : i32
      %dma_start3A_191 = tpu.memref_slice %arg2[%dma_start3A_190, %multiple_of3A_178] : memref<32x1000000xf32, #tpu.memory_space<hbm>> -> memref<32x128xf32, #tpu.memory_space<hbm>>
      tpu.enqueue_dma source(%dma_start3A_191 : memref<32x128xf32, #tpu.memory_space<hbm>>) target(%dma_start3A_189 : memref<32x128xf32, #tpu.memory_space<vmem>>) target_semaphore(%arg9 : memref<!tpu.dma_semaphore, #tpu.memory_space<semaphore_mem>>)
      %slice3A_192 = vector.extract_strided_slice %get3A_171 {offsets = [9], sizes = [1], strides = [1]} : vector<16xi32> to vector<1xi32>
      %squeeze3A_193 = vector.extract %slice3A_192[0] : i32 from vector<1xi32>
      %shift_right_arithmetic3A_194 = arith.constant 7 : i32
      %shift_right_arithmetic3A_195 = arith.shrsi %squeeze3A_193, %shift_right_arithmetic3A_194 : i32
      %shift_left3A_196 = arith.constant 7 : i32
      %shift_left3A_197 = arith.shli %shift_right_arithmetic3A_195, %shift_left3A_196 : i32
      %multiple_of3A_198 = tpu.assume_multiple %shift_left3A_197, 128 : i32
      %dma_start3A_199 = arith.constant 9 : i32
      %dma_start3A_200 = arith.constant 0 : i32
      %dma_start3A_201 = arith.constant 0 : i32
      %dma_start3A_202 = tpu.memref_slice %arg6[%dma_start3A_199, %dma_start3A_200, %dma_start3A_201] : memref<16x32x128xf32, #tpu.memory_space<vmem>> -> memref<1x32x128xf32, #tpu.memory_space<vmem>>
      %dma_start3A_203 = tpu.memref_squeeze %dma_start3A_202 : memref<1x32x128xf32, #tpu.memory_space<vmem>> -> memref<32x128xf32, #tpu.memory_space<vmem>>
      %dma_start3A_204 = arith.constant 0 : i32
      %dma_start3A_205 = tpu.memref_slice %arg2[%dma_start3A_204, %multiple_of3A_198] : memref<32x1000000xf32, #tpu.memory_space<hbm>> -> memref<32x128xf32, #tpu.memory_space<hbm>>
      %dma_start3A_206 = arith.constant 0 : i32
      %dma_start3A_207 = arith.constant 0 : i32
      %dma_start3A_208 = tpu.memref_slice %arg6[%dma_start3A_199, %dma_start3A_206, %dma_start3A_207] : memref<16x32x128xf32, #tpu.memory_space<vmem>> -> memref<1x32x128xf32, #tpu.memory_space<vmem>>
      %dma_start3A_209 = tpu.memref_squeeze %dma_start3A_208 : memref<1x32x128xf32, #tpu.memory_space<vmem>> -> memref<32x128xf32, #tpu.memory_space<vmem>>
      %dma_start3A_210 = arith.constant 0 : i32
      %dma_start3A_211 = tpu.memref_slice %arg2[%dma_start3A_210, %multiple_of3A_198] : memref<32x1000000xf32, #tpu.memory_space<hbm>> -> memref<32x128xf32, #tpu.memory_space<hbm>>
      tpu.enqueue_dma source(%dma_start3A_211 : memref<32x128xf32, #tpu.memory_space<hbm>>) target(%dma_start3A_209 : memref<32x128xf32, #tpu.memory_space<vmem>>) target_semaphore(%arg9 : memref<!tpu.dma_semaphore, #tpu.memory_space<semaphore_mem>>)
      %slice3A_212 = vector.extract_strided_slice %get3A_171 {offsets = [10], sizes = [1], strides = [1]} : vector<16xi32> to vector<1xi32>
      %squeeze3A_213 = vector.extract %slice3A_212[0] : i32 from vector<1xi32>
      %shift_right_arithmetic3A_214 = arith.constant 7 : i32
      %shift_right_arithmetic3A_215 = arith.shrsi %squeeze3A_213, %shift_right_arithmetic3A_214 : i32
      %shift_left3A_216 = arith.constant 7 : i32
      %shift_left3A_217 = arith.shli %shift_right_arithmetic3A_215, %shift_left3A_216 : i32
      %multiple_of3A_218 = tpu.assume_multiple %shift_left3A_217, 128 : i32
      %dma_start3A_219 = arith.constant 10 : i32
      %dma_start3A_220 = arith.constant 0 : i32
      %dma_start3A_221 = arith.constant 0 : i32
      %dma_start3A_222 = tpu.memref_slice %arg6[%dma_start3A_219, %dma_start3A_220, %dma_start3A_221] : memref<16x32x128xf32, #tpu.memory_space<vmem>> -> memref<1x32x128xf32, #tpu.memory_space<vmem>>
      %dma_start3A_223 = tpu.memref_squeeze %dma_start3A_222 : memref<1x32x128xf32, #tpu.memory_space<vmem>> -> memref<32x128xf32, #tpu.memory_space<vmem>>
      %dma_start3A_224 = arith.constant 0 : i32
      %dma_start3A_225 = tpu.memref_slice %arg2[%dma_start3A_224, %multiple_of3A_218] : memref<32x1000000xf32, #tpu.memory_space<hbm>> -> memref<32x128xf32, #tpu.memory_space<hbm>>
      %dma_start3A_226 = arith.constant 0 : i32
      %dma_start3A_227 = arith.constant 0 : i32
      %dma_start3A_228 = tpu.memref_slice %arg6[%dma_start3A_219, %dma_start3A_226, %dma_start3A_227] : memref<16x32x128xf32, #tpu.memory_space<vmem>> -> memref<1x32x128xf32, #tpu.memory_space<vmem>>
      %dma_start3A_229 = tpu.memref_squeeze %dma_start3A_228 : memref<1x32x128xf32, #tpu.memory_space<vmem>> -> memref<32x128xf32, #tpu.memory_space<vmem>>
      %dma_start3A_230 = arith.constant 0 : i32
      %dma_start3A_231 = tpu.memref_slice %arg2[%dma_start3A_230, %multiple_of3A_218] : memref<32x1000000xf32, #tpu.memory_space<hbm>> -> memref<32x128xf32, #tpu.memory_space<hbm>>
      tpu.enqueue_dma source(%dma_start3A_231 : memref<32x128xf32, #tpu.memory_space<hbm>>) target(%dma_start3A_229 : memref<32x128xf32, #tpu.memory_space<vmem>>) target_semaphore(%arg9 : memref<!tpu.dma_semaphore, #tpu.memory_space<semaphore_mem>>)
      %slice3A_232 = vector.extract_strided_slice %get3A_171 {offsets = [11], sizes = [1], strides = [1]} : vector<16xi32> to vector<1xi32>
      %squeeze3A_233 = vector.extract %slice3A_232[0] : i32 from vector<1xi32>
      %shift_right_arithmetic3A_234 = arith.constant 7 : i32
      %shift_right_arithmetic3A_235 = arith.shrsi %squeeze3A_233, %shift_right_arithmetic3A_234 : i32
      %shift_left3A_236 = arith.constant 7 : i32
      %shift_left3A_237 = arith.shli %shift_right_arithmetic3A_235, %shift_left3A_236 : i32
      %multiple_of3A_238 = tpu.assume_multiple %shift_left3A_237, 128 : i32
      %dma_start3A_239 = arith.constant 11 : i32
      %dma_start3A_240 = arith.constant 0 : i32
      %dma_start3A_241 = arith.constant 0 : i32
      %dma_start3A_242 = tpu.memref_slice %arg6[%dma_start3A_239, %dma_start3A_240, %dma_start3A_241] : memref<16x32x128xf32, #tpu.memory_space<vmem>> -> memref<1x32x128xf32, #tpu.memory_space<vmem>>
      %dma_start3A_243 = tpu.memref_squeeze %dma_start3A_242 : memref<1x32x128xf32, #tpu.memory_space<vmem>> -> memref<32x128xf32, #tpu.memory_space<vmem>>
      %dma_start3A_244 = arith.constant 0 : i32
      %dma_start3A_245 = tpu.memref_slice %arg2[%dma_start3A_244, %multiple_of3A_238] : memref<32x1000000xf32, #tpu.memory_space<hbm>> -> memref<32x128xf32, #tpu.memory_space<hbm>>
      %dma_start3A_246 = arith.constant 0 : i32
      %dma_start3A_247 = arith.constant 0 : i32
      %dma_start3A_248 = tpu.memref_slice %arg6[%dma_start3A_239, %dma_start3A_246, %dma_start3A_247] : memref<16x32x128xf32, #tpu.memory_space<vmem>> -> memref<1x32x128xf32, #tpu.memory_space<vmem>>
      %dma_start3A_249 = tpu.memref_squeeze %dma_start3A_248 : memref<1x32x128xf32, #tpu.memory_space<vmem>> -> memref<32x128xf32, #tpu.memory_space<vmem>>
      %dma_start3A_250 = arith.constant 0 : i32
      %dma_start3A_251 = tpu.memref_slice %arg2[%dma_start3A_250, %multiple_of3A_238] : memref<32x1000000xf32, #tpu.memory_space<hbm>> -> memref<32x128xf32, #tpu.memory_space<hbm>>
      tpu.enqueue_dma source(%dma_start3A_251 : memref<32x128xf32, #tpu.memory_space<hbm>>) target(%dma_start3A_249 : memref<32x128xf32, #tpu.memory_space<vmem>>) target_semaphore(%arg9 : memref<!tpu.dma_semaphore, #tpu.memory_space<semaphore_mem>>)
      %slice3A_252 = vector.extract_strided_slice %get3A_171 {offsets = [12], sizes = [1], strides = [1]} : vector<16xi32> to vector<1xi32>
      %squeeze3A_253 = vector.extract %slice3A_252[0] : i32 from vector<1xi32>
      %shift_right_arithmetic3A_254 = arith.constant 7 : i32
      %shift_right_arithmetic3A_255 = arith.shrsi %squeeze3A_253, %shift_right_arithmetic3A_254 : i32
      %shift_left3A_256 = arith.constant 7 : i32
      %shift_left3A_257 = arith.shli %shift_right_arithmetic3A_255, %shift_left3A_256 : i32
      %multiple_of3A_258 = tpu.assume_multiple %shift_left3A_257, 128 : i32
      %dma_start3A_259 = arith.constant 12 : i32
      %dma_start3A_260 = arith.constant 0 : i32
      %dma_start3A_261 = arith.constant 0 : i32
      %dma_start3A_262 = tpu.memref_slice %arg6[%dma_start3A_259, %dma_start3A_260, %dma_start3A_261] : memref<16x32x128xf32, #tpu.memory_space<vmem>> -> memref<1x32x128xf32, #tpu.memory_space<vmem>>
      %dma_start3A_263 = tpu.memref_squeeze %dma_start3A_262 : memref<1x32x128xf32, #tpu.memory_space<vmem>> -> memref<32x128xf32, #tpu.memory_space<vmem>>
      %dma_start3A_264 = arith.constant 0 : i32
      %dma_start3A_265 = tpu.memref_slice %arg2[%dma_start3A_264, %multiple_of3A_258] : memref<32x1000000xf32, #tpu.memory_space<hbm>> -> memref<32x128xf32, #tpu.memory_space<hbm>>
      %dma_start3A_266 = arith.constant 0 : i32
      %dma_start3A_267 = arith.constant 0 : i32
      %dma_start3A_268 = tpu.memref_slice %arg6[%dma_start3A_259, %dma_start3A_266, %dma_start3A_267] : memref<16x32x128xf32, #tpu.memory_space<vmem>> -> memref<1x32x128xf32, #tpu.memory_space<vmem>>
      %dma_start3A_269 = tpu.memref_squeeze %dma_start3A_268 : memref<1x32x128xf32, #tpu.memory_space<vmem>> -> memref<32x128xf32, #tpu.memory_space<vmem>>
      %dma_start3A_270 = arith.constant 0 : i32
      %dma_start3A_271 = tpu.memref_slice %arg2[%dma_start3A_270, %multiple_of3A_258] : memref<32x1000000xf32, #tpu.memory_space<hbm>> -> memref<32x128xf32, #tpu.memory_space<hbm>>
      tpu.enqueue_dma source(%dma_start3A_271 : memref<32x128xf32, #tpu.memory_space<hbm>>) target(%dma_start3A_269 : memref<32x128xf32, #tpu.memory_space<vmem>>) target_semaphore(%arg9 : memref<!tpu.dma_semaphore, #tpu.memory_space<semaphore_mem>>)
      %slice3A_272 = vector.extract_strided_slice %get3A_171 {offsets = [13], sizes = [1], strides = [1]} : vector<16xi32> to vector<1xi32>
      %squeeze3A_273 = vector.extract %slice3A_272[0] : i32 from vector<1xi32>
      %shift_right_arithmetic3A_274 = arith.constant 7 : i32
      %shift_right_arithmetic3A_275 = arith.shrsi %squeeze3A_273, %shift_right_arithmetic3A_274 : i32
      %shift_left3A_276 = arith.constant 7 : i32
      %shift_left3A_277 = arith.shli %shift_right_arithmetic3A_275, %shift_left3A_276 : i32
      %multiple_of3A_278 = tpu.assume_multiple %shift_left3A_277, 128 : i32
      %dma_start3A_279 = arith.constant 13 : i32
      %dma_start3A_280 = arith.constant 0 : i32
      %dma_start3A_281 = arith.constant 0 : i32
      %dma_start3A_282 = tpu.memref_slice %arg6[%dma_start3A_279, %dma_start3A_280, %dma_start3A_281] : memref<16x32x128xf32, #tpu.memory_space<vmem>> -> memref<1x32x128xf32, #tpu.memory_space<vmem>>
      %dma_start3A_283 = tpu.memref_squeeze %dma_start3A_282 : memref<1x32x128xf32, #tpu.memory_space<vmem>> -> memref<32x128xf32, #tpu.memory_space<vmem>>
      %dma_start3A_284 = arith.constant 0 : i32
      %dma_start3A_285 = tpu.memref_slice %arg2[%dma_start3A_284, %multiple_of3A_278] : memref<32x1000000xf32, #tpu.memory_space<hbm>> -> memref<32x128xf32, #tpu.memory_space<hbm>>
      %dma_start3A_286 = arith.constant 0 : i32
      %dma_start3A_287 = arith.constant 0 : i32
      %dma_start3A_288 = tpu.memref_slice %arg6[%dma_start3A_279, %dma_start3A_286, %dma_start3A_287] : memref<16x32x128xf32, #tpu.memory_space<vmem>> -> memref<1x32x128xf32, #tpu.memory_space<vmem>>
      %dma_start3A_289 = tpu.memref_squeeze %dma_start3A_288 : memref<1x32x128xf32, #tpu.memory_space<vmem>> -> memref<32x128xf32, #tpu.memory_space<vmem>>
      %dma_start3A_290 = arith.constant 0 : i32
      %dma_start3A_291 = tpu.memref_slice %arg2[%dma_start3A_290, %multiple_of3A_278] : memref<32x1000000xf32, #tpu.memory_space<hbm>> -> memref<32x128xf32, #tpu.memory_space<hbm>>
      tpu.enqueue_dma source(%dma_start3A_291 : memref<32x128xf32, #tpu.memory_space<hbm>>) target(%dma_start3A_289 : memref<32x128xf32, #tpu.memory_space<vmem>>) target_semaphore(%arg9 : memref<!tpu.dma_semaphore, #tpu.memory_space<semaphore_mem>>)
      %slice3A_292 = vector.extract_strided_slice %get3A_171 {offsets = [14], sizes = [1], strides = [1]} : vector<16xi32> to vector<1xi32>
      %squeeze3A_293 = vector.extract %slice3A_292[0] : i32 from vector<1xi32>
      %shift_right_arithmetic3A_294 = arith.constant 7 : i32
      %shift_right_arithmetic3A_295 = arith.shrsi %squeeze3A_293, %shift_right_arithmetic3A_294 : i32
      %shift_left3A_296 = arith.constant 7 : i32
      %shift_left3A_297 = arith.shli %shift_right_arithmetic3A_295, %shift_left3A_296 : i32
      %multiple_of3A_298 = tpu.assume_multiple %shift_left3A_297, 128 : i32
      %dma_start3A_299 = arith.constant 14 : i32
      %dma_start3A_300 = arith.constant 0 : i32
      %dma_start3A_301 = arith.constant 0 : i32
      %dma_start3A_302 = tpu.memref_slice %arg6[%dma_start3A_299, %dma_start3A_300, %dma_start3A_301] : memref<16x32x128xf32, #tpu.memory_space<vmem>> -> memref<1x32x128xf32, #tpu.memory_space<vmem>>
      %dma_start3A_303 = tpu.memref_squeeze %dma_start3A_302 : memref<1x32x128xf32, #tpu.memory_space<vmem>> -> memref<32x128xf32, #tpu.memory_space<vmem>>
      %dma_start3A_304 = arith.constant 0 : i32
      %dma_start3A_305 = tpu.memref_slice %arg2[%dma_start3A_304, %multiple_of3A_298] : memref<32x1000000xf32, #tpu.memory_space<hbm>> -> memref<32x128xf32, #tpu.memory_space<hbm>>
      %dma_start3A_306 = arith.constant 0 : i32
      %dma_start3A_307 = arith.constant 0 : i32
      %dma_start3A_308 = tpu.memref_slice %arg6[%dma_start3A_299, %dma_start3A_306, %dma_start3A_307] : memref<16x32x128xf32, #tpu.memory_space<vmem>> -> memref<1x32x128xf32, #tpu.memory_space<vmem>>
      %dma_start3A_309 = tpu.memref_squeeze %dma_start3A_308 : memref<1x32x128xf32, #tpu.memory_space<vmem>> -> memref<32x128xf32, #tpu.memory_space<vmem>>
      %dma_start3A_310 = arith.constant 0 : i32
      %dma_start3A_311 = tpu.memref_slice %arg2[%dma_start3A_310, %multiple_of3A_298] : memref<32x1000000xf32, #tpu.memory_space<hbm>> -> memref<32x128xf32, #tpu.memory_space<hbm>>
      tpu.enqueue_dma source(%dma_start3A_311 : memref<32x128xf32, #tpu.memory_space<hbm>>) target(%dma_start3A_309 : memref<32x128xf32, #tpu.memory_space<vmem>>) target_semaphore(%arg9 : memref<!tpu.dma_semaphore, #tpu.memory_space<semaphore_mem>>)
      %slice3A_312 = vector.extract_strided_slice %get3A_171 {offsets = [15], sizes = [1], strides = [1]} : vector<16xi32> to vector<1xi32>
      %squeeze3A_313 = vector.extract %slice3A_312[0] : i32 from vector<1xi32>
      %shift_right_arithmetic3A_314 = arith.constant 7 : i32
      %shift_right_arithmetic3A_315 = arith.shrsi %squeeze3A_313, %shift_right_arithmetic3A_314 : i32
      %shift_left3A_316 = arith.constant 7 : i32
      %shift_left3A_317 = arith.shli %shift_right_arithmetic3A_315, %shift_left3A_316 : i32
      %multiple_of3A_318 = tpu.assume_multiple %shift_left3A_317, 128 : i32
      %dma_start3A_319 = arith.constant 15 : i32
      %dma_start3A_320 = arith.constant 0 : i32
      %dma_start3A_321 = arith.constant 0 : i32
      %dma_start3A_322 = tpu.memref_slice %arg6[%dma_start3A_319, %dma_start3A_320, %dma_start3A_321] : memref<16x32x128xf32, #tpu.memory_space<vmem>> -> memref<1x32x128xf32, #tpu.memory_space<vmem>>
      %dma_start3A_323 = tpu.memref_squeeze %dma_start3A_322 : memref<1x32x128xf32, #tpu.memory_space<vmem>> -> memref<32x128xf32, #tpu.memory_space<vmem>>
      %dma_start3A_324 = arith.constant 0 : i32
      %dma_start3A_325 = tpu.memref_slice %arg2[%dma_start3A_324, %multiple_of3A_318] : memref<32x1000000xf32, #tpu.memory_space<hbm>> -> memref<32x128xf32, #tpu.memory_space<hbm>>
      %dma_start3A_326 = arith.constant 0 : i32
      %dma_start3A_327 = arith.constant 0 : i32
      %dma_start3A_328 = tpu.memref_slice %arg6[%dma_start3A_319, %dma_start3A_326, %dma_start3A_327] : memref<16x32x128xf32, #tpu.memory_space<vmem>> -> memref<1x32x128xf32, #tpu.memory_space<vmem>>
      %dma_start3A_329 = tpu.memref_squeeze %dma_start3A_328 : memref<1x32x128xf32, #tpu.memory_space<vmem>> -> memref<32x128xf32, #tpu.memory_space<vmem>>
      %dma_start3A_330 = arith.constant 0 : i32
      %dma_start3A_331 = tpu.memref_slice %arg2[%dma_start3A_330, %multiple_of3A_318] : memref<32x1000000xf32, #tpu.memory_space<hbm>> -> memref<32x128xf32, #tpu.memory_space<hbm>>
      tpu.enqueue_dma source(%dma_start3A_331 : memref<32x128xf32, #tpu.memory_space<hbm>>) target(%dma_start3A_329 : memref<32x128xf32, #tpu.memory_space<vmem>>) target_semaphore(%arg9 : memref<!tpu.dma_semaphore, #tpu.memory_space<semaphore_mem>>)
      %dma_wait3A = arith.constant 0 : i32
      %dma_wait3A_332 = arith.constant 0 : i32
      %dma_wait3A_333 = arith.constant 0 : i32
      %dma_wait3A_334 = tpu.memref_slice %arg6[%dma_wait3A, %dma_wait3A_332, %dma_wait3A_333] : memref<16x32x128xf32, #tpu.memory_space<vmem>> -> memref<1x32x128xf32, #tpu.memory_space<vmem>>
      %dma_wait3A_335 = tpu.memref_squeeze %dma_wait3A_334 : memref<1x32x128xf32, #tpu.memory_space<vmem>> -> memref<32x128xf32, #tpu.memory_space<vmem>>
      %dma_wait3A_336 = arith.constant 0 : i32
      %dma_wait3A_337 = arith.constant 0 : i32
      %dma_wait3A_338 = tpu.memref_slice %arg2[%dma_wait3A_336, %dma_wait3A_337] : memref<32x1000000xf32, #tpu.memory_space<hbm>> -> memref<32x128xf32, #tpu.memory_space<hbm>>
      %dma_wait3A_339 = arith.constant 0 : i32
      %dma_wait3A_340 = arith.constant 0 : i32
      %dma_wait3A_341 = tpu.memref_slice %arg6[%dma_wait3A, %dma_wait3A_339, %dma_wait3A_340] : memref<16x32x128xf32, #tpu.memory_space<vmem>> -> memref<1x32x128xf32, #tpu.memory_space<vmem>>
      %dma_wait3A_342 = tpu.memref_squeeze %dma_wait3A_341 : memref<1x32x128xf32, #tpu.memory_space<vmem>> -> memref<32x128xf32, #tpu.memory_space<vmem>>
      %dma_wait3A_343 = arith.constant 0 : i32
      %dma_wait3A_344 = arith.constant 0 : i32
      %dma_wait3A_345 = tpu.memref_slice %arg2[%dma_wait3A_343, %dma_wait3A_344] : memref<32x1000000xf32, #tpu.memory_space<hbm>> -> memref<32x128xf32, #tpu.memory_space<hbm>>
      tpu.wait_dma2 semaphore(%arg8 : memref<!tpu.dma_semaphore, #tpu.memory_space<semaphore_mem>>) src(%dma_wait3A_345 : memref<32x128xf32, #tpu.memory_space<hbm>>) dst(%dma_wait3A_342 : memref<32x128xf32, #tpu.memory_space<vmem>>)
      %dma_wait3A_346 = arith.constant 1 : i32
      %dma_wait3A_347 = arith.constant 0 : i32
      %dma_wait3A_348 = arith.constant 0 : i32
      %dma_wait3A_349 = tpu.memref_slice %arg6[%dma_wait3A_346, %dma_wait3A_347, %dma_wait3A_348] : memref<16x32x128xf32, #tpu.memory_space<vmem>> -> memref<1x32x128xf32, #tpu.memory_space<vmem>>
      %dma_wait3A_350 = tpu.memref_squeeze %dma_wait3A_349 : memref<1x32x128xf32, #tpu.memory_space<vmem>> -> memref<32x128xf32, #tpu.memory_space<vmem>>
      %dma_wait3A_351 = arith.constant 0 : i32
      %dma_wait3A_352 = arith.constant 0 : i32
      %dma_wait3A_353 = tpu.memref_slice %arg2[%dma_wait3A_351, %dma_wait3A_352] : memref<32x1000000xf32, #tpu.memory_space<hbm>> -> memref<32x128xf32, #tpu.memory_space<hbm>>
      %dma_wait3A_354 = arith.constant 0 : i32
      %dma_wait3A_355 = arith.constant 0 : i32
      %dma_wait3A_356 = tpu.memref_slice %arg6[%dma_wait3A_346, %dma_wait3A_354, %dma_wait3A_355] : memref<16x32x128xf32, #tpu.memory_space<vmem>> -> memref<1x32x128xf32, #tpu.memory_space<vmem>>
      %dma_wait3A_357 = tpu.memref_squeeze %dma_wait3A_356 : memref<1x32x128xf32, #tpu.memory_space<vmem>> -> memref<32x128xf32, #tpu.memory_space<vmem>>
      %dma_wait3A_358 = arith.constant 0 : i32
      %dma_wait3A_359 = arith.constant 0 : i32
      %dma_wait3A_360 = tpu.memref_slice %arg2[%dma_wait3A_358, %dma_wait3A_359] : memref<32x1000000xf32, #tpu.memory_space<hbm>> -> memref<32x128xf32, #tpu.memory_space<hbm>>
      tpu.wait_dma2 semaphore(%arg8 : memref<!tpu.dma_semaphore, #tpu.memory_space<semaphore_mem>>) src(%dma_wait3A_360 : memref<32x128xf32, #tpu.memory_space<hbm>>) dst(%dma_wait3A_357 : memref<32x128xf32, #tpu.memory_space<vmem>>)
      %dma_wait3A_361 = arith.constant 2 : i32
      %dma_wait3A_362 = arith.constant 0 : i32
      %dma_wait3A_363 = arith.constant 0 : i32
      %dma_wait3A_364 = tpu.memref_slice %arg6[%dma_wait3A_361, %dma_wait3A_362, %dma_wait3A_363] : memref<16x32x128xf32, #tpu.memory_space<vmem>> -> memref<1x32x128xf32, #tpu.memory_space<vmem>>
      %dma_wait3A_365 = tpu.memref_squeeze %dma_wait3A_364 : memref<1x32x128xf32, #tpu.memory_space<vmem>> -> memref<32x128xf32, #tpu.memory_space<vmem>>
      %dma_wait3A_366 = arith.constant 0 : i32
      %dma_wait3A_367 = arith.constant 0 : i32
      %dma_wait3A_368 = tpu.memref_slice %arg2[%dma_wait3A_366, %dma_wait3A_367] : memref<32x1000000xf32, #tpu.memory_space<hbm>> -> memref<32x128xf32, #tpu.memory_space<hbm>>
      %dma_wait3A_369 = arith.constant 0 : i32
      %dma_wait3A_370 = arith.constant 0 : i32
      %dma_wait3A_371 = tpu.memref_slice %arg6[%dma_wait3A_361, %dma_wait3A_369, %dma_wait3A_370] : memref<16x32x128xf32, #tpu.memory_space<vmem>> -> memref<1x32x128xf32, #tpu.memory_space<vmem>>
      %dma_wait3A_372 = tpu.memref_squeeze %dma_wait3A_371 : memref<1x32x128xf32, #tpu.memory_space<vmem>> -> memref<32x128xf32, #tpu.memory_space<vmem>>
      %dma_wait3A_373 = arith.constant 0 : i32
      %dma_wait3A_374 = arith.constant 0 : i32
      %dma_wait3A_375 = tpu.memref_slice %arg2[%dma_wait3A_373, %dma_wait3A_374] : memref<32x1000000xf32, #tpu.memory_space<hbm>> -> memref<32x128xf32, #tpu.memory_space<hbm>>
      tpu.wait_dma2 semaphore(%arg8 : memref<!tpu.dma_semaphore, #tpu.memory_space<semaphore_mem>>) src(%dma_wait3A_375 : memref<32x128xf32, #tpu.memory_space<hbm>>) dst(%dma_wait3A_372 : memref<32x128xf32, #tpu.memory_space<vmem>>)
      %dma_wait3A_376 = arith.constant 3 : i32
      %dma_wait3A_377 = arith.constant 0 : i32
      %dma_wait3A_378 = arith.constant 0 : i32
      %dma_wait3A_379 = tpu.memref_slice %arg6[%dma_wait3A_376, %dma_wait3A_377, %dma_wait3A_378] : memref<16x32x128xf32, #tpu.memory_space<vmem>> -> memref<1x32x128xf32, #tpu.memory_space<vmem>>
      %dma_wait3A_380 = tpu.memref_squeeze %dma_wait3A_379 : memref<1x32x128xf32, #tpu.memory_space<vmem>> -> memref<32x128xf32, #tpu.memory_space<vmem>>
      %dma_wait3A_381 = arith.constant 0 : i32
      %dma_wait3A_382 = arith.constant 0 : i32
      %dma_wait3A_383 = tpu.memref_slice %arg2[%dma_wait3A_381, %dma_wait3A_382] : memref<32x1000000xf32, #tpu.memory_space<hbm>> -> memref<32x128xf32, #tpu.memory_space<hbm>>
      %dma_wait3A_384 = arith.constant 0 : i32
      %dma_wait3A_385 = arith.constant 0 : i32
      %dma_wait3A_386 = tpu.memref_slice %arg6[%dma_wait3A_376, %dma_wait3A_384, %dma_wait3A_385] : memref<16x32x128xf32, #tpu.memory_space<vmem>> -> memref<1x32x128xf32, #tpu.memory_space<vmem>>
      %dma_wait3A_387 = tpu.memref_squeeze %dma_wait3A_386 : memref<1x32x128xf32, #tpu.memory_space<vmem>> -> memref<32x128xf32, #tpu.memory_space<vmem>>
      %dma_wait3A_388 = arith.constant 0 : i32
      %dma_wait3A_389 = arith.constant 0 : i32
      %dma_wait3A_390 = tpu.memref_slice %arg2[%dma_wait3A_388, %dma_wait3A_389] : memref<32x1000000xf32, #tpu.memory_space<hbm>> -> memref<32x128xf32, #tpu.memory_space<hbm>>
      tpu.wait_dma2 semaphore(%arg8 : memref<!tpu.dma_semaphore, #tpu.memory_space<semaphore_mem>>) src(%dma_wait3A_390 : memref<32x128xf32, #tpu.memory_space<hbm>>) dst(%dma_wait3A_387 : memref<32x128xf32, #tpu.memory_space<vmem>>)
      %dma_wait3A_391 = arith.constant 4 : i32
      %dma_wait3A_392 = arith.constant 0 : i32
      %dma_wait3A_393 = arith.constant 0 : i32
      %dma_wait3A_394 = tpu.memref_slice %arg6[%dma_wait3A_391, %dma_wait3A_392, %dma_wait3A_393] : memref<16x32x128xf32, #tpu.memory_space<vmem>> -> memref<1x32x128xf32, #tpu.memory_space<vmem>>
      %dma_wait3A_395 = tpu.memref_squeeze %dma_wait3A_394 : memref<1x32x128xf32, #tpu.memory_space<vmem>> -> memref<32x128xf32, #tpu.memory_space<vmem>>
      %dma_wait3A_396 = arith.constant 0 : i32
      %dma_wait3A_397 = arith.constant 0 : i32
      %dma_wait3A_398 = tpu.memref_slice %arg2[%dma_wait3A_396, %dma_wait3A_397] : memref<32x1000000xf32, #tpu.memory_space<hbm>> -> memref<32x128xf32, #tpu.memory_space<hbm>>
      %dma_wait3A_399 = arith.constant 0 : i32
      %dma_wait3A_400 = arith.constant 0 : i32
      %dma_wait3A_401 = tpu.memref_slice %arg6[%dma_wait3A_391, %dma_wait3A_399, %dma_wait3A_400] : memref<16x32x128xf32, #tpu.memory_space<vmem>> -> memref<1x32x128xf32, #tpu.memory_space<vmem>>
      %dma_wait3A_402 = tpu.memref_squeeze %dma_wait3A_401 : memref<1x32x128xf32, #tpu.memory_space<vmem>> -> memref<32x128xf32, #tpu.memory_space<vmem>>
      %dma_wait3A_403 = arith.constant 0 : i32
      %dma_wait3A_404 = arith.constant 0 : i32
      %dma_wait3A_405 = tpu.memref_slice %arg2[%dma_wait3A_403, %dma_wait3A_404] : memref<32x1000000xf32, #tpu.memory_space<hbm>> -> memref<32x128xf32, #tpu.memory_space<hbm>>
      tpu.wait_dma2 semaphore(%arg8 : memref<!tpu.dma_semaphore, #tpu.memory_space<semaphore_mem>>) src(%dma_wait3A_405 : memref<32x128xf32, #tpu.memory_space<hbm>>) dst(%dma_wait3A_402 : memref<32x128xf32, #tpu.memory_space<vmem>>)
      %dma_wait3A_406 = arith.constant 5 : i32
      %dma_wait3A_407 = arith.constant 0 : i32
      %dma_wait3A_408 = arith.constant 0 : i32
      %dma_wait3A_409 = tpu.memref_slice %arg6[%dma_wait3A_406, %dma_wait3A_407, %dma_wait3A_408] : memref<16x32x128xf32, #tpu.memory_space<vmem>> -> memref<1x32x128xf32, #tpu.memory_space<vmem>>
      %dma_wait3A_410 = tpu.memref_squeeze %dma_wait3A_409 : memref<1x32x128xf32, #tpu.memory_space<vmem>> -> memref<32x128xf32, #tpu.memory_space<vmem>>
      %dma_wait3A_411 = arith.constant 0 : i32
      %dma_wait3A_412 = arith.constant 0 : i32
      %dma_wait3A_413 = tpu.memref_slice %arg2[%dma_wait3A_411, %dma_wait3A_412] : memref<32x1000000xf32, #tpu.memory_space<hbm>> -> memref<32x128xf32, #tpu.memory_space<hbm>>
      %dma_wait3A_414 = arith.constant 0 : i32
      %dma_wait3A_415 = arith.constant 0 : i32
      %dma_wait3A_416 = tpu.memref_slice %arg6[%dma_wait3A_406, %dma_wait3A_414, %dma_wait3A_415] : memref<16x32x128xf32, #tpu.memory_space<vmem>> -> memref<1x32x128xf32, #tpu.memory_space<vmem>>
      %dma_wait3A_417 = tpu.memref_squeeze %dma_wait3A_416 : memref<1x32x128xf32, #tpu.memory_space<vmem>> -> memref<32x128xf32, #tpu.memory_space<vmem>>
      %dma_wait3A_418 = arith.constant 0 : i32
      %dma_wait3A_419 = arith.constant 0 : i32
      %dma_wait3A_420 = tpu.memref_slice %arg2[%dma_wait3A_418, %dma_wait3A_419] : memref<32x1000000xf32, #tpu.memory_space<hbm>> -> memref<32x128xf32, #tpu.memory_space<hbm>>
      tpu.wait_dma2 semaphore(%arg8 : memref<!tpu.dma_semaphore, #tpu.memory_space<semaphore_mem>>) src(%dma_wait3A_420 : memref<32x128xf32, #tpu.memory_space<hbm>>) dst(%dma_wait3A_417 : memref<32x128xf32, #tpu.memory_space<vmem>>)
      %dma_wait3A_421 = arith.constant 6 : i32
      %dma_wait3A_422 = arith.constant 0 : i32
      %dma_wait3A_423 = arith.constant 0 : i32
      %dma_wait3A_424 = tpu.memref_slice %arg6[%dma_wait3A_421, %dma_wait3A_422, %dma_wait3A_423] : memref<16x32x128xf32, #tpu.memory_space<vmem>> -> memref<1x32x128xf32, #tpu.memory_space<vmem>>
      %dma_wait3A_425 = tpu.memref_squeeze %dma_wait3A_424 : memref<1x32x128xf32, #tpu.memory_space<vmem>> -> memref<32x128xf32, #tpu.memory_space<vmem>>
      %dma_wait3A_426 = arith.constant 0 : i32
      %dma_wait3A_427 = arith.constant 0 : i32
      %dma_wait3A_428 = tpu.memref_slice %arg2[%dma_wait3A_426, %dma_wait3A_427] : memref<32x1000000xf32, #tpu.memory_space<hbm>> -> memref<32x128xf32, #tpu.memory_space<hbm>>
      %dma_wait3A_429 = arith.constant 0 : i32
      %dma_wait3A_430 = arith.constant 0 : i32
      %dma_wait3A_431 = tpu.memref_slice %arg6[%dma_wait3A_421, %dma_wait3A_429, %dma_wait3A_430] : memref<16x32x128xf32, #tpu.memory_space<vmem>> -> memref<1x32x128xf32, #tpu.memory_space<vmem>>
      %dma_wait3A_432 = tpu.memref_squeeze %dma_wait3A_431 : memref<1x32x128xf32, #tpu.memory_space<vmem>> -> memref<32x128xf32, #tpu.memory_space<vmem>>
      %dma_wait3A_433 = arith.constant 0 : i32
      %dma_wait3A_434 = arith.constant 0 : i32
      %dma_wait3A_435 = tpu.memref_slice %arg2[%dma_wait3A_433, %dma_wait3A_434] : memref<32x1000000xf32, #tpu.memory_space<hbm>> -> memref<32x128xf32, #tpu.memory_space<hbm>>
      tpu.wait_dma2 semaphore(%arg8 : memref<!tpu.dma_semaphore, #tpu.memory_space<semaphore_mem>>) src(%dma_wait3A_435 : memref<32x128xf32, #tpu.memory_space<hbm>>) dst(%dma_wait3A_432 : memref<32x128xf32, #tpu.memory_space<vmem>>)
      %dma_wait3A_436 = arith.constant 7 : i32
      %dma_wait3A_437 = arith.constant 0 : i32
      %dma_wait3A_438 = arith.constant 0 : i32
      %dma_wait3A_439 = tpu.memref_slice %arg6[%dma_wait3A_436, %dma_wait3A_437, %dma_wait3A_438] : memref<16x32x128xf32, #tpu.memory_space<vmem>> -> memref<1x32x128xf32, #tpu.memory_space<vmem>>
      %dma_wait3A_440 = tpu.memref_squeeze %dma_wait3A_439 : memref<1x32x128xf32, #tpu.memory_space<vmem>> -> memref<32x128xf32, #tpu.memory_space<vmem>>
      %dma_wait3A_441 = arith.constant 0 : i32
      %dma_wait3A_442 = arith.constant 0 : i32
      %dma_wait3A_443 = tpu.memref_slice %arg2[%dma_wait3A_441, %dma_wait3A_442] : memref<32x1000000xf32, #tpu.memory_space<hbm>> -> memref<32x128xf32, #tpu.memory_space<hbm>>
      %dma_wait3A_444 = arith.constant 0 : i32
      %dma_wait3A_445 = arith.constant 0 : i32
      %dma_wait3A_446 = tpu.memref_slice %arg6[%dma_wait3A_436, %dma_wait3A_444, %dma_wait3A_445] : memref<16x32x128xf32, #tpu.memory_space<vmem>> -> memref<1x32x128xf32, #tpu.memory_space<vmem>>
      %dma_wait3A_447 = tpu.memref_squeeze %dma_wait3A_446 : memref<1x32x128xf32, #tpu.memory_space<vmem>> -> memref<32x128xf32, #tpu.memory_space<vmem>>
      %dma_wait3A_448 = arith.constant 0 : i32
      %dma_wait3A_449 = arith.constant 0 : i32
      %dma_wait3A_450 = tpu.memref_slice %arg2[%dma_wait3A_448, %dma_wait3A_449] : memref<32x1000000xf32, #tpu.memory_space<hbm>> -> memref<32x128xf32, #tpu.memory_space<hbm>>
      tpu.wait_dma2 semaphore(%arg8 : memref<!tpu.dma_semaphore, #tpu.memory_space<semaphore_mem>>) src(%dma_wait3A_450 : memref<32x128xf32, #tpu.memory_space<hbm>>) dst(%dma_wait3A_447 : memref<32x128xf32, #tpu.memory_space<vmem>>)
      %slice3A_451 = vector.extract_strided_slice %get3A_171 {offsets = [0], sizes = [1], strides = [1]} : vector<16xi32> to vector<1xi32>
      %squeeze3A_452 = vector.extract %slice3A_451[0] : i32 from vector<1xi32>
      %and3A = arith.constant 127 : i32
      %and3A_453 = arith.andi %squeeze3A_452, %and3A : i32
      %broadcast_in_dim3A = arith.constant 0 : i32
      %broadcast_in_dim3A_454 = vector.broadcast %broadcast_in_dim3A : i32 to vector<16xi32>
      %add3A_455 = vector.broadcast %and3A_453 : i32 to vector<16xi32>
      %add3A_456 = arith.addi %broadcast_in_dim3A_454, %add3A_455 : vector<16xi32>
      %broadcast_in_dim3A_457 = arith.constant 0 : i32
      %broadcast_in_dim3A_458 = vector.broadcast %broadcast_in_dim3A_457 : i32 to vector<16xi32>
      %add3A_459 = arith.constant 0 : i32
      %add3A_460 = arith.addi %add3A_169, %add3A_459 : i32
      %add3A_461 = arith.constant 0 : i32
      %add3A_462 = arith.addi %add3A_460, %add3A_461 : i32
      %add3A_463 = vector.broadcast %add3A_462 : i32 to vector<16xi32>
      %add3A_464 = arith.addi %broadcast_in_dim3A_458, %add3A_463 : vector<16xi32>
      %gather3A = arith.constant 0 : i32
      %gather3A_465 = arith.constant 0 : i32
      %gather3A_466 = arith.constant 0 : i32
      %gather3A_467 = tpu.memref_slice %arg6[%gather3A, %gather3A_465, %gather3A_466] : memref<16x32x128xf32, #tpu.memory_space<vmem>> -> memref<1x32x128xf32, #tpu.memory_space<vmem>>
      %gather3A_468 = tpu.memref_squeeze %gather3A_467 : memref<1x32x128xf32, #tpu.memory_space<vmem>> -> memref<32x128xf32, #tpu.memory_space<vmem>>
      %gather3A_469 = tpu.vector_load_idx %gather3A_468[%iota3A, %add3A_456] : memref<32x128xf32, #tpu.memory_space<vmem>>[vector<16xi32>, vector<16xi32>], vector<16xf32>,
      %gather3A_470 = arith.constant 0 : i32
      %gather3A_471 = arith.constant 0 : i32
      %gather3A_472 = arith.constant 0 : i32
      %gather3A_473 = tpu.memref_slice %arg6[%gather3A_470, %gather3A_471, %gather3A_472] : memref<16x32x128xf32, #tpu.memory_space<vmem>> -> memref<1x32x128xf32, #tpu.memory_space<vmem>>
      %gather3A_474 = tpu.memref_squeeze %gather3A_473 : memref<1x32x128xf32, #tpu.memory_space<vmem>> -> memref<32x128xf32, #tpu.memory_space<vmem>>
      %gather3A_475 = tpu.vector_load_idx %gather3A_474[%add3A_5, %add3A_456] : memref<32x128xf32, #tpu.memory_space<vmem>>[vector<16xi32>, vector<16xi32>], vector<16xf32>,
      tpu.vector_store_idx %arg7[%iota3A, %add3A_464], %gather3A_469 : memref<32x256xf32, #tpu.memory_space<vmem>>[vector<16xi32>, vector<16xi32>], vector<16xf32>,
      tpu.vector_store_idx %arg7[%add3A_5, %add3A_464], %gather3A_475 : memref<32x256xf32, #tpu.memory_space<vmem>>[vector<16xi32>, vector<16xi32>], vector<16xf32>,
      %slice3A_476 = vector.extract_strided_slice %get3A_171 {offsets = [1], sizes = [1], strides = [1]} : vector<16xi32> to vector<1xi32>
      %squeeze3A_477 = vector.extract %slice3A_476[0] : i32 from vector<1xi32>
      %and3A_478 = arith.constant 127 : i32
      %and3A_479 = arith.andi %squeeze3A_477, %and3A_478 : i32
      %broadcast_in_dim3A_480 = arith.constant 0 : i32
      %broadcast_in_dim3A_481 = vector.broadcast %broadcast_in_dim3A_480 : i32 to vector<16xi32>
      %add3A_482 = vector.broadcast %and3A_479 : i32 to vector<16xi32>
      %add3A_483 = arith.addi %broadcast_in_dim3A_481, %add3A_482 : vector<16xi32>
      %broadcast_in_dim3A_484 = arith.constant 0 : i32
      %broadcast_in_dim3A_485 = vector.broadcast %broadcast_in_dim3A_484 : i32 to vector<16xi32>
      %add3A_486 = arith.constant 0 : i32
      %add3A_487 = arith.addi %add3A_169, %add3A_486 : i32
      %add3A_488 = arith.constant 1 : i32
      %add3A_489 = arith.addi %add3A_487, %add3A_488 : i32
      %add3A_490 = vector.broadcast %add3A_489 : i32 to vector<16xi32>
      %add3A_491 = arith.addi %broadcast_in_dim3A_485, %add3A_490 : vector<16xi32>
      %gather3A_492 = arith.constant 1 : i32
      %gather3A_493 = arith.constant 0 : i32
      %gather3A_494 = arith.constant 0 : i32
      %gather3A_495 = tpu.memref_slice %arg6[%gather3A_492, %gather3A_493, %gather3A_494] : memref<16x32x128xf32, #tpu.memory_space<vmem>> -> memref<1x32x128xf32, #tpu.memory_space<vmem>>
      %gather3A_496 = tpu.memref_squeeze %gather3A_495 : memref<1x32x128xf32, #tpu.memory_space<vmem>> -> memref<32x128xf32, #tpu.memory_space<vmem>>
      %gather3A_497 = tpu.vector_load_idx %gather3A_496[%iota3A, %add3A_483] : memref<32x128xf32, #tpu.memory_space<vmem>>[vector<16xi32>, vector<16xi32>], vector<16xf32>,
      %gather3A_498 = arith.constant 1 : i32
      %gather3A_499 = arith.constant 0 : i32
      %gather3A_500 = arith.constant 0 : i32
      %gather3A_501 = tpu.memref_slice %arg6[%gather3A_498, %gather3A_499, %gather3A_500] : memref<16x32x128xf32, #tpu.memory_space<vmem>> -> memref<1x32x128xf32, #tpu.memory_space<vmem>>
      %gather3A_502 = tpu.memref_squeeze %gather3A_501 : memref<1x32x128xf32, #tpu.memory_space<vmem>> -> memref<32x128xf32, #tpu.memory_space<vmem>>
      %gather3A_503 = tpu.vector_load_idx %gather3A_502[%add3A_5, %add3A_483] : memref<32x128xf32, #tpu.memory_space<vmem>>[vector<16xi32>, vector<16xi32>], vector<16xf32>,
      tpu.vector_store_idx %arg7[%iota3A, %add3A_491], %gather3A_497 : memref<32x256xf32, #tpu.memory_space<vmem>>[vector<16xi32>, vector<16xi32>], vector<16xf32>,
      tpu.vector_store_idx %arg7[%add3A_5, %add3A_491], %gather3A_503 : memref<32x256xf32, #tpu.memory_space<vmem>>[vector<16xi32>, vector<16xi32>], vector<16xf32>,
      %slice3A_504 = vector.extract_strided_slice %get3A_171 {offsets = [2], sizes = [1], strides = [1]} : vector<16xi32> to vector<1xi32>
      %squeeze3A_505 = vector.extract %slice3A_504[0] : i32 from vector<1xi32>
      %and3A_506 = arith.constant 127 : i32
      %and3A_507 = arith.andi %squeeze3A_505, %and3A_506 : i32
      %broadcast_in_dim3A_508 = arith.constant 0 : i32
      %broadcast_in_dim3A_509 = vector.broadcast %broadcast_in_dim3A_508 : i32 to vector<16xi32>
      %add3A_510 = vector.broadcast %and3A_507 : i32 to vector<16xi32>
      %add3A_511 = arith.addi %broadcast_in_dim3A_509, %add3A_510 : vector<16xi32>
      %broadcast_in_dim3A_512 = arith.constant 0 : i32
      %broadcast_in_dim3A_513 = vector.broadcast %broadcast_in_dim3A_512 : i32 to vector<16xi32>
      %add3A_514 = arith.constant 0 : i32
      %add3A_515 = arith.addi %add3A_169, %add3A_514 : i32
      %add3A_516 = arith.constant 2 : i32
      %add3A_517 = arith.addi %add3A_515, %add3A_516 : i32
      %add3A_518 = vector.broadcast %add3A_517 : i32 to vector<16xi32>
      %add3A_519 = arith.addi %broadcast_in_dim3A_513, %add3A_518 : vector<16xi32>
      %gather3A_520 = arith.constant 2 : i32
      %gather3A_521 = arith.constant 0 : i32
      %gather3A_522 = arith.constant 0 : i32
      %gather3A_523 = tpu.memref_slice %arg6[%gather3A_520, %gather3A_521, %gather3A_522] : memref<16x32x128xf32, #tpu.memory_space<vmem>> -> memref<1x32x128xf32, #tpu.memory_space<vmem>>
      %gather3A_524 = tpu.memref_squeeze %gather3A_523 : memref<1x32x128xf32, #tpu.memory_space<vmem>> -> memref<32x128xf32, #tpu.memory_space<vmem>>
      %gather3A_525 = tpu.vector_load_idx %gather3A_524[%iota3A, %add3A_511] : memref<32x128xf32, #tpu.memory_space<vmem>>[vector<16xi32>, vector<16xi32>], vector<16xf32>,
      %gather3A_526 = arith.constant 2 : i32
      %gather3A_527 = arith.constant 0 : i32
      %gather3A_528 = arith.constant 0 : i32
      %gather3A_529 = tpu.memref_slice %arg6[%gather3A_526, %gather3A_527, %gather3A_528] : memref<16x32x128xf32, #tpu.memory_space<vmem>> -> memref<1x32x128xf32, #tpu.memory_space<vmem>>
      %gather3A_530 = tpu.memref_squeeze %gather3A_529 : memref<1x32x128xf32, #tpu.memory_space<vmem>> -> memref<32x128xf32, #tpu.memory_space<vmem>>
      %gather3A_531 = tpu.vector_load_idx %gather3A_530[%add3A_5, %add3A_511] : memref<32x128xf32, #tpu.memory_space<vmem>>[vector<16xi32>, vector<16xi32>], vector<16xf32>,
      tpu.vector_store_idx %arg7[%iota3A, %add3A_519], %gather3A_525 : memref<32x256xf32, #tpu.memory_space<vmem>>[vector<16xi32>, vector<16xi32>], vector<16xf32>,
      tpu.vector_store_idx %arg7[%add3A_5, %add3A_519], %gather3A_531 : memref<32x256xf32, #tpu.memory_space<vmem>>[vector<16xi32>, vector<16xi32>], vector<16xf32>,
      %slice3A_532 = vector.extract_strided_slice %get3A_171 {offsets = [3], sizes = [1], strides = [1]} : vector<16xi32> to vector<1xi32>
      %squeeze3A_533 = vector.extract %slice3A_532[0] : i32 from vector<1xi32>
      %and3A_534 = arith.constant 127 : i32
      %and3A_535 = arith.andi %squeeze3A_533, %and3A_534 : i32
      %broadcast_in_dim3A_536 = arith.constant 0 : i32
      %broadcast_in_dim3A_537 = vector.broadcast %broadcast_in_dim3A_536 : i32 to vector<16xi32>
      %add3A_538 = vector.broadcast %and3A_535 : i32 to vector<16xi32>
      %add3A_539 = arith.addi %broadcast_in_dim3A_537, %add3A_538 : vector<16xi32>
      %broadcast_in_dim3A_540 = arith.constant 0 : i32
      %broadcast_in_dim3A_541 = vector.broadcast %broadcast_in_dim3A_540 : i32 to vector<16xi32>
      %add3A_542 = arith.constant 0 : i32
      %add3A_543 = arith.addi %add3A_169, %add3A_542 : i32
      %add3A_544 = arith.constant 3 : i32
      %add3A_545 = arith.addi %add3A_543, %add3A_544 : i32
      %add3A_546 = vector.broadcast %add3A_545 : i32 to vector<16xi32>
      %add3A_547 = arith.addi %broadcast_in_dim3A_541, %add3A_546 : vector<16xi32>
      %gather3A_548 = arith.constant 3 : i32
      %gather3A_549 = arith.constant 0 : i32
      %gather3A_550 = arith.constant 0 : i32
      %gather3A_551 = tpu.memref_slice %arg6[%gather3A_548, %gather3A_549, %gather3A_550] : memref<16x32x128xf32, #tpu.memory_space<vmem>> -> memref<1x32x128xf32, #tpu.memory_space<vmem>>
      %gather3A_552 = tpu.memref_squeeze %gather3A_551 : memref<1x32x128xf32, #tpu.memory_space<vmem>> -> memref<32x128xf32, #tpu.memory_space<vmem>>
      %gather3A_553 = tpu.vector_load_idx %gather3A_552[%iota3A, %add3A_539] : memref<32x128xf32, #tpu.memory_space<vmem>>[vector<16xi32>, vector<16xi32>], vector<16xf32>,
      %gather3A_554 = arith.constant 3 : i32
      %gather3A_555 = arith.constant 0 : i32
      %gather3A_556 = arith.constant 0 : i32
      %gather3A_557 = tpu.memref_slice %arg6[%gather3A_554, %gather3A_555, %gather3A_556] : memref<16x32x128xf32, #tpu.memory_space<vmem>> -> memref<1x32x128xf32, #tpu.memory_space<vmem>>
      %gather3A_558 = tpu.memref_squeeze %gather3A_557 : memref<1x32x128xf32, #tpu.memory_space<vmem>> -> memref<32x128xf32, #tpu.memory_space<vmem>>
      %gather3A_559 = tpu.vector_load_idx %gather3A_558[%add3A_5, %add3A_539] : memref<32x128xf32, #tpu.memory_space<vmem>>[vector<16xi32>, vector<16xi32>], vector<16xf32>,
      tpu.vector_store_idx %arg7[%iota3A, %add3A_547], %gather3A_553 : memref<32x256xf32, #tpu.memory_space<vmem>>[vector<16xi32>, vector<16xi32>], vector<16xf32>,
      tpu.vector_store_idx %arg7[%add3A_5, %add3A_547], %gather3A_559 : memref<32x256xf32, #tpu.memory_space<vmem>>[vector<16xi32>, vector<16xi32>], vector<16xf32>,
      %slice3A_560 = vector.extract_strided_slice %get3A_171 {offsets = [4], sizes = [1], strides = [1]} : vector<16xi32> to vector<1xi32>
      %squeeze3A_561 = vector.extract %slice3A_560[0] : i32 from vector<1xi32>
      %and3A_562 = arith.constant 127 : i32
      %and3A_563 = arith.andi %squeeze3A_561, %and3A_562 : i32
      %broadcast_in_dim3A_564 = arith.constant 0 : i32
      %broadcast_in_dim3A_565 = vector.broadcast %broadcast_in_dim3A_564 : i32 to vector<16xi32>
      %add3A_566 = vector.broadcast %and3A_563 : i32 to vector<16xi32>
      %add3A_567 = arith.addi %broadcast_in_dim3A_565, %add3A_566 : vector<16xi32>
      %broadcast_in_dim3A_568 = arith.constant 0 : i32
      %broadcast_in_dim3A_569 = vector.broadcast %broadcast_in_dim3A_568 : i32 to vector<16xi32>
      %add3A_570 = arith.constant 0 : i32
      %add3A_571 = arith.addi %add3A_169, %add3A_570 : i32
      %add3A_572 = arith.constant 4 : i32
      %add3A_573 = arith.addi %add3A_571, %add3A_572 : i32
      %add3A_574 = vector.broadcast %add3A_573 : i32 to vector<16xi32>
      %add3A_575 = arith.addi %broadcast_in_dim3A_569, %add3A_574 : vector<16xi32>
      %gather3A_576 = arith.constant 4 : i32
      %gather3A_577 = arith.constant 0 : i32
      %gather3A_578 = arith.constant 0 : i32
      %gather3A_579 = tpu.memref_slice %arg6[%gather3A_576, %gather3A_577, %gather3A_578] : memref<16x32x128xf32, #tpu.memory_space<vmem>> -> memref<1x32x128xf32, #tpu.memory_space<vmem>>
      %gather3A_580 = tpu.memref_squeeze %gather3A_579 : memref<1x32x128xf32, #tpu.memory_space<vmem>> -> memref<32x128xf32, #tpu.memory_space<vmem>>
      %gather3A_581 = tpu.vector_load_idx %gather3A_580[%iota3A, %add3A_567] : memref<32x128xf32, #tpu.memory_space<vmem>>[vector<16xi32>, vector<16xi32>], vector<16xf32>,
      %gather3A_582 = arith.constant 4 : i32
      %gather3A_583 = arith.constant 0 : i32
      %gather3A_584 = arith.constant 0 : i32
      %gather3A_585 = tpu.memref_slice %arg6[%gather3A_582, %gather3A_583, %gather3A_584] : memref<16x32x128xf32, #tpu.memory_space<vmem>> -> memref<1x32x128xf32, #tpu.memory_space<vmem>>
      %gather3A_586 = tpu.memref_squeeze %gather3A_585 : memref<1x32x128xf32, #tpu.memory_space<vmem>> -> memref<32x128xf32, #tpu.memory_space<vmem>>
      %gather3A_587 = tpu.vector_load_idx %gather3A_586[%add3A_5, %add3A_567] : memref<32x128xf32, #tpu.memory_space<vmem>>[vector<16xi32>, vector<16xi32>], vector<16xf32>,
      tpu.vector_store_idx %arg7[%iota3A, %add3A_575], %gather3A_581 : memref<32x256xf32, #tpu.memory_space<vmem>>[vector<16xi32>, vector<16xi32>], vector<16xf32>,
      tpu.vector_store_idx %arg7[%add3A_5, %add3A_575], %gather3A_587 : memref<32x256xf32, #tpu.memory_space<vmem>>[vector<16xi32>, vector<16xi32>], vector<16xf32>,
      %slice3A_588 = vector.extract_strided_slice %get3A_171 {offsets = [5], sizes = [1], strides = [1]} : vector<16xi32> to vector<1xi32>
      %squeeze3A_589 = vector.extract %slice3A_588[0] : i32 from vector<1xi32>
      %and3A_590 = arith.constant 127 : i32
      %and3A_591 = arith.andi %squeeze3A_589, %and3A_590 : i32
      %broadcast_in_dim3A_592 = arith.constant 0 : i32
      %broadcast_in_dim3A_593 = vector.broadcast %broadcast_in_dim3A_592 : i32 to vector<16xi32>
      %add3A_594 = vector.broadcast %and3A_591 : i32 to vector<16xi32>
      %add3A_595 = arith.addi %broadcast_in_dim3A_593, %add3A_594 : vector<16xi32>
      %broadcast_in_dim3A_596 = arith.constant 0 : i32
      %broadcast_in_dim3A_597 = vector.broadcast %broadcast_in_dim3A_596 : i32 to vector<16xi32>
      %add3A_598 = arith.constant 0 : i32
      %add3A_599 = arith.addi %add3A_169, %add3A_598 : i32
      %add3A_600 = arith.constant 5 : i32
      %add3A_601 = arith.addi %add3A_599, %add3A_600 : i32
      %add3A_602 = vector.broadcast %add3A_601 : i32 to vector<16xi32>
      %add3A_603 = arith.addi %broadcast_in_dim3A_597, %add3A_602 : vector<16xi32>
      %gather3A_604 = arith.constant 5 : i32
      %gather3A_605 = arith.constant 0 : i32
      %gather3A_606 = arith.constant 0 : i32
      %gather3A_607 = tpu.memref_slice %arg6[%gather3A_604, %gather3A_605, %gather3A_606] : memref<16x32x128xf32, #tpu.memory_space<vmem>> -> memref<1x32x128xf32, #tpu.memory_space<vmem>>
      %gather3A_608 = tpu.memref_squeeze %gather3A_607 : memref<1x32x128xf32, #tpu.memory_space<vmem>> -> memref<32x128xf32, #tpu.memory_space<vmem>>
      %gather3A_609 = tpu.vector_load_idx %gather3A_608[%iota3A, %add3A_595] : memref<32x128xf32, #tpu.memory_space<vmem>>[vector<16xi32>, vector<16xi32>], vector<16xf32>,
      %gather3A_610 = arith.constant 5 : i32
      %gather3A_611 = arith.constant 0 : i32
      %gather3A_612 = arith.constant 0 : i32
      %gather3A_613 = tpu.memref_slice %arg6[%gather3A_610, %gather3A_611, %gather3A_612] : memref<16x32x128xf32, #tpu.memory_space<vmem>> -> memref<1x32x128xf32, #tpu.memory_space<vmem>>
      %gather3A_614 = tpu.memref_squeeze %gather3A_613 : memref<1x32x128xf32, #tpu.memory_space<vmem>> -> memref<32x128xf32, #tpu.memory_space<vmem>>
      %gather3A_615 = tpu.vector_load_idx %gather3A_614[%add3A_5, %add3A_595] : memref<32x128xf32, #tpu.memory_space<vmem>>[vector<16xi32>, vector<16xi32>], vector<16xf32>,
      tpu.vector_store_idx %arg7[%iota3A, %add3A_603], %gather3A_609 : memref<32x256xf32, #tpu.memory_space<vmem>>[vector<16xi32>, vector<16xi32>], vector<16xf32>,
      tpu.vector_store_idx %arg7[%add3A_5, %add3A_603], %gather3A_615 : memref<32x256xf32, #tpu.memory_space<vmem>>[vector<16xi32>, vector<16xi32>], vector<16xf32>,
      %slice3A_616 = vector.extract_strided_slice %get3A_171 {offsets = [6], sizes = [1], strides = [1]} : vector<16xi32> to vector<1xi32>
      %squeeze3A_617 = vector.extract %slice3A_616[0] : i32 from vector<1xi32>
      %and3A_618 = arith.constant 127 : i32
      %and3A_619 = arith.andi %squeeze3A_617, %and3A_618 : i32
      %broadcast_in_dim3A_620 = arith.constant 0 : i32
      %broadcast_in_dim3A_621 = vector.broadcast %broadcast_in_dim3A_620 : i32 to vector<16xi32>
      %add3A_622 = vector.broadcast %and3A_619 : i32 to vector<16xi32>
      %add3A_623 = arith.addi %broadcast_in_dim3A_621, %add3A_622 : vector<16xi32>
      %broadcast_in_dim3A_624 = arith.constant 0 : i32
      %broadcast_in_dim3A_625 = vector.broadcast %broadcast_in_dim3A_624 : i32 to vector<16xi32>
      %add3A_626 = arith.constant 0 : i32
      %add3A_627 = arith.addi %add3A_169, %add3A_626 : i32
      %add3A_628 = arith.constant 6 : i32
      %add3A_629 = arith.addi %add3A_627, %add3A_628 : i32
      %add3A_630 = vector.broadcast %add3A_629 : i32 to vector<16xi32>
      %add3A_631 = arith.addi %broadcast_in_dim3A_625, %add3A_630 : vector<16xi32>
      %gather3A_632 = arith.constant 6 : i32
      %gather3A_633 = arith.constant 0 : i32
      %gather3A_634 = arith.constant 0 : i32
      %gather3A_635 = tpu.memref_slice %arg6[%gather3A_632, %gather3A_633, %gather3A_634] : memref<16x32x128xf32, #tpu.memory_space<vmem>> -> memref<1x32x128xf32, #tpu.memory_space<vmem>>
      %gather3A_636 = tpu.memref_squeeze %gather3A_635 : memref<1x32x128xf32, #tpu.memory_space<vmem>> -> memref<32x128xf32, #tpu.memory_space<vmem>>
      %gather3A_637 = tpu.vector_load_idx %gather3A_636[%iota3A, %add3A_623] : memref<32x128xf32, #tpu.memory_space<vmem>>[vector<16xi32>, vector<16xi32>], vector<16xf32>,
      %gather3A_638 = arith.constant 6 : i32
      %gather3A_639 = arith.constant 0 : i32
      %gather3A_640 = arith.constant 0 : i32
      %gather3A_641 = tpu.memref_slice %arg6[%gather3A_638, %gather3A_639, %gather3A_640] : memref<16x32x128xf32, #tpu.memory_space<vmem>> -> memref<1x32x128xf32, #tpu.memory_space<vmem>>
      %gather3A_642 = tpu.memref_squeeze %gather3A_641 : memref<1x32x128xf32, #tpu.memory_space<vmem>> -> memref<32x128xf32, #tpu.memory_space<vmem>>
      %gather3A_643 = tpu.vector_load_idx %gather3A_642[%add3A_5, %add3A_623] : memref<32x128xf32, #tpu.memory_space<vmem>>[vector<16xi32>, vector<16xi32>], vector<16xf32>,
      tpu.vector_store_idx %arg7[%iota3A, %add3A_631], %gather3A_637 : memref<32x256xf32, #tpu.memory_space<vmem>>[vector<16xi32>, vector<16xi32>], vector<16xf32>,
      tpu.vector_store_idx %arg7[%add3A_5, %add3A_631], %gather3A_643 : memref<32x256xf32, #tpu.memory_space<vmem>>[vector<16xi32>, vector<16xi32>], vector<16xf32>,
      %slice3A_644 = vector.extract_strided_slice %get3A_171 {offsets = [7], sizes = [1], strides = [1]} : vector<16xi32> to vector<1xi32>
      %squeeze3A_645 = vector.extract %slice3A_644[0] : i32 from vector<1xi32>
      %and3A_646 = arith.constant 127 : i32
      %and3A_647 = arith.andi %squeeze3A_645, %and3A_646 : i32
      %broadcast_in_dim3A_648 = arith.constant 0 : i32
      %broadcast_in_dim3A_649 = vector.broadcast %broadcast_in_dim3A_648 : i32 to vector<16xi32>
      %add3A_650 = vector.broadcast %and3A_647 : i32 to vector<16xi32>
      %add3A_651 = arith.addi %broadcast_in_dim3A_649, %add3A_650 : vector<16xi32>
      %broadcast_in_dim3A_652 = arith.constant 0 : i32
      %broadcast_in_dim3A_653 = vector.broadcast %broadcast_in_dim3A_652 : i32 to vector<16xi32>
      %add3A_654 = arith.constant 0 : i32
      %add3A_655 = arith.addi %add3A_169, %add3A_654 : i32
      %add3A_656 = arith.constant 7 : i32
      %add3A_657 = arith.addi %add3A_655, %add3A_656 : i32
      %add3A_658 = vector.broadcast %add3A_657 : i32 to vector<16xi32>
      %add3A_659 = arith.addi %broadcast_in_dim3A_653, %add3A_658 : vector<16xi32>
      %gather3A_660 = arith.constant 7 : i32
      %gather3A_661 = arith.constant 0 : i32
      %gather3A_662 = arith.constant 0 : i32
      %gather3A_663 = tpu.memref_slice %arg6[%gather3A_660, %gather3A_661, %gather3A_662] : memref<16x32x128xf32, #tpu.memory_space<vmem>> -> memref<1x32x128xf32, #tpu.memory_space<vmem>>
      %gather3A_664 = tpu.memref_squeeze %gather3A_663 : memref<1x32x128xf32, #tpu.memory_space<vmem>> -> memref<32x128xf32, #tpu.memory_space<vmem>>
      %gather3A_665 = tpu.vector_load_idx %gather3A_664[%iota3A, %add3A_651] : memref<32x128xf32, #tpu.memory_space<vmem>>[vector<16xi32>, vector<16xi32>], vector<16xf32>,
      %gather3A_666 = arith.constant 7 : i32
      %gather3A_667 = arith.constant 0 : i32
      %gather3A_668 = arith.constant 0 : i32
      %gather3A_669 = tpu.memref_slice %arg6[%gather3A_666, %gather3A_667, %gather3A_668] : memref<16x32x128xf32, #tpu.memory_space<vmem>> -> memref<1x32x128xf32, #tpu.memory_space<vmem>>
      %gather3A_670 = tpu.memref_squeeze %gather3A_669 : memref<1x32x128xf32, #tpu.memory_space<vmem>> -> memref<32x128xf32, #tpu.memory_space<vmem>>
      %gather3A_671 = tpu.vector_load_idx %gather3A_670[%add3A_5, %add3A_651] : memref<32x128xf32, #tpu.memory_space<vmem>>[vector<16xi32>, vector<16xi32>], vector<16xf32>,
      tpu.vector_store_idx %arg7[%iota3A, %add3A_659], %gather3A_665 : memref<32x256xf32, #tpu.memory_space<vmem>>[vector<16xi32>, vector<16xi32>], vector<16xf32>,
      tpu.vector_store_idx %arg7[%add3A_5, %add3A_659], %gather3A_671 : memref<32x256xf32, #tpu.memory_space<vmem>>[vector<16xi32>, vector<16xi32>], vector<16xf32>,
      %add3A_672 = arith.constant 16 : i32
      %add3A_673 = arith.addi %add3A_169, %add3A_672 : i32
      %lt3A = arith.constant 256 : i32
      %lt3A_674 = arith.cmpi slt, %add3A_673, %lt3A : i32
      %convert_element_type3A = arith.extui %lt3A_674 : i1 to i32
      %cond3A = arith.constant 0 : i32
      %cond3A_675 = arith.cmpi ne, %convert_element_type3A, %cond3A : i32
      scf.if %cond3A_675 {
        %add3A_1020 = arith.constant 16 : i32
        %add3A_1021 = arith.addi %add3A_169, %add3A_1020 : i32
        %get3A_1022 = arith.index_cast %add3A_1021 : i32 to index
        %get3A_1023 = tpu.vector_load %arg5[%get3A_1022] {strides = array<i32>} : memref<256xi32, #tpu.memory_space<vmem>>, vector<16xi32>,
        %slice3A_1024 = vector.extract_strided_slice %get3A_1023 {offsets = [0], sizes = [1], strides = [1]} : vector<16xi32> to vector<1xi32>
        %squeeze3A_1025 = vector.extract %slice3A_1024[0] : i32 from vector<1xi32>
        %shift_right_arithmetic3A_1026 = arith.constant 7 : i32
        %shift_right_arithmetic3A_1027 = arith.shrsi %squeeze3A_1025, %shift_right_arithmetic3A_1026 : i32
        %shift_left3A_1028 = arith.constant 7 : i32
        %shift_left3A_1029 = arith.shli %shift_right_arithmetic3A_1027, %shift_left3A_1028 : i32
        %multiple_of3A_1030 = tpu.assume_multiple %shift_left3A_1029, 128 : i32
        %dma_start3A_1031 = arith.constant 0 : i32
        %dma_start3A_1032 = arith.constant 0 : i32
        %dma_start3A_1033 = arith.constant 0 : i32
        %dma_start3A_1034 = tpu.memref_slice %arg6[%dma_start3A_1031, %dma_start3A_1032, %dma_start3A_1033] : memref<16x32x128xf32, #tpu.memory_space<vmem>> -> memref<1x32x128xf32, #tpu.memory_space<vmem>>
        %dma_start3A_1035 = tpu.memref_squeeze %dma_start3A_1034 : memref<1x32x128xf32, #tpu.memory_space<vmem>> -> memref<32x128xf32, #tpu.memory_space<vmem>>
        %dma_start3A_1036 = arith.constant 0 : i32
        %dma_start3A_1037 = tpu.memref_slice %arg2[%dma_start3A_1036, %multiple_of3A_1030] : memref<32x1000000xf32, #tpu.memory_space<hbm>> -> memref<32x128xf32, #tpu.memory_space<hbm>>
        %dma_start3A_1038 = arith.constant 0 : i32
        %dma_start3A_1039 = arith.constant 0 : i32
        %dma_start3A_1040 = tpu.memref_slice %arg6[%dma_start3A_1031, %dma_start3A_1038, %dma_start3A_1039] : memref<16x32x128xf32, #tpu.memory_space<vmem>> -> memref<1x32x128xf32, #tpu.memory_space<vmem>>
        %dma_start3A_1041 = tpu.memref_squeeze %dma_start3A_1040 : memref<1x32x128xf32, #tpu.memory_space<vmem>> -> memref<32x128xf32, #tpu.memory_space<vmem>>
        %dma_start3A_1042 = arith.constant 0 : i32
        %dma_start3A_1043 = tpu.memref_slice %arg2[%dma_start3A_1042, %multiple_of3A_1030] : memref<32x1000000xf32, #tpu.memory_space<hbm>> -> memref<32x128xf32, #tpu.memory_space<hbm>>
        tpu.enqueue_dma source(%dma_start3A_1043 : memref<32x128xf32, #tpu.memory_space<hbm>>) target(%dma_start3A_1041 : memref<32x128xf32, #tpu.memory_space<vmem>>) target_semaphore(%arg8 : memref<!tpu.dma_semaphore, #tpu.memory_space<semaphore_mem>>)
        %slice3A_1044 = vector.extract_strided_slice %get3A_1023 {offsets = [1], sizes = [1], strides = [1]} : vector<16xi32> to vector<1xi32>
        %squeeze3A_1045 = vector.extract %slice3A_1044[0] : i32 from vector<1xi32>
        %shift_right_arithmetic3A_1046 = arith.constant 7 : i32
        %shift_right_arithmetic3A_1047 = arith.shrsi %squeeze3A_1045, %shift_right_arithmetic3A_1046 : i32
        %shift_left3A_1048 = arith.constant 7 : i32
        %shift_left3A_1049 = arith.shli %shift_right_arithmetic3A_1047, %shift_left3A_1048 : i32
        %multiple_of3A_1050 = tpu.assume_multiple %shift_left3A_1049, 128 : i32
        %dma_start3A_1051 = arith.constant 1 : i32
        %dma_start3A_1052 = arith.constant 0 : i32
        %dma_start3A_1053 = arith.constant 0 : i32
        %dma_start3A_1054 = tpu.memref_slice %arg6[%dma_start3A_1051, %dma_start3A_1052, %dma_start3A_1053] : memref<16x32x128xf32, #tpu.memory_space<vmem>> -> memref<1x32x128xf32, #tpu.memory_space<vmem>>
        %dma_start3A_1055 = tpu.memref_squeeze %dma_start3A_1054 : memref<1x32x128xf32, #tpu.memory_space<vmem>> -> memref<32x128xf32, #tpu.memory_space<vmem>>
        %dma_start3A_1056 = arith.constant 0 : i32
        %dma_start3A_1057 = tpu.memref_slice %arg2[%dma_start3A_1056, %multiple_of3A_1050] : memref<32x1000000xf32, #tpu.memory_space<hbm>> -> memref<32x128xf32, #tpu.memory_space<hbm>>
        %dma_start3A_1058 = arith.constant 0 : i32
        %dma_start3A_1059 = arith.constant 0 : i32
        %dma_start3A_1060 = tpu.memref_slice %arg6[%dma_start3A_1051, %dma_start3A_1058, %dma_start3A_1059] : memref<16x32x128xf32, #tpu.memory_space<vmem>> -> memref<1x32x128xf32, #tpu.memory_space<vmem>>
        %dma_start3A_1061 = tpu.memref_squeeze %dma_start3A_1060 : memref<1x32x128xf32, #tpu.memory_space<vmem>> -> memref<32x128xf32, #tpu.memory_space<vmem>>
        %dma_start3A_1062 = arith.constant 0 : i32
        %dma_start3A_1063 = tpu.memref_slice %arg2[%dma_start3A_1062, %multiple_of3A_1050] : memref<32x1000000xf32, #tpu.memory_space<hbm>> -> memref<32x128xf32, #tpu.memory_space<hbm>>
        tpu.enqueue_dma source(%dma_start3A_1063 : memref<32x128xf32, #tpu.memory_space<hbm>>) target(%dma_start3A_1061 : memref<32x128xf32, #tpu.memory_space<vmem>>) target_semaphore(%arg8 : memref<!tpu.dma_semaphore, #tpu.memory_space<semaphore_mem>>)
        %slice3A_1064 = vector.extract_strided_slice %get3A_1023 {offsets = [2], sizes = [1], strides = [1]} : vector<16xi32> to vector<1xi32>
        %squeeze3A_1065 = vector.extract %slice3A_1064[0] : i32 from vector<1xi32>
        %shift_right_arithmetic3A_1066 = arith.constant 7 : i32
        %shift_right_arithmetic3A_1067 = arith.shrsi %squeeze3A_1065, %shift_right_arithmetic3A_1066 : i32
        %shift_left3A_1068 = arith.constant 7 : i32
        %shift_left3A_1069 = arith.shli %shift_right_arithmetic3A_1067, %shift_left3A_1068 : i32
        %multiple_of3A_1070 = tpu.assume_multiple %shift_left3A_1069, 128 : i32
        %dma_start3A_1071 = arith.constant 2 : i32
        %dma_start3A_1072 = arith.constant 0 : i32
        %dma_start3A_1073 = arith.constant 0 : i32
        %dma_start3A_1074 = tpu.memref_slice %arg6[%dma_start3A_1071, %dma_start3A_1072, %dma_start3A_1073] : memref<16x32x128xf32, #tpu.memory_space<vmem>> -> memref<1x32x128xf32, #tpu.memory_space<vmem>>
        %dma_start3A_1075 = tpu.memref_squeeze %dma_start3A_1074 : memref<1x32x128xf32, #tpu.memory_space<vmem>> -> memref<32x128xf32, #tpu.memory_space<vmem>>
        %dma_start3A_1076 = arith.constant 0 : i32
        %dma_start3A_1077 = tpu.memref_slice %arg2[%dma_start3A_1076, %multiple_of3A_1070] : memref<32x1000000xf32, #tpu.memory_space<hbm>> -> memref<32x128xf32, #tpu.memory_space<hbm>>
        %dma_start3A_1078 = arith.constant 0 : i32
        %dma_start3A_1079 = arith.constant 0 : i32
        %dma_start3A_1080 = tpu.memref_slice %arg6[%dma_start3A_1071, %dma_start3A_1078, %dma_start3A_1079] : memref<16x32x128xf32, #tpu.memory_space<vmem>> -> memref<1x32x128xf32, #tpu.memory_space<vmem>>
        %dma_start3A_1081 = tpu.memref_squeeze %dma_start3A_1080 : memref<1x32x128xf32, #tpu.memory_space<vmem>> -> memref<32x128xf32, #tpu.memory_space<vmem>>
        %dma_start3A_1082 = arith.constant 0 : i32
        %dma_start3A_1083 = tpu.memref_slice %arg2[%dma_start3A_1082, %multiple_of3A_1070] : memref<32x1000000xf32, #tpu.memory_space<hbm>> -> memref<32x128xf32, #tpu.memory_space<hbm>>
        tpu.enqueue_dma source(%dma_start3A_1083 : memref<32x128xf32, #tpu.memory_space<hbm>>) target(%dma_start3A_1081 : memref<32x128xf32, #tpu.memory_space<vmem>>) target_semaphore(%arg8 : memref<!tpu.dma_semaphore, #tpu.memory_space<semaphore_mem>>)
        %slice3A_1084 = vector.extract_strided_slice %get3A_1023 {offsets = [3], sizes = [1], strides = [1]} : vector<16xi32> to vector<1xi32>
        %squeeze3A_1085 = vector.extract %slice3A_1084[0] : i32 from vector<1xi32>
        %shift_right_arithmetic3A_1086 = arith.constant 7 : i32
        %shift_right_arithmetic3A_1087 = arith.shrsi %squeeze3A_1085, %shift_right_arithmetic3A_1086 : i32
        %shift_left3A_1088 = arith.constant 7 : i32
        %shift_left3A_1089 = arith.shli %shift_right_arithmetic3A_1087, %shift_left3A_1088 : i32
        %multiple_of3A_1090 = tpu.assume_multiple %shift_left3A_1089, 128 : i32
        %dma_start3A_1091 = arith.constant 3 : i32
        %dma_start3A_1092 = arith.constant 0 : i32
        %dma_start3A_1093 = arith.constant 0 : i32
        %dma_start3A_1094 = tpu.memref_slice %arg6[%dma_start3A_1091, %dma_start3A_1092, %dma_start3A_1093] : memref<16x32x128xf32, #tpu.memory_space<vmem>> -> memref<1x32x128xf32, #tpu.memory_space<vmem>>
        %dma_start3A_1095 = tpu.memref_squeeze %dma_start3A_1094 : memref<1x32x128xf32, #tpu.memory_space<vmem>> -> memref<32x128xf32, #tpu.memory_space<vmem>>
        %dma_start3A_1096 = arith.constant 0 : i32
        %dma_start3A_1097 = tpu.memref_slice %arg2[%dma_start3A_1096, %multiple_of3A_1090] : memref<32x1000000xf32, #tpu.memory_space<hbm>> -> memref<32x128xf32, #tpu.memory_space<hbm>>
        %dma_start3A_1098 = arith.constant 0 : i32
        %dma_start3A_1099 = arith.constant 0 : i32
        %dma_start3A_1100 = tpu.memref_slice %arg6[%dma_start3A_1091, %dma_start3A_1098, %dma_start3A_1099] : memref<16x32x128xf32, #tpu.memory_space<vmem>> -> memref<1x32x128xf32, #tpu.memory_space<vmem>>
        %dma_start3A_1101 = tpu.memref_squeeze %dma_start3A_1100 : memref<1x32x128xf32, #tpu.memory_space<vmem>> -> memref<32x128xf32, #tpu.memory_space<vmem>>
        %dma_start3A_1102 = arith.constant 0 : i32
        %dma_start3A_1103 = tpu.memref_slice %arg2[%dma_start3A_1102, %multiple_of3A_1090] : memref<32x1000000xf32, #tpu.memory_space<hbm>> -> memref<32x128xf32, #tpu.memory_space<hbm>>
        tpu.enqueue_dma source(%dma_start3A_1103 : memref<32x128xf32, #tpu.memory_space<hbm>>) target(%dma_start3A_1101 : memref<32x128xf32, #tpu.memory_space<vmem>>) target_semaphore(%arg8 : memref<!tpu.dma_semaphore, #tpu.memory_space<semaphore_mem>>)
        %slice3A_1104 = vector.extract_strided_slice %get3A_1023 {offsets = [4], sizes = [1], strides = [1]} : vector<16xi32> to vector<1xi32>
        %squeeze3A_1105 = vector.extract %slice3A_1104[0] : i32 from vector<1xi32>
        %shift_right_arithmetic3A_1106 = arith.constant 7 : i32
        %shift_right_arithmetic3A_1107 = arith.shrsi %squeeze3A_1105, %shift_right_arithmetic3A_1106 : i32
        %shift_left3A_1108 = arith.constant 7 : i32
        %shift_left3A_1109 = arith.shli %shift_right_arithmetic3A_1107, %shift_left3A_1108 : i32
        %multiple_of3A_1110 = tpu.assume_multiple %shift_left3A_1109, 128 : i32
        %dma_start3A_1111 = arith.constant 4 : i32
        %dma_start3A_1112 = arith.constant 0 : i32
        %dma_start3A_1113 = arith.constant 0 : i32
        %dma_start3A_1114 = tpu.memref_slice %arg6[%dma_start3A_1111, %dma_start3A_1112, %dma_start3A_1113] : memref<16x32x128xf32, #tpu.memory_space<vmem>> -> memref<1x32x128xf32, #tpu.memory_space<vmem>>
        %dma_start3A_1115 = tpu.memref_squeeze %dma_start3A_1114 : memref<1x32x128xf32, #tpu.memory_space<vmem>> -> memref<32x128xf32, #tpu.memory_space<vmem>>
        %dma_start3A_1116 = arith.constant 0 : i32
        %dma_start3A_1117 = tpu.memref_slice %arg2[%dma_start3A_1116, %multiple_of3A_1110] : memref<32x1000000xf32, #tpu.memory_space<hbm>> -> memref<32x128xf32, #tpu.memory_space<hbm>>
        %dma_start3A_1118 = arith.constant 0 : i32
        %dma_start3A_1119 = arith.constant 0 : i32
        %dma_start3A_1120 = tpu.memref_slice %arg6[%dma_start3A_1111, %dma_start3A_1118, %dma_start3A_1119] : memref<16x32x128xf32, #tpu.memory_space<vmem>> -> memref<1x32x128xf32, #tpu.memory_space<vmem>>
        %dma_start3A_1121 = tpu.memref_squeeze %dma_start3A_1120 : memref<1x32x128xf32, #tpu.memory_space<vmem>> -> memref<32x128xf32, #tpu.memory_space<vmem>>
        %dma_start3A_1122 = arith.constant 0 : i32
        %dma_start3A_1123 = tpu.memref_slice %arg2[%dma_start3A_1122, %multiple_of3A_1110] : memref<32x1000000xf32, #tpu.memory_space<hbm>> -> memref<32x128xf32, #tpu.memory_space<hbm>>
        tpu.enqueue_dma source(%dma_start3A_1123 : memref<32x128xf32, #tpu.memory_space<hbm>>) target(%dma_start3A_1121 : memref<32x128xf32, #tpu.memory_space<vmem>>) target_semaphore(%arg8 : memref<!tpu.dma_semaphore, #tpu.memory_space<semaphore_mem>>)
        %slice3A_1124 = vector.extract_strided_slice %get3A_1023 {offsets = [5], sizes = [1], strides = [1]} : vector<16xi32> to vector<1xi32>
        %squeeze3A_1125 = vector.extract %slice3A_1124[0] : i32 from vector<1xi32>
        %shift_right_arithmetic3A_1126 = arith.constant 7 : i32
        %shift_right_arithmetic3A_1127 = arith.shrsi %squeeze3A_1125, %shift_right_arithmetic3A_1126 : i32
        %shift_left3A_1128 = arith.constant 7 : i32
        %shift_left3A_1129 = arith.shli %shift_right_arithmetic3A_1127, %shift_left3A_1128 : i32
        %multiple_of3A_1130 = tpu.assume_multiple %shift_left3A_1129, 128 : i32
        %dma_start3A_1131 = arith.constant 5 : i32
        %dma_start3A_1132 = arith.constant 0 : i32
        %dma_start3A_1133 = arith.constant 0 : i32
        %dma_start3A_1134 = tpu.memref_slice %arg6[%dma_start3A_1131, %dma_start3A_1132, %dma_start3A_1133] : memref<16x32x128xf32, #tpu.memory_space<vmem>> -> memref<1x32x128xf32, #tpu.memory_space<vmem>>
        %dma_start3A_1135 = tpu.memref_squeeze %dma_start3A_1134 : memref<1x32x128xf32, #tpu.memory_space<vmem>> -> memref<32x128xf32, #tpu.memory_space<vmem>>
        %dma_start3A_1136 = arith.constant 0 : i32
        %dma_start3A_1137 = tpu.memref_slice %arg2[%dma_start3A_1136, %multiple_of3A_1130] : memref<32x1000000xf32, #tpu.memory_space<hbm>> -> memref<32x128xf32, #tpu.memory_space<hbm>>
        %dma_start3A_1138 = arith.constant 0 : i32
        %dma_start3A_1139 = arith.constant 0 : i32
        %dma_start3A_1140 = tpu.memref_slice %arg6[%dma_start3A_1131, %dma_start3A_1138, %dma_start3A_1139] : memref<16x32x128xf32, #tpu.memory_space<vmem>> -> memref<1x32x128xf32, #tpu.memory_space<vmem>>
        %dma_start3A_1141 = tpu.memref_squeeze %dma_start3A_1140 : memref<1x32x128xf32, #tpu.memory_space<vmem>> -> memref<32x128xf32, #tpu.memory_space<vmem>>
        %dma_start3A_1142 = arith.constant 0 : i32
        %dma_start3A_1143 = tpu.memref_slice %arg2[%dma_start3A_1142, %multiple_of3A_1130] : memref<32x1000000xf32, #tpu.memory_space<hbm>> -> memref<32x128xf32, #tpu.memory_space<hbm>>
        tpu.enqueue_dma source(%dma_start3A_1143 : memref<32x128xf32, #tpu.memory_space<hbm>>) target(%dma_start3A_1141 : memref<32x128xf32, #tpu.memory_space<vmem>>) target_semaphore(%arg8 : memref<!tpu.dma_semaphore, #tpu.memory_space<semaphore_mem>>)
        %slice3A_1144 = vector.extract_strided_slice %get3A_1023 {offsets = [6], sizes = [1], strides = [1]} : vector<16xi32> to vector<1xi32>
        %squeeze3A_1145 = vector.extract %slice3A_1144[0] : i32 from vector<1xi32>
        %shift_right_arithmetic3A_1146 = arith.constant 7 : i32
        %shift_right_arithmetic3A_1147 = arith.shrsi %squeeze3A_1145, %shift_right_arithmetic3A_1146 : i32
        %shift_left3A_1148 = arith.constant 7 : i32
        %shift_left3A_1149 = arith.shli %shift_right_arithmetic3A_1147, %shift_left3A_1148 : i32
        %multiple_of3A_1150 = tpu.assume_multiple %shift_left3A_1149, 128 : i32
        %dma_start3A_1151 = arith.constant 6 : i32
        %dma_start3A_1152 = arith.constant 0 : i32
        %dma_start3A_1153 = arith.constant 0 : i32
        %dma_start3A_1154 = tpu.memref_slice %arg6[%dma_start3A_1151, %dma_start3A_1152, %dma_start3A_1153] : memref<16x32x128xf32, #tpu.memory_space<vmem>> -> memref<1x32x128xf32, #tpu.memory_space<vmem>>
        %dma_start3A_1155 = tpu.memref_squeeze %dma_start3A_1154 : memref<1x32x128xf32, #tpu.memory_space<vmem>> -> memref<32x128xf32, #tpu.memory_space<vmem>>
        %dma_start3A_1156 = arith.constant 0 : i32
        %dma_start3A_1157 = tpu.memref_slice %arg2[%dma_start3A_1156, %multiple_of3A_1150] : memref<32x1000000xf32, #tpu.memory_space<hbm>> -> memref<32x128xf32, #tpu.memory_space<hbm>>
        %dma_start3A_1158 = arith.constant 0 : i32
        %dma_start3A_1159 = arith.constant 0 : i32
        %dma_start3A_1160 = tpu.memref_slice %arg6[%dma_start3A_1151, %dma_start3A_1158, %dma_start3A_1159] : memref<16x32x128xf32, #tpu.memory_space<vmem>> -> memref<1x32x128xf32, #tpu.memory_space<vmem>>
        %dma_start3A_1161 = tpu.memref_squeeze %dma_start3A_1160 : memref<1x32x128xf32, #tpu.memory_space<vmem>> -> memref<32x128xf32, #tpu.memory_space<vmem>>
        %dma_start3A_1162 = arith.constant 0 : i32
        %dma_start3A_1163 = tpu.memref_slice %arg2[%dma_start3A_1162, %multiple_of3A_1150] : memref<32x1000000xf32, #tpu.memory_space<hbm>> -> memref<32x128xf32, #tpu.memory_space<hbm>>
        tpu.enqueue_dma source(%dma_start3A_1163 : memref<32x128xf32, #tpu.memory_space<hbm>>) target(%dma_start3A_1161 : memref<32x128xf32, #tpu.memory_space<vmem>>) target_semaphore(%arg8 : memref<!tpu.dma_semaphore, #tpu.memory_space<semaphore_mem>>)
        %slice3A_1164 = vector.extract_strided_slice %get3A_1023 {offsets = [7], sizes = [1], strides = [1]} : vector<16xi32> to vector<1xi32>
        %squeeze3A_1165 = vector.extract %slice3A_1164[0] : i32 from vector<1xi32>
        %shift_right_arithmetic3A_1166 = arith.constant 7 : i32
        %shift_right_arithmetic3A_1167 = arith.shrsi %squeeze3A_1165, %shift_right_arithmetic3A_1166 : i32
        %shift_left3A_1168 = arith.constant 7 : i32
        %shift_left3A_1169 = arith.shli %shift_right_arithmetic3A_1167, %shift_left3A_1168 : i32
        %multiple_of3A_1170 = tpu.assume_multiple %shift_left3A_1169, 128 : i32
        %dma_start3A_1171 = arith.constant 7 : i32
        %dma_start3A_1172 = arith.constant 0 : i32
        %dma_start3A_1173 = arith.constant 0 : i32
        %dma_start3A_1174 = tpu.memref_slice %arg6[%dma_start3A_1171, %dma_start3A_1172, %dma_start3A_1173] : memref<16x32x128xf32, #tpu.memory_space<vmem>> -> memref<1x32x128xf32, #tpu.memory_space<vmem>>
        %dma_start3A_1175 = tpu.memref_squeeze %dma_start3A_1174 : memref<1x32x128xf32, #tpu.memory_space<vmem>> -> memref<32x128xf32, #tpu.memory_space<vmem>>
        %dma_start3A_1176 = arith.constant 0 : i32
        %dma_start3A_1177 = tpu.memref_slice %arg2[%dma_start3A_1176, %multiple_of3A_1170] : memref<32x1000000xf32, #tpu.memory_space<hbm>> -> memref<32x128xf32, #tpu.memory_space<hbm>>
        %dma_start3A_1178 = arith.constant 0 : i32
        %dma_start3A_1179 = arith.constant 0 : i32
        %dma_start3A_1180 = tpu.memref_slice %arg6[%dma_start3A_1171, %dma_start3A_1178, %dma_start3A_1179] : memref<16x32x128xf32, #tpu.memory_space<vmem>> -> memref<1x32x128xf32, #tpu.memory_space<vmem>>
        %dma_start3A_1181 = tpu.memref_squeeze %dma_start3A_1180 : memref<1x32x128xf32, #tpu.memory_space<vmem>> -> memref<32x128xf32, #tpu.memory_space<vmem>>
        %dma_start3A_1182 = arith.constant 0 : i32
        %dma_start3A_1183 = tpu.memref_slice %arg2[%dma_start3A_1182, %multiple_of3A_1170] : memref<32x1000000xf32, #tpu.memory_space<hbm>> -> memref<32x128xf32, #tpu.memory_space<hbm>>
        tpu.enqueue_dma source(%dma_start3A_1183 : memref<32x128xf32, #tpu.memory_space<hbm>>) target(%dma_start3A_1181 : memref<32x128xf32, #tpu.memory_space<vmem>>) target_semaphore(%arg8 : memref<!tpu.dma_semaphore, #tpu.memory_space<semaphore_mem>>)
      } else {
      }
      %dma_wait3A_676 = arith.constant 8 : i32
      %dma_wait3A_677 = arith.constant 0 : i32
      %dma_wait3A_678 = arith.constant 0 : i32
      %dma_wait3A_679 = tpu.memref_slice %arg6[%dma_wait3A_676, %dma_wait3A_677, %dma_wait3A_678] : memref<16x32x128xf32, #tpu.memory_space<vmem>> -> memref<1x32x128xf32, #tpu.memory_space<vmem>>
      %dma_wait3A_680 = tpu.memref_squeeze %dma_wait3A_679 : memref<1x32x128xf32, #tpu.memory_space<vmem>> -> memref<32x128xf32, #tpu.memory_space<vmem>>
      %dma_wait3A_681 = arith.constant 0 : i32
      %dma_wait3A_682 = arith.constant 0 : i32
      %dma_wait3A_683 = tpu.memref_slice %arg2[%dma_wait3A_681, %dma_wait3A_682] : memref<32x1000000xf32, #tpu.memory_space<hbm>> -> memref<32x128xf32, #tpu.memory_space<hbm>>
      %dma_wait3A_684 = arith.constant 0 : i32
      %dma_wait3A_685 = arith.constant 0 : i32
      %dma_wait3A_686 = tpu.memref_slice %arg6[%dma_wait3A_676, %dma_wait3A_684, %dma_wait3A_685] : memref<16x32x128xf32, #tpu.memory_space<vmem>> -> memref<1x32x128xf32, #tpu.memory_space<vmem>>
      %dma_wait3A_687 = tpu.memref_squeeze %dma_wait3A_686 : memref<1x32x128xf32, #tpu.memory_space<vmem>> -> memref<32x128xf32, #tpu.memory_space<vmem>>
      %dma_wait3A_688 = arith.constant 0 : i32
      %dma_wait3A_689 = arith.constant 0 : i32
      %dma_wait3A_690 = tpu.memref_slice %arg2[%dma_wait3A_688, %dma_wait3A_689] : memref<32x1000000xf32, #tpu.memory_space<hbm>> -> memref<32x128xf32, #tpu.memory_space<hbm>>
      tpu.wait_dma2 semaphore(%arg9 : memref<!tpu.dma_semaphore, #tpu.memory_space<semaphore_mem>>) src(%dma_wait3A_690 : memref<32x128xf32, #tpu.memory_space<hbm>>) dst(%dma_wait3A_687 : memref<32x128xf32, #tpu.memory_space<vmem>>)
      %dma_wait3A_691 = arith.constant 9 : i32
      %dma_wait3A_692 = arith.constant 0 : i32
      %dma_wait3A_693 = arith.constant 0 : i32
      %dma_wait3A_694 = tpu.memref_slice %arg6[%dma_wait3A_691, %dma_wait3A_692, %dma_wait3A_693] : memref<16x32x128xf32, #tpu.memory_space<vmem>> -> memref<1x32x128xf32, #tpu.memory_space<vmem>>
      %dma_wait3A_695 = tpu.memref_squeeze %dma_wait3A_694 : memref<1x32x128xf32, #tpu.memory_space<vmem>> -> memref<32x128xf32, #tpu.memory_space<vmem>>
      %dma_wait3A_696 = arith.constant 0 : i32
      %dma_wait3A_697 = arith.constant 0 : i32
      %dma_wait3A_698 = tpu.memref_slice %arg2[%dma_wait3A_696, %dma_wait3A_697] : memref<32x1000000xf32, #tpu.memory_space<hbm>> -> memref<32x128xf32, #tpu.memory_space<hbm>>
      %dma_wait3A_699 = arith.constant 0 : i32
      %dma_wait3A_700 = arith.constant 0 : i32
      %dma_wait3A_701 = tpu.memref_slice %arg6[%dma_wait3A_691, %dma_wait3A_699, %dma_wait3A_700] : memref<16x32x128xf32, #tpu.memory_space<vmem>> -> memref<1x32x128xf32, #tpu.memory_space<vmem>>
      %dma_wait3A_702 = tpu.memref_squeeze %dma_wait3A_701 : memref<1x32x128xf32, #tpu.memory_space<vmem>> -> memref<32x128xf32, #tpu.memory_space<vmem>>
      %dma_wait3A_703 = arith.constant 0 : i32
      %dma_wait3A_704 = arith.constant 0 : i32
      %dma_wait3A_705 = tpu.memref_slice %arg2[%dma_wait3A_703, %dma_wait3A_704] : memref<32x1000000xf32, #tpu.memory_space<hbm>> -> memref<32x128xf32, #tpu.memory_space<hbm>>
      tpu.wait_dma2 semaphore(%arg9 : memref<!tpu.dma_semaphore, #tpu.memory_space<semaphore_mem>>) src(%dma_wait3A_705 : memref<32x128xf32, #tpu.memory_space<hbm>>) dst(%dma_wait3A_702 : memref<32x128xf32, #tpu.memory_space<vmem>>)
      %dma_wait3A_706 = arith.constant 10 : i32
      %dma_wait3A_707 = arith.constant 0 : i32
      %dma_wait3A_708 = arith.constant 0 : i32
      %dma_wait3A_709 = tpu.memref_slice %arg6[%dma_wait3A_706, %dma_wait3A_707, %dma_wait3A_708] : memref<16x32x128xf32, #tpu.memory_space<vmem>> -> memref<1x32x128xf32, #tpu.memory_space<vmem>>
      %dma_wait3A_710 = tpu.memref_squeeze %dma_wait3A_709 : memref<1x32x128xf32, #tpu.memory_space<vmem>> -> memref<32x128xf32, #tpu.memory_space<vmem>>
      %dma_wait3A_711 = arith.constant 0 : i32
      %dma_wait3A_712 = arith.constant 0 : i32
      %dma_wait3A_713 = tpu.memref_slice %arg2[%dma_wait3A_711, %dma_wait3A_712] : memref<32x1000000xf32, #tpu.memory_space<hbm>> -> memref<32x128xf32, #tpu.memory_space<hbm>>
      %dma_wait3A_714 = arith.constant 0 : i32
      %dma_wait3A_715 = arith.constant 0 : i32
      %dma_wait3A_716 = tpu.memref_slice %arg6[%dma_wait3A_706, %dma_wait3A_714, %dma_wait3A_715] : memref<16x32x128xf32, #tpu.memory_space<vmem>> -> memref<1x32x128xf32, #tpu.memory_space<vmem>>
      %dma_wait3A_717 = tpu.memref_squeeze %dma_wait3A_716 : memref<1x32x128xf32, #tpu.memory_space<vmem>> -> memref<32x128xf32, #tpu.memory_space<vmem>>
      %dma_wait3A_718 = arith.constant 0 : i32
      %dma_wait3A_719 = arith.constant 0 : i32
      %dma_wait3A_720 = tpu.memref_slice %arg2[%dma_wait3A_718, %dma_wait3A_719] : memref<32x1000000xf32, #tpu.memory_space<hbm>> -> memref<32x128xf32, #tpu.memory_space<hbm>>
      tpu.wait_dma2 semaphore(%arg9 : memref<!tpu.dma_semaphore, #tpu.memory_space<semaphore_mem>>) src(%dma_wait3A_720 : memref<32x128xf32, #tpu.memory_space<hbm>>) dst(%dma_wait3A_717 : memref<32x128xf32, #tpu.memory_space<vmem>>)
      %dma_wait3A_721 = arith.constant 11 : i32
      %dma_wait3A_722 = arith.constant 0 : i32
      %dma_wait3A_723 = arith.constant 0 : i32
      %dma_wait3A_724 = tpu.memref_slice %arg6[%dma_wait3A_721, %dma_wait3A_722, %dma_wait3A_723] : memref<16x32x128xf32, #tpu.memory_space<vmem>> -> memref<1x32x128xf32, #tpu.memory_space<vmem>>
      %dma_wait3A_725 = tpu.memref_squeeze %dma_wait3A_724 : memref<1x32x128xf32, #tpu.memory_space<vmem>> -> memref<32x128xf32, #tpu.memory_space<vmem>>
      %dma_wait3A_726 = arith.constant 0 : i32
      %dma_wait3A_727 = arith.constant 0 : i32
      %dma_wait3A_728 = tpu.memref_slice %arg2[%dma_wait3A_726, %dma_wait3A_727] : memref<32x1000000xf32, #tpu.memory_space<hbm>> -> memref<32x128xf32, #tpu.memory_space<hbm>>
      %dma_wait3A_729 = arith.constant 0 : i32
      %dma_wait3A_730 = arith.constant 0 : i32
      %dma_wait3A_731 = tpu.memref_slice %arg6[%dma_wait3A_721, %dma_wait3A_729, %dma_wait3A_730] : memref<16x32x128xf32, #tpu.memory_space<vmem>> -> memref<1x32x128xf32, #tpu.memory_space<vmem>>
      %dma_wait3A_732 = tpu.memref_squeeze %dma_wait3A_731 : memref<1x32x128xf32, #tpu.memory_space<vmem>> -> memref<32x128xf32, #tpu.memory_space<vmem>>
      %dma_wait3A_733 = arith.constant 0 : i32
      %dma_wait3A_734 = arith.constant 0 : i32
      %dma_wait3A_735 = tpu.memref_slice %arg2[%dma_wait3A_733, %dma_wait3A_734] : memref<32x1000000xf32, #tpu.memory_space<hbm>> -> memref<32x128xf32, #tpu.memory_space<hbm>>
      tpu.wait_dma2 semaphore(%arg9 : memref<!tpu.dma_semaphore, #tpu.memory_space<semaphore_mem>>) src(%dma_wait3A_735 : memref<32x128xf32, #tpu.memory_space<hbm>>) dst(%dma_wait3A_732 : memref<32x128xf32, #tpu.memory_space<vmem>>)
      %dma_wait3A_736 = arith.constant 12 : i32
      %dma_wait3A_737 = arith.constant 0 : i32
      %dma_wait3A_738 = arith.constant 0 : i32
      %dma_wait3A_739 = tpu.memref_slice %arg6[%dma_wait3A_736, %dma_wait3A_737, %dma_wait3A_738] : memref<16x32x128xf32, #tpu.memory_space<vmem>> -> memref<1x32x128xf32, #tpu.memory_space<vmem>>
      %dma_wait3A_740 = tpu.memref_squeeze %dma_wait3A_739 : memref<1x32x128xf32, #tpu.memory_space<vmem>> -> memref<32x128xf32, #tpu.memory_space<vmem>>
      %dma_wait3A_741 = arith.constant 0 : i32
      %dma_wait3A_742 = arith.constant 0 : i32
      %dma_wait3A_743 = tpu.memref_slice %arg2[%dma_wait3A_741, %dma_wait3A_742] : memref<32x1000000xf32, #tpu.memory_space<hbm>> -> memref<32x128xf32, #tpu.memory_space<hbm>>
      %dma_wait3A_744 = arith.constant 0 : i32
      %dma_wait3A_745 = arith.constant 0 : i32
      %dma_wait3A_746 = tpu.memref_slice %arg6[%dma_wait3A_736, %dma_wait3A_744, %dma_wait3A_745] : memref<16x32x128xf32, #tpu.memory_space<vmem>> -> memref<1x32x128xf32, #tpu.memory_space<vmem>>
      %dma_wait3A_747 = tpu.memref_squeeze %dma_wait3A_746 : memref<1x32x128xf32, #tpu.memory_space<vmem>> -> memref<32x128xf32, #tpu.memory_space<vmem>>
      %dma_wait3A_748 = arith.constant 0 : i32
      %dma_wait3A_749 = arith.constant 0 : i32
      %dma_wait3A_750 = tpu.memref_slice %arg2[%dma_wait3A_748, %dma_wait3A_749] : memref<32x1000000xf32, #tpu.memory_space<hbm>> -> memref<32x128xf32, #tpu.memory_space<hbm>>
      tpu.wait_dma2 semaphore(%arg9 : memref<!tpu.dma_semaphore, #tpu.memory_space<semaphore_mem>>) src(%dma_wait3A_750 : memref<32x128xf32, #tpu.memory_space<hbm>>) dst(%dma_wait3A_747 : memref<32x128xf32, #tpu.memory_space<vmem>>)
      %dma_wait3A_751 = arith.constant 13 : i32
      %dma_wait3A_752 = arith.constant 0 : i32
      %dma_wait3A_753 = arith.constant 0 : i32
      %dma_wait3A_754 = tpu.memref_slice %arg6[%dma_wait3A_751, %dma_wait3A_752, %dma_wait3A_753] : memref<16x32x128xf32, #tpu.memory_space<vmem>> -> memref<1x32x128xf32, #tpu.memory_space<vmem>>
      %dma_wait3A_755 = tpu.memref_squeeze %dma_wait3A_754 : memref<1x32x128xf32, #tpu.memory_space<vmem>> -> memref<32x128xf32, #tpu.memory_space<vmem>>
      %dma_wait3A_756 = arith.constant 0 : i32
      %dma_wait3A_757 = arith.constant 0 : i32
      %dma_wait3A_758 = tpu.memref_slice %arg2[%dma_wait3A_756, %dma_wait3A_757] : memref<32x1000000xf32, #tpu.memory_space<hbm>> -> memref<32x128xf32, #tpu.memory_space<hbm>>
      %dma_wait3A_759 = arith.constant 0 : i32
      %dma_wait3A_760 = arith.constant 0 : i32
      %dma_wait3A_761 = tpu.memref_slice %arg6[%dma_wait3A_751, %dma_wait3A_759, %dma_wait3A_760] : memref<16x32x128xf32, #tpu.memory_space<vmem>> -> memref<1x32x128xf32, #tpu.memory_space<vmem>>
      %dma_wait3A_762 = tpu.memref_squeeze %dma_wait3A_761 : memref<1x32x128xf32, #tpu.memory_space<vmem>> -> memref<32x128xf32, #tpu.memory_space<vmem>>
      %dma_wait3A_763 = arith.constant 0 : i32
      %dma_wait3A_764 = arith.constant 0 : i32
      %dma_wait3A_765 = tpu.memref_slice %arg2[%dma_wait3A_763, %dma_wait3A_764] : memref<32x1000000xf32, #tpu.memory_space<hbm>> -> memref<32x128xf32, #tpu.memory_space<hbm>>
      tpu.wait_dma2 semaphore(%arg9 : memref<!tpu.dma_semaphore, #tpu.memory_space<semaphore_mem>>) src(%dma_wait3A_765 : memref<32x128xf32, #tpu.memory_space<hbm>>) dst(%dma_wait3A_762 : memref<32x128xf32, #tpu.memory_space<vmem>>)
      %dma_wait3A_766 = arith.constant 14 : i32
      %dma_wait3A_767 = arith.constant 0 : i32
      %dma_wait3A_768 = arith.constant 0 : i32
      %dma_wait3A_769 = tpu.memref_slice %arg6[%dma_wait3A_766, %dma_wait3A_767, %dma_wait3A_768] : memref<16x32x128xf32, #tpu.memory_space<vmem>> -> memref<1x32x128xf32, #tpu.memory_space<vmem>>
      %dma_wait3A_770 = tpu.memref_squeeze %dma_wait3A_769 : memref<1x32x128xf32, #tpu.memory_space<vmem>> -> memref<32x128xf32, #tpu.memory_space<vmem>>
      %dma_wait3A_771 = arith.constant 0 : i32
      %dma_wait3A_772 = arith.constant 0 : i32
      %dma_wait3A_773 = tpu.memref_slice %arg2[%dma_wait3A_771, %dma_wait3A_772] : memref<32x1000000xf32, #tpu.memory_space<hbm>> -> memref<32x128xf32, #tpu.memory_space<hbm>>
      %dma_wait3A_774 = arith.constant 0 : i32
      %dma_wait3A_775 = arith.constant 0 : i32
      %dma_wait3A_776 = tpu.memref_slice %arg6[%dma_wait3A_766, %dma_wait3A_774, %dma_wait3A_775] : memref<16x32x128xf32, #tpu.memory_space<vmem>> -> memref<1x32x128xf32, #tpu.memory_space<vmem>>
      %dma_wait3A_777 = tpu.memref_squeeze %dma_wait3A_776 : memref<1x32x128xf32, #tpu.memory_space<vmem>> -> memref<32x128xf32, #tpu.memory_space<vmem>>
      %dma_wait3A_778 = arith.constant 0 : i32
      %dma_wait3A_779 = arith.constant 0 : i32
      %dma_wait3A_780 = tpu.memref_slice %arg2[%dma_wait3A_778, %dma_wait3A_779] : memref<32x1000000xf32, #tpu.memory_space<hbm>> -> memref<32x128xf32, #tpu.memory_space<hbm>>
      tpu.wait_dma2 semaphore(%arg9 : memref<!tpu.dma_semaphore, #tpu.memory_space<semaphore_mem>>) src(%dma_wait3A_780 : memref<32x128xf32, #tpu.memory_space<hbm>>) dst(%dma_wait3A_777 : memref<32x128xf32, #tpu.memory_space<vmem>>)
      %dma_wait3A_781 = arith.constant 15 : i32
      %dma_wait3A_782 = arith.constant 0 : i32
      %dma_wait3A_783 = arith.constant 0 : i32
      %dma_wait3A_784 = tpu.memref_slice %arg6[%dma_wait3A_781, %dma_wait3A_782, %dma_wait3A_783] : memref<16x32x128xf32, #tpu.memory_space<vmem>> -> memref<1x32x128xf32, #tpu.memory_space<vmem>>
      %dma_wait3A_785 = tpu.memref_squeeze %dma_wait3A_784 : memref<1x32x128xf32, #tpu.memory_space<vmem>> -> memref<32x128xf32, #tpu.memory_space<vmem>>
      %dma_wait3A_786 = arith.constant 0 : i32
      %dma_wait3A_787 = arith.constant 0 : i32
      %dma_wait3A_788 = tpu.memref_slice %arg2[%dma_wait3A_786, %dma_wait3A_787] : memref<32x1000000xf32, #tpu.memory_space<hbm>> -> memref<32x128xf32, #tpu.memory_space<hbm>>
      %dma_wait3A_789 = arith.constant 0 : i32
      %dma_wait3A_790 = arith.constant 0 : i32
      %dma_wait3A_791 = tpu.memref_slice %arg6[%dma_wait3A_781, %dma_wait3A_789, %dma_wait3A_790] : memref<16x32x128xf32, #tpu.memory_space<vmem>> -> memref<1x32x128xf32, #tpu.memory_space<vmem>>
      %dma_wait3A_792 = tpu.memref_squeeze %dma_wait3A_791 : memref<1x32x128xf32, #tpu.memory_space<vmem>> -> memref<32x128xf32, #tpu.memory_space<vmem>>
      %dma_wait3A_793 = arith.constant 0 : i32
      %dma_wait3A_794 = arith.constant 0 : i32
      %dma_wait3A_795 = tpu.memref_slice %arg2[%dma_wait3A_793, %dma_wait3A_794] : memref<32x1000000xf32, #tpu.memory_space<hbm>> -> memref<32x128xf32, #tpu.memory_space<hbm>>
      tpu.wait_dma2 semaphore(%arg9 : memref<!tpu.dma_semaphore, #tpu.memory_space<semaphore_mem>>) src(%dma_wait3A_795 : memref<32x128xf32, #tpu.memory_space<hbm>>) dst(%dma_wait3A_792 : memref<32x128xf32, #tpu.memory_space<vmem>>)
      %slice3A_796 = vector.extract_strided_slice %get3A_171 {offsets = [8], sizes = [1], strides = [1]} : vector<16xi32> to vector<1xi32>
      %squeeze3A_797 = vector.extract %slice3A_796[0] : i32 from vector<1xi32>
      %and3A_798 = arith.constant 127 : i32
      %and3A_799 = arith.andi %squeeze3A_797, %and3A_798 : i32
      %broadcast_in_dim3A_800 = arith.constant 0 : i32
      %broadcast_in_dim3A_801 = vector.broadcast %broadcast_in_dim3A_800 : i32 to vector<16xi32>
      %add3A_802 = vector.broadcast %and3A_799 : i32 to vector<16xi32>
      %add3A_803 = arith.addi %broadcast_in_dim3A_801, %add3A_802 : vector<16xi32>
      %broadcast_in_dim3A_804 = arith.constant 0 : i32
      %broadcast_in_dim3A_805 = vector.broadcast %broadcast_in_dim3A_804 : i32 to vector<16xi32>
      %add3A_806 = arith.constant 8 : i32
      %add3A_807 = arith.addi %add3A_169, %add3A_806 : i32
      %add3A_808 = arith.constant 0 : i32
      %add3A_809 = arith.addi %add3A_807, %add3A_808 : i32
      %add3A_810 = vector.broadcast %add3A_809 : i32 to vector<16xi32>
      %add3A_811 = arith.addi %broadcast_in_dim3A_805, %add3A_810 : vector<16xi32>
      %gather3A_812 = arith.constant 8 : i32
      %gather3A_813 = arith.constant 0 : i32
      %gather3A_814 = arith.constant 0 : i32
      %gather3A_815 = tpu.memref_slice %arg6[%gather3A_812, %gather3A_813, %gather3A_814] : memref<16x32x128xf32, #tpu.memory_space<vmem>> -> memref<1x32x128xf32, #tpu.memory_space<vmem>>
      %gather3A_816 = tpu.memref_squeeze %gather3A_815 : memref<1x32x128xf32, #tpu.memory_space<vmem>> -> memref<32x128xf32, #tpu.memory_space<vmem>>
      %gather3A_817 = tpu.vector_load_idx %gather3A_816[%iota3A, %add3A_803] : memref<32x128xf32, #tpu.memory_space<vmem>>[vector<16xi32>, vector<16xi32>], vector<16xf32>,
      %gather3A_818 = arith.constant 8 : i32
      %gather3A_819 = arith.constant 0 : i32
      %gather3A_820 = arith.constant 0 : i32
      %gather3A_821 = tpu.memref_slice %arg6[%gather3A_818, %gather3A_819, %gather3A_820] : memref<16x32x128xf32, #tpu.memory_space<vmem>> -> memref<1x32x128xf32, #tpu.memory_space<vmem>>
      %gather3A_822 = tpu.memref_squeeze %gather3A_821 : memref<1x32x128xf32, #tpu.memory_space<vmem>> -> memref<32x128xf32, #tpu.memory_space<vmem>>
      %gather3A_823 = tpu.vector_load_idx %gather3A_822[%add3A_5, %add3A_803] : memref<32x128xf32, #tpu.memory_space<vmem>>[vector<16xi32>, vector<16xi32>], vector<16xf32>,
      tpu.vector_store_idx %arg7[%iota3A, %add3A_811], %gather3A_817 : memref<32x256xf32, #tpu.memory_space<vmem>>[vector<16xi32>, vector<16xi32>], vector<16xf32>,
      tpu.vector_store_idx %arg7[%add3A_5, %add3A_811], %gather3A_823 : memref<32x256xf32, #tpu.memory_space<vmem>>[vector<16xi32>, vector<16xi32>], vector<16xf32>,
      %slice3A_824 = vector.extract_strided_slice %get3A_171 {offsets = [9], sizes = [1], strides = [1]} : vector<16xi32> to vector<1xi32>
      %squeeze3A_825 = vector.extract %slice3A_824[0] : i32 from vector<1xi32>
      %and3A_826 = arith.constant 127 : i32
      %and3A_827 = arith.andi %squeeze3A_825, %and3A_826 : i32
      %broadcast_in_dim3A_828 = arith.constant 0 : i32
      %broadcast_in_dim3A_829 = vector.broadcast %broadcast_in_dim3A_828 : i32 to vector<16xi32>
      %add3A_830 = vector.broadcast %and3A_827 : i32 to vector<16xi32>
      %add3A_831 = arith.addi %broadcast_in_dim3A_829, %add3A_830 : vector<16xi32>
      %broadcast_in_dim3A_832 = arith.constant 0 : i32
      %broadcast_in_dim3A_833 = vector.broadcast %broadcast_in_dim3A_832 : i32 to vector<16xi32>
      %add3A_834 = arith.constant 8 : i32
      %add3A_835 = arith.addi %add3A_169, %add3A_834 : i32
      %add3A_836 = arith.constant 1 : i32
      %add3A_837 = arith.addi %add3A_835, %add3A_836 : i32
      %add3A_838 = vector.broadcast %add3A_837 : i32 to vector<16xi32>
      %add3A_839 = arith.addi %broadcast_in_dim3A_833, %add3A_838 : vector<16xi32>
      %gather3A_840 = arith.constant 9 : i32
      %gather3A_841 = arith.constant 0 : i32
      %gather3A_842 = arith.constant 0 : i32
      %gather3A_843 = tpu.memref_slice %arg6[%gather3A_840, %gather3A_841, %gather3A_842] : memref<16x32x128xf32, #tpu.memory_space<vmem>> -> memref<1x32x128xf32, #tpu.memory_space<vmem>>
      %gather3A_844 = tpu.memref_squeeze %gather3A_843 : memref<1x32x128xf32, #tpu.memory_space<vmem>> -> memref<32x128xf32, #tpu.memory_space<vmem>>
      %gather3A_845 = tpu.vector_load_idx %gather3A_844[%iota3A, %add3A_831] : memref<32x128xf32, #tpu.memory_space<vmem>>[vector<16xi32>, vector<16xi32>], vector<16xf32>,
      %gather3A_846 = arith.constant 9 : i32
      %gather3A_847 = arith.constant 0 : i32
      %gather3A_848 = arith.constant 0 : i32
      %gather3A_849 = tpu.memref_slice %arg6[%gather3A_846, %gather3A_847, %gather3A_848] : memref<16x32x128xf32, #tpu.memory_space<vmem>> -> memref<1x32x128xf32, #tpu.memory_space<vmem>>
      %gather3A_850 = tpu.memref_squeeze %gather3A_849 : memref<1x32x128xf32, #tpu.memory_space<vmem>> -> memref<32x128xf32, #tpu.memory_space<vmem>>
      %gather3A_851 = tpu.vector_load_idx %gather3A_850[%add3A_5, %add3A_831] : memref<32x128xf32, #tpu.memory_space<vmem>>[vector<16xi32>, vector<16xi32>], vector<16xf32>,
      tpu.vector_store_idx %arg7[%iota3A, %add3A_839], %gather3A_845 : memref<32x256xf32, #tpu.memory_space<vmem>>[vector<16xi32>, vector<16xi32>], vector<16xf32>,
      tpu.vector_store_idx %arg7[%add3A_5, %add3A_839], %gather3A_851 : memref<32x256xf32, #tpu.memory_space<vmem>>[vector<16xi32>, vector<16xi32>], vector<16xf32>,
      %slice3A_852 = vector.extract_strided_slice %get3A_171 {offsets = [10], sizes = [1], strides = [1]} : vector<16xi32> to vector<1xi32>
      %squeeze3A_853 = vector.extract %slice3A_852[0] : i32 from vector<1xi32>
      %and3A_854 = arith.constant 127 : i32
      %and3A_855 = arith.andi %squeeze3A_853, %and3A_854 : i32
      %broadcast_in_dim3A_856 = arith.constant 0 : i32
      %broadcast_in_dim3A_857 = vector.broadcast %broadcast_in_dim3A_856 : i32 to vector<16xi32>
      %add3A_858 = vector.broadcast %and3A_855 : i32 to vector<16xi32>
      %add3A_859 = arith.addi %broadcast_in_dim3A_857, %add3A_858 : vector<16xi32>
      %broadcast_in_dim3A_860 = arith.constant 0 : i32
      %broadcast_in_dim3A_861 = vector.broadcast %broadcast_in_dim3A_860 : i32 to vector<16xi32>
      %add3A_862 = arith.constant 8 : i32
      %add3A_863 = arith.addi %add3A_169, %add3A_862 : i32
      %add3A_864 = arith.constant 2 : i32
      %add3A_865 = arith.addi %add3A_863, %add3A_864 : i32
      %add3A_866 = vector.broadcast %add3A_865 : i32 to vector<16xi32>
      %add3A_867 = arith.addi %broadcast_in_dim3A_861, %add3A_866 : vector<16xi32>
      %gather3A_868 = arith.constant 10 : i32
      %gather3A_869 = arith.constant 0 : i32
      %gather3A_870 = arith.constant 0 : i32
      %gather3A_871 = tpu.memref_slice %arg6[%gather3A_868, %gather3A_869, %gather3A_870] : memref<16x32x128xf32, #tpu.memory_space<vmem>> -> memref<1x32x128xf32, #tpu.memory_space<vmem>>
      %gather3A_872 = tpu.memref_squeeze %gather3A_871 : memref<1x32x128xf32, #tpu.memory_space<vmem>> -> memref<32x128xf32, #tpu.memory_space<vmem>>
      %gather3A_873 = tpu.vector_load_idx %gather3A_872[%iota3A, %add3A_859] : memref<32x128xf32, #tpu.memory_space<vmem>>[vector<16xi32>, vector<16xi32>], vector<16xf32>,
      %gather3A_874 = arith.constant 10 : i32
      %gather3A_875 = arith.constant 0 : i32
      %gather3A_876 = arith.constant 0 : i32
      %gather3A_877 = tpu.memref_slice %arg6[%gather3A_874, %gather3A_875, %gather3A_876] : memref<16x32x128xf32, #tpu.memory_space<vmem>> -> memref<1x32x128xf32, #tpu.memory_space<vmem>>
      %gather3A_878 = tpu.memref_squeeze %gather3A_877 : memref<1x32x128xf32, #tpu.memory_space<vmem>> -> memref<32x128xf32, #tpu.memory_space<vmem>>
      %gather3A_879 = tpu.vector_load_idx %gather3A_878[%add3A_5, %add3A_859] : memref<32x128xf32, #tpu.memory_space<vmem>>[vector<16xi32>, vector<16xi32>], vector<16xf32>,
      tpu.vector_store_idx %arg7[%iota3A, %add3A_867], %gather3A_873 : memref<32x256xf32, #tpu.memory_space<vmem>>[vector<16xi32>, vector<16xi32>], vector<16xf32>,
      tpu.vector_store_idx %arg7[%add3A_5, %add3A_867], %gather3A_879 : memref<32x256xf32, #tpu.memory_space<vmem>>[vector<16xi32>, vector<16xi32>], vector<16xf32>,
      %slice3A_880 = vector.extract_strided_slice %get3A_171 {offsets = [11], sizes = [1], strides = [1]} : vector<16xi32> to vector<1xi32>
      %squeeze3A_881 = vector.extract %slice3A_880[0] : i32 from vector<1xi32>
      %and3A_882 = arith.constant 127 : i32
      %and3A_883 = arith.andi %squeeze3A_881, %and3A_882 : i32
      %broadcast_in_dim3A_884 = arith.constant 0 : i32
      %broadcast_in_dim3A_885 = vector.broadcast %broadcast_in_dim3A_884 : i32 to vector<16xi32>
      %add3A_886 = vector.broadcast %and3A_883 : i32 to vector<16xi32>
      %add3A_887 = arith.addi %broadcast_in_dim3A_885, %add3A_886 : vector<16xi32>
      %broadcast_in_dim3A_888 = arith.constant 0 : i32
      %broadcast_in_dim3A_889 = vector.broadcast %broadcast_in_dim3A_888 : i32 to vector<16xi32>
      %add3A_890 = arith.constant 8 : i32
      %add3A_891 = arith.addi %add3A_169, %add3A_890 : i32
      %add3A_892 = arith.constant 3 : i32
      %add3A_893 = arith.addi %add3A_891, %add3A_892 : i32
      %add3A_894 = vector.broadcast %add3A_893 : i32 to vector<16xi32>
      %add3A_895 = arith.addi %broadcast_in_dim3A_889, %add3A_894 : vector<16xi32>
      %gather3A_896 = arith.constant 11 : i32
      %gather3A_897 = arith.constant 0 : i32
      %gather3A_898 = arith.constant 0 : i32
      %gather3A_899 = tpu.memref_slice %arg6[%gather3A_896, %gather3A_897, %gather3A_898] : memref<16x32x128xf32, #tpu.memory_space<vmem>> -> memref<1x32x128xf32, #tpu.memory_space<vmem>>
      %gather3A_900 = tpu.memref_squeeze %gather3A_899 : memref<1x32x128xf32, #tpu.memory_space<vmem>> -> memref<32x128xf32, #tpu.memory_space<vmem>>
      %gather3A_901 = tpu.vector_load_idx %gather3A_900[%iota3A, %add3A_887] : memref<32x128xf32, #tpu.memory_space<vmem>>[vector<16xi32>, vector<16xi32>], vector<16xf32>,
      %gather3A_902 = arith.constant 11 : i32
      %gather3A_903 = arith.constant 0 : i32
      %gather3A_904 = arith.constant 0 : i32
      %gather3A_905 = tpu.memref_slice %arg6[%gather3A_902, %gather3A_903, %gather3A_904] : memref<16x32x128xf32, #tpu.memory_space<vmem>> -> memref<1x32x128xf32, #tpu.memory_space<vmem>>
      %gather3A_906 = tpu.memref_squeeze %gather3A_905 : memref<1x32x128xf32, #tpu.memory_space<vmem>> -> memref<32x128xf32, #tpu.memory_space<vmem>>
      %gather3A_907 = tpu.vector_load_idx %gather3A_906[%add3A_5, %add3A_887] : memref<32x128xf32, #tpu.memory_space<vmem>>[vector<16xi32>, vector<16xi32>], vector<16xf32>,
      tpu.vector_store_idx %arg7[%iota3A, %add3A_895], %gather3A_901 : memref<32x256xf32, #tpu.memory_space<vmem>>[vector<16xi32>, vector<16xi32>], vector<16xf32>,
      tpu.vector_store_idx %arg7[%add3A_5, %add3A_895], %gather3A_907 : memref<32x256xf32, #tpu.memory_space<vmem>>[vector<16xi32>, vector<16xi32>], vector<16xf32>,
      %slice3A_908 = vector.extract_strided_slice %get3A_171 {offsets = [12], sizes = [1], strides = [1]} : vector<16xi32> to vector<1xi32>
      %squeeze3A_909 = vector.extract %slice3A_908[0] : i32 from vector<1xi32>
      %and3A_910 = arith.constant 127 : i32
      %and3A_911 = arith.andi %squeeze3A_909, %and3A_910 : i32
      %broadcast_in_dim3A_912 = arith.constant 0 : i32
      %broadcast_in_dim3A_913 = vector.broadcast %broadcast_in_dim3A_912 : i32 to vector<16xi32>
      %add3A_914 = vector.broadcast %and3A_911 : i32 to vector<16xi32>
      %add3A_915 = arith.addi %broadcast_in_dim3A_913, %add3A_914 : vector<16xi32>
      %broadcast_in_dim3A_916 = arith.constant 0 : i32
      %broadcast_in_dim3A_917 = vector.broadcast %broadcast_in_dim3A_916 : i32 to vector<16xi32>
      %add3A_918 = arith.constant 8 : i32
      %add3A_919 = arith.addi %add3A_169, %add3A_918 : i32
      %add3A_920 = arith.constant 4 : i32
      %add3A_921 = arith.addi %add3A_919, %add3A_920 : i32
      %add3A_922 = vector.broadcast %add3A_921 : i32 to vector<16xi32>
      %add3A_923 = arith.addi %broadcast_in_dim3A_917, %add3A_922 : vector<16xi32>
      %gather3A_924 = arith.constant 12 : i32
      %gather3A_925 = arith.constant 0 : i32
      %gather3A_926 = arith.constant 0 : i32
      %gather3A_927 = tpu.memref_slice %arg6[%gather3A_924, %gather3A_925, %gather3A_926] : memref<16x32x128xf32, #tpu.memory_space<vmem>> -> memref<1x32x128xf32, #tpu.memory_space<vmem>>
      %gather3A_928 = tpu.memref_squeeze %gather3A_927 : memref<1x32x128xf32, #tpu.memory_space<vmem>> -> memref<32x128xf32, #tpu.memory_space<vmem>>
      %gather3A_929 = tpu.vector_load_idx %gather3A_928[%iota3A, %add3A_915] : memref<32x128xf32, #tpu.memory_space<vmem>>[vector<16xi32>, vector<16xi32>], vector<16xf32>,
      %gather3A_930 = arith.constant 12 : i32
      %gather3A_931 = arith.constant 0 : i32
      %gather3A_932 = arith.constant 0 : i32
      %gather3A_933 = tpu.memref_slice %arg6[%gather3A_930, %gather3A_931, %gather3A_932] : memref<16x32x128xf32, #tpu.memory_space<vmem>> -> memref<1x32x128xf32, #tpu.memory_space<vmem>>
      %gather3A_934 = tpu.memref_squeeze %gather3A_933 : memref<1x32x128xf32, #tpu.memory_space<vmem>> -> memref<32x128xf32, #tpu.memory_space<vmem>>
      %gather3A_935 = tpu.vector_load_idx %gather3A_934[%add3A_5, %add3A_915] : memref<32x128xf32, #tpu.memory_space<vmem>>[vector<16xi32>, vector<16xi32>], vector<16xf32>,
      tpu.vector_store_idx %arg7[%iota3A, %add3A_923], %gather3A_929 : memref<32x256xf32, #tpu.memory_space<vmem>>[vector<16xi32>, vector<16xi32>], vector<16xf32>,
      tpu.vector_store_idx %arg7[%add3A_5, %add3A_923], %gather3A_935 : memref<32x256xf32, #tpu.memory_space<vmem>>[vector<16xi32>, vector<16xi32>], vector<16xf32>,
      %slice3A_936 = vector.extract_strided_slice %get3A_171 {offsets = [13], sizes = [1], strides = [1]} : vector<16xi32> to vector<1xi32>
      %squeeze3A_937 = vector.extract %slice3A_936[0] : i32 from vector<1xi32>
      %and3A_938 = arith.constant 127 : i32
      %and3A_939 = arith.andi %squeeze3A_937, %and3A_938 : i32
      %broadcast_in_dim3A_940 = arith.constant 0 : i32
      %broadcast_in_dim3A_941 = vector.broadcast %broadcast_in_dim3A_940 : i32 to vector<16xi32>
      %add3A_942 = vector.broadcast %and3A_939 : i32 to vector<16xi32>
      %add3A_943 = arith.addi %broadcast_in_dim3A_941, %add3A_942 : vector<16xi32>
      %broadcast_in_dim3A_944 = arith.constant 0 : i32
      %broadcast_in_dim3A_945 = vector.broadcast %broadcast_in_dim3A_944 : i32 to vector<16xi32>
      %add3A_946 = arith.constant 8 : i32
      %add3A_947 = arith.addi %add3A_169, %add3A_946 : i32
      %add3A_948 = arith.constant 5 : i32
      %add3A_949 = arith.addi %add3A_947, %add3A_948 : i32
      %add3A_950 = vector.broadcast %add3A_949 : i32 to vector<16xi32>
      %add3A_951 = arith.addi %broadcast_in_dim3A_945, %add3A_950 : vector<16xi32>
      %gather3A_952 = arith.constant 13 : i32
      %gather3A_953 = arith.constant 0 : i32
      %gather3A_954 = arith.constant 0 : i32
      %gather3A_955 = tpu.memref_slice %arg6[%gather3A_952, %gather3A_953, %gather3A_954] : memref<16x32x128xf32, #tpu.memory_space<vmem>> -> memref<1x32x128xf32, #tpu.memory_space<vmem>>
      %gather3A_956 = tpu.memref_squeeze %gather3A_955 : memref<1x32x128xf32, #tpu.memory_space<vmem>> -> memref<32x128xf32, #tpu.memory_space<vmem>>
      %gather3A_957 = tpu.vector_load_idx %gather3A_956[%iota3A, %add3A_943] : memref<32x128xf32, #tpu.memory_space<vmem>>[vector<16xi32>, vector<16xi32>], vector<16xf32>,
      %gather3A_958 = arith.constant 13 : i32
      %gather3A_959 = arith.constant 0 : i32
      %gather3A_960 = arith.constant 0 : i32
      %gather3A_961 = tpu.memref_slice %arg6[%gather3A_958, %gather3A_959, %gather3A_960] : memref<16x32x128xf32, #tpu.memory_space<vmem>> -> memref<1x32x128xf32, #tpu.memory_space<vmem>>
      %gather3A_962 = tpu.memref_squeeze %gather3A_961 : memref<1x32x128xf32, #tpu.memory_space<vmem>> -> memref<32x128xf32, #tpu.memory_space<vmem>>
      %gather3A_963 = tpu.vector_load_idx %gather3A_962[%add3A_5, %add3A_943] : memref<32x128xf32, #tpu.memory_space<vmem>>[vector<16xi32>, vector<16xi32>], vector<16xf32>,
      tpu.vector_store_idx %arg7[%iota3A, %add3A_951], %gather3A_957 : memref<32x256xf32, #tpu.memory_space<vmem>>[vector<16xi32>, vector<16xi32>], vector<16xf32>,
      tpu.vector_store_idx %arg7[%add3A_5, %add3A_951], %gather3A_963 : memref<32x256xf32, #tpu.memory_space<vmem>>[vector<16xi32>, vector<16xi32>], vector<16xf32>,
      %slice3A_964 = vector.extract_strided_slice %get3A_171 {offsets = [14], sizes = [1], strides = [1]} : vector<16xi32> to vector<1xi32>
      %squeeze3A_965 = vector.extract %slice3A_964[0] : i32 from vector<1xi32>
      %and3A_966 = arith.constant 127 : i32
      %and3A_967 = arith.andi %squeeze3A_965, %and3A_966 : i32
      %broadcast_in_dim3A_968 = arith.constant 0 : i32
      %broadcast_in_dim3A_969 = vector.broadcast %broadcast_in_dim3A_968 : i32 to vector<16xi32>
      %add3A_970 = vector.broadcast %and3A_967 : i32 to vector<16xi32>
      %add3A_971 = arith.addi %broadcast_in_dim3A_969, %add3A_970 : vector<16xi32>
      %broadcast_in_dim3A_972 = arith.constant 0 : i32
      %broadcast_in_dim3A_973 = vector.broadcast %broadcast_in_dim3A_972 : i32 to vector<16xi32>
      %add3A_974 = arith.constant 8 : i32
      %add3A_975 = arith.addi %add3A_169, %add3A_974 : i32
      %add3A_976 = arith.constant 6 : i32
      %add3A_977 = arith.addi %add3A_975, %add3A_976 : i32
      %add3A_978 = vector.broadcast %add3A_977 : i32 to vector<16xi32>
      %add3A_979 = arith.addi %broadcast_in_dim3A_973, %add3A_978 : vector<16xi32>
      %gather3A_980 = arith.constant 14 : i32
      %gather3A_981 = arith.constant 0 : i32
      %gather3A_982 = arith.constant 0 : i32
      %gather3A_983 = tpu.memref_slice %arg6[%gather3A_980, %gather3A_981, %gather3A_982] : memref<16x32x128xf32, #tpu.memory_space<vmem>> -> memref<1x32x128xf32, #tpu.memory_space<vmem>>
      %gather3A_984 = tpu.memref_squeeze %gather3A_983 : memref<1x32x128xf32, #tpu.memory_space<vmem>> -> memref<32x128xf32, #tpu.memory_space<vmem>>
      %gather3A_985 = tpu.vector_load_idx %gather3A_984[%iota3A, %add3A_971] : memref<32x128xf32, #tpu.memory_space<vmem>>[vector<16xi32>, vector<16xi32>], vector<16xf32>,
      %gather3A_986 = arith.constant 14 : i32
      %gather3A_987 = arith.constant 0 : i32
      %gather3A_988 = arith.constant 0 : i32
      %gather3A_989 = tpu.memref_slice %arg6[%gather3A_986, %gather3A_987, %gather3A_988] : memref<16x32x128xf32, #tpu.memory_space<vmem>> -> memref<1x32x128xf32, #tpu.memory_space<vmem>>
      %gather3A_990 = tpu.memref_squeeze %gather3A_989 : memref<1x32x128xf32, #tpu.memory_space<vmem>> -> memref<32x128xf32, #tpu.memory_space<vmem>>
      %gather3A_991 = tpu.vector_load_idx %gather3A_990[%add3A_5, %add3A_971] : memref<32x128xf32, #tpu.memory_space<vmem>>[vector<16xi32>, vector<16xi32>], vector<16xf32>,
      tpu.vector_store_idx %arg7[%iota3A, %add3A_979], %gather3A_985 : memref<32x256xf32, #tpu.memory_space<vmem>>[vector<16xi32>, vector<16xi32>], vector<16xf32>,
      tpu.vector_store_idx %arg7[%add3A_5, %add3A_979], %gather3A_991 : memref<32x256xf32, #tpu.memory_space<vmem>>[vector<16xi32>, vector<16xi32>], vector<16xf32>,
      %slice3A_992 = vector.extract_strided_slice %get3A_171 {offsets = [15], sizes = [1], strides = [1]} : vector<16xi32> to vector<1xi32>
      %squeeze3A_993 = vector.extract %slice3A_992[0] : i32 from vector<1xi32>
      %and3A_994 = arith.constant 127 : i32
      %and3A_995 = arith.andi %squeeze3A_993, %and3A_994 : i32
      %broadcast_in_dim3A_996 = arith.constant 0 : i32
      %broadcast_in_dim3A_997 = vector.broadcast %broadcast_in_dim3A_996 : i32 to vector<16xi32>
      %add3A_998 = vector.broadcast %and3A_995 : i32 to vector<16xi32>
      %add3A_999 = arith.addi %broadcast_in_dim3A_997, %add3A_998 : vector<16xi32>
      %broadcast_in_dim3A_1000 = arith.constant 0 : i32
      %broadcast_in_dim3A_1001 = vector.broadcast %broadcast_in_dim3A_1000 : i32 to vector<16xi32>
      %add3A_1002 = arith.constant 8 : i32
      %add3A_1003 = arith.addi %add3A_169, %add3A_1002 : i32
      %add3A_1004 = arith.constant 7 : i32
      %add3A_1005 = arith.addi %add3A_1003, %add3A_1004 : i32
      %add3A_1006 = vector.broadcast %add3A_1005 : i32 to vector<16xi32>
      %add3A_1007 = arith.addi %broadcast_in_dim3A_1001, %add3A_1006 : vector<16xi32>
      %gather3A_1008 = arith.constant 15 : i32
      %gather3A_1009 = arith.constant 0 : i32
      %gather3A_1010 = arith.constant 0 : i32
      %gather3A_1011 = tpu.memref_slice %arg6[%gather3A_1008, %gather3A_1009, %gather3A_1010] : memref<16x32x128xf32, #tpu.memory_space<vmem>> -> memref<1x32x128xf32, #tpu.memory_space<vmem>>
      %gather3A_1012 = tpu.memref_squeeze %gather3A_1011 : memref<1x32x128xf32, #tpu.memory_space<vmem>> -> memref<32x128xf32, #tpu.memory_space<vmem>>
      %gather3A_1013 = tpu.vector_load_idx %gather3A_1012[%iota3A, %add3A_999] : memref<32x128xf32, #tpu.memory_space<vmem>>[vector<16xi32>, vector<16xi32>], vector<16xf32>,
      %gather3A_1014 = arith.constant 15 : i32
      %gather3A_1015 = arith.constant 0 : i32
      %gather3A_1016 = arith.constant 0 : i32
      %gather3A_1017 = tpu.memref_slice %arg6[%gather3A_1014, %gather3A_1015, %gather3A_1016] : memref<16x32x128xf32, #tpu.memory_space<vmem>> -> memref<1x32x128xf32, #tpu.memory_space<vmem>>
      %gather3A_1018 = tpu.memref_squeeze %gather3A_1017 : memref<1x32x128xf32, #tpu.memory_space<vmem>> -> memref<32x128xf32, #tpu.memory_space<vmem>>
      %gather3A_1019 = tpu.vector_load_idx %gather3A_1018[%add3A_5, %add3A_999] : memref<32x128xf32, #tpu.memory_space<vmem>>[vector<16xi32>, vector<16xi32>], vector<16xf32>,
      tpu.vector_store_idx %arg7[%iota3A, %add3A_1007], %gather3A_1013 : memref<32x256xf32, #tpu.memory_space<vmem>>[vector<16xi32>, vector<16xi32>], vector<16xf32>,
      tpu.vector_store_idx %arg7[%add3A_5, %add3A_1007], %gather3A_1019 : memref<32x256xf32, #tpu.memory_space<vmem>>[vector<16xi32>, vector<16xi32>], vector<16xf32>,
    }
    %scan3A_164 = arith.constant 16 : i32
    "tpu.region"() ({
      %run_scoped3A = tpu.sem_alloc : memref<!tpu.dma_semaphore, #tpu.memory_space<semaphore_mem>>
      %dma_start3A_165 = arith.constant 0 : i32
      %dma_start3A_166 = tpu.memref_slice %arg4[%dma_start3A_165, %mul3A_2] : memref<32x8192xf32, #tpu.memory_space<hbm>> -> memref<32x256xf32, #tpu.memory_space<hbm>>
      %dma_start3A_167 = arith.constant 0 : i32
      %dma_start3A_168 = tpu.memref_slice %arg4[%dma_start3A_167, %mul3A_2] : memref<32x8192xf32, #tpu.memory_space<hbm>> -> memref<32x256xf32, #tpu.memory_space<hbm>>
      tpu.enqueue_dma source(%arg7 : memref<32x256xf32, #tpu.memory_space<vmem>>) target(%dma_start3A_168 : memref<32x256xf32, #tpu.memory_space<hbm>>) target_semaphore(%run_scoped3A : memref<!tpu.dma_semaphore, #tpu.memory_space<semaphore_mem>>)
      %dma_wait3A = arith.constant 0 : i32
      %dma_wait3A_169 = tpu.memref_slice %arg4[%dma_wait3A, %mul3A_2] : memref<32x8192xf32, #tpu.memory_space<hbm>> -> memref<32x256xf32, #tpu.memory_space<hbm>>
      %dma_wait3A_170 = arith.constant 0 : i32
      %dma_wait3A_171 = tpu.memref_slice %arg4[%dma_wait3A_170, %mul3A_2] : memref<32x8192xf32, #tpu.memory_space<hbm>> -> memref<32x256xf32, #tpu.memory_space<hbm>>
      tpu.wait_dma2 semaphore(%run_scoped3A : memref<!tpu.dma_semaphore, #tpu.memory_space<semaphore_mem>>) src(%arg7 : memref<32x256xf32, #tpu.memory_space<vmem>>) dst(%dma_wait3A_171 : memref<32x256xf32, #tpu.memory_space<hbm>>)
      tpu.yield
    }) : () -> ()
    return
  }
}

module attributes {stable_mosaic.version = 14 : i64} {
  func.func @body(%arg0: i32, %arg1: memref<8192xi32, #tpu.memory_space<smem>>, %arg2: memref<32x1000000xf32, #tpu.memory_space<any>>, %arg3: memref<512x1xi32, #tpu.memory_space<vmem>>, %arg4: memref<512x32xf32, #tpu.memory_space<vmem>>, %arg5: memref<512x32x128xf32, #tpu.memory_space<vmem>>, %arg6: memref<512x32x128xf32, #tpu.memory_space<vmem>>, %arg7: memref<!tpu.dma_semaphore, #tpu.memory_space<semaphore_mem>>, %arg8: memref<!tpu.dma_semaphore, #tpu.memory_space<semaphore_mem>>) attributes {dimension_semantics = [#tpu.dimension_semantics<arbitrary>], iteration_bounds = array<i64: 16>, scalar_prefetch = 1 : i64, scratch_operands = 4 : i64, tpu.core_type = #tpu.core_type<tc>, window_params = [{}, {transform_indices = @transform_1, window_bounds = array<i64: 512, 1>}, {transform_indices = @transform_2, window_bounds = array<i64: 512, 32>}]} {
    %eq3A = arith.constant 0 : i32
    %eq3A_0 = arith.cmpi eq, %arg0, %eq3A : i32
    %convert_element_type3A = arith.extui %eq3A_0 : i1 to i32
    %cond3A = arith.constant 0 : i32
    %cond3A_1 = arith.cmpi ne, %convert_element_type3A, %cond3A : i32
    scf.if %cond3A_1 {
      %scan3A = arith.constant 0 : i32
      %scan3A_38 = arith.constant 512 : i32
      %scan3A_39 = arith.addi %scan3A, %scan3A_38 : i32
      %scan3A_40 = arith.constant 16 : i32
      scf.for %scan3A_42 = %scan3A to %scan3A_39 step %scan3A_40  : i32 {
        %add3A_43 = arith.constant 0 : i32
        %add3A_44 = arith.addi %add3A_43, %scan3A_42 : i32
        %get3A = arith.index_cast %add3A_44 : i32 to index
        %get3A_45 = memref.load %arg1[%get3A] : memref<8192xi32, #tpu.memory_space<smem>>
        %shift_right_arithmetic3A = arith.constant 7 : i32
        %shift_right_arithmetic3A_46 = arith.shrsi %get3A_45, %shift_right_arithmetic3A : i32
        %shift_left3A = arith.constant 7 : i32
        %shift_left3A_47 = arith.shli %shift_right_arithmetic3A_46, %shift_left3A : i32
        %multiple_of3A = tpu.assume_multiple %shift_left3A_47, 128 : i32
        %dma_start3A = arith.constant 0 : i32
        %dma_start3A_48 = arith.constant 0 : i32
        %dma_start3A_49 = tpu.memref_slice %arg5[%scan3A_42, %dma_start3A, %dma_start3A_48] : memref<512x32x128xf32, #tpu.memory_space<vmem>> -> memref<1x32x128xf32, #tpu.memory_space<vmem>>
        %dma_start3A_50 = tpu.memref_squeeze %dma_start3A_49 : memref<1x32x128xf32, #tpu.memory_space<vmem>> -> memref<32x128xf32, #tpu.memory_space<vmem>>
        %dma_start3A_51 = arith.constant 0 : i32
        %dma_start3A_52 = tpu.memref_slice %arg2[%dma_start3A_51, %multiple_of3A] : memref<32x1000000xf32, #tpu.memory_space<any>> -> memref<32x128xf32, #tpu.memory_space<any>>
        tpu.enqueue_dma source(%dma_start3A_52 : memref<32x128xf32, #tpu.memory_space<any>>) target(%dma_start3A_50 : memref<32x128xf32, #tpu.memory_space<vmem>>) target_semaphore(%arg7 : memref<!tpu.dma_semaphore, #tpu.memory_space<semaphore_mem>>)
        %scan3A_53 = arith.constant 1 : i32
        %scan3A_54 = arith.addi %scan3A_42, %scan3A_53 : i32
        %add3A_55 = arith.constant 0 : i32
        %add3A_56 = arith.addi %add3A_55, %scan3A_54 : i32
        %get3A_57 = arith.index_cast %add3A_56 : i32 to index
        %get3A_58 = memref.load %arg1[%get3A_57] : memref<8192xi32, #tpu.memory_space<smem>>
        %shift_right_arithmetic3A_59 = arith.constant 7 : i32
        %shift_right_arithmetic3A_60 = arith.shrsi %get3A_58, %shift_right_arithmetic3A_59 : i32
        %shift_left3A_61 = arith.constant 7 : i32
        %shift_left3A_62 = arith.shli %shift_right_arithmetic3A_60, %shift_left3A_61 : i32
        %multiple_of3A_63 = tpu.assume_multiple %shift_left3A_62, 128 : i32
        %dma_start3A_64 = arith.constant 0 : i32
        %dma_start3A_65 = arith.constant 0 : i32
        %dma_start3A_66 = tpu.memref_slice %arg5[%scan3A_54, %dma_start3A_64, %dma_start3A_65] : memref<512x32x128xf32, #tpu.memory_space<vmem>> -> memref<1x32x128xf32, #tpu.memory_space<vmem>>
        %dma_start3A_67 = tpu.memref_squeeze %dma_start3A_66 : memref<1x32x128xf32, #tpu.memory_space<vmem>> -> memref<32x128xf32, #tpu.memory_space<vmem>>
        %dma_start3A_68 = arith.constant 0 : i32
        %dma_start3A_69 = tpu.memref_slice %arg2[%dma_start3A_68, %multiple_of3A_63] : memref<32x1000000xf32, #tpu.memory_space<any>> -> memref<32x128xf32, #tpu.memory_space<any>>
        tpu.enqueue_dma source(%dma_start3A_69 : memref<32x128xf32, #tpu.memory_space<any>>) target(%dma_start3A_67 : memref<32x128xf32, #tpu.memory_space<vmem>>) target_semaphore(%arg7 : memref<!tpu.dma_semaphore, #tpu.memory_space<semaphore_mem>>)
        %scan3A_70 = arith.constant 2 : i32
        %scan3A_71 = arith.addi %scan3A_42, %scan3A_70 : i32
        %add3A_72 = arith.constant 0 : i32
        %add3A_73 = arith.addi %add3A_72, %scan3A_71 : i32
        %get3A_74 = arith.index_cast %add3A_73 : i32 to index
        %get3A_75 = memref.load %arg1[%get3A_74] : memref<8192xi32, #tpu.memory_space<smem>>
        %shift_right_arithmetic3A_76 = arith.constant 7 : i32
        %shift_right_arithmetic3A_77 = arith.shrsi %get3A_75, %shift_right_arithmetic3A_76 : i32
        %shift_left3A_78 = arith.constant 7 : i32
        %shift_left3A_79 = arith.shli %shift_right_arithmetic3A_77, %shift_left3A_78 : i32
        %multiple_of3A_80 = tpu.assume_multiple %shift_left3A_79, 128 : i32
        %dma_start3A_81 = arith.constant 0 : i32
        %dma_start3A_82 = arith.constant 0 : i32
        %dma_start3A_83 = tpu.memref_slice %arg5[%scan3A_71, %dma_start3A_81, %dma_start3A_82] : memref<512x32x128xf32, #tpu.memory_space<vmem>> -> memref<1x32x128xf32, #tpu.memory_space<vmem>>
        %dma_start3A_84 = tpu.memref_squeeze %dma_start3A_83 : memref<1x32x128xf32, #tpu.memory_space<vmem>> -> memref<32x128xf32, #tpu.memory_space<vmem>>
        %dma_start3A_85 = arith.constant 0 : i32
        %dma_start3A_86 = tpu.memref_slice %arg2[%dma_start3A_85, %multiple_of3A_80] : memref<32x1000000xf32, #tpu.memory_space<any>> -> memref<32x128xf32, #tpu.memory_space<any>>
        tpu.enqueue_dma source(%dma_start3A_86 : memref<32x128xf32, #tpu.memory_space<any>>) target(%dma_start3A_84 : memref<32x128xf32, #tpu.memory_space<vmem>>) target_semaphore(%arg7 : memref<!tpu.dma_semaphore, #tpu.memory_space<semaphore_mem>>)
        %scan3A_87 = arith.constant 3 : i32
        %scan3A_88 = arith.addi %scan3A_42, %scan3A_87 : i32
        %add3A_89 = arith.constant 0 : i32
        %add3A_90 = arith.addi %add3A_89, %scan3A_88 : i32
        %get3A_91 = arith.index_cast %add3A_90 : i32 to index
        %get3A_92 = memref.load %arg1[%get3A_91] : memref<8192xi32, #tpu.memory_space<smem>>
        %shift_right_arithmetic3A_93 = arith.constant 7 : i32
        %shift_right_arithmetic3A_94 = arith.shrsi %get3A_92, %shift_right_arithmetic3A_93 : i32
        %shift_left3A_95 = arith.constant 7 : i32
        %shift_left3A_96 = arith.shli %shift_right_arithmetic3A_94, %shift_left3A_95 : i32
        %multiple_of3A_97 = tpu.assume_multiple %shift_left3A_96, 128 : i32
        %dma_start3A_98 = arith.constant 0 : i32
        %dma_start3A_99 = arith.constant 0 : i32
        %dma_start3A_100 = tpu.memref_slice %arg5[%scan3A_88, %dma_start3A_98, %dma_start3A_99] : memref<512x32x128xf32, #tpu.memory_space<vmem>> -> memref<1x32x128xf32, #tpu.memory_space<vmem>>
        %dma_start3A_101 = tpu.memref_squeeze %dma_start3A_100 : memref<1x32x128xf32, #tpu.memory_space<vmem>> -> memref<32x128xf32, #tpu.memory_space<vmem>>
        %dma_start3A_102 = arith.constant 0 : i32
        %dma_start3A_103 = tpu.memref_slice %arg2[%dma_start3A_102, %multiple_of3A_97] : memref<32x1000000xf32, #tpu.memory_space<any>> -> memref<32x128xf32, #tpu.memory_space<any>>
        tpu.enqueue_dma source(%dma_start3A_103 : memref<32x128xf32, #tpu.memory_space<any>>) target(%dma_start3A_101 : memref<32x128xf32, #tpu.memory_space<vmem>>) target_semaphore(%arg7 : memref<!tpu.dma_semaphore, #tpu.memory_space<semaphore_mem>>)
        %scan3A_104 = arith.constant 4 : i32
        %scan3A_105 = arith.addi %scan3A_42, %scan3A_104 : i32
        %add3A_106 = arith.constant 0 : i32
        %add3A_107 = arith.addi %add3A_106, %scan3A_105 : i32
        %get3A_108 = arith.index_cast %add3A_107 : i32 to index
        %get3A_109 = memref.load %arg1[%get3A_108] : memref<8192xi32, #tpu.memory_space<smem>>
        %shift_right_arithmetic3A_110 = arith.constant 7 : i32
        %shift_right_arithmetic3A_111 = arith.shrsi %get3A_109, %shift_right_arithmetic3A_110 : i32
        %shift_left3A_112 = arith.constant 7 : i32
        %shift_left3A_113 = arith.shli %shift_right_arithmetic3A_111, %shift_left3A_112 : i32
        %multiple_of3A_114 = tpu.assume_multiple %shift_left3A_113, 128 : i32
        %dma_start3A_115 = arith.constant 0 : i32
        %dma_start3A_116 = arith.constant 0 : i32
        %dma_start3A_117 = tpu.memref_slice %arg5[%scan3A_105, %dma_start3A_115, %dma_start3A_116] : memref<512x32x128xf32, #tpu.memory_space<vmem>> -> memref<1x32x128xf32, #tpu.memory_space<vmem>>
        %dma_start3A_118 = tpu.memref_squeeze %dma_start3A_117 : memref<1x32x128xf32, #tpu.memory_space<vmem>> -> memref<32x128xf32, #tpu.memory_space<vmem>>
        %dma_start3A_119 = arith.constant 0 : i32
        %dma_start3A_120 = tpu.memref_slice %arg2[%dma_start3A_119, %multiple_of3A_114] : memref<32x1000000xf32, #tpu.memory_space<any>> -> memref<32x128xf32, #tpu.memory_space<any>>
        tpu.enqueue_dma source(%dma_start3A_120 : memref<32x128xf32, #tpu.memory_space<any>>) target(%dma_start3A_118 : memref<32x128xf32, #tpu.memory_space<vmem>>) target_semaphore(%arg7 : memref<!tpu.dma_semaphore, #tpu.memory_space<semaphore_mem>>)
        %scan3A_121 = arith.constant 5 : i32
        %scan3A_122 = arith.addi %scan3A_42, %scan3A_121 : i32
        %add3A_123 = arith.constant 0 : i32
        %add3A_124 = arith.addi %add3A_123, %scan3A_122 : i32
        %get3A_125 = arith.index_cast %add3A_124 : i32 to index
        %get3A_126 = memref.load %arg1[%get3A_125] : memref<8192xi32, #tpu.memory_space<smem>>
        %shift_right_arithmetic3A_127 = arith.constant 7 : i32
        %shift_right_arithmetic3A_128 = arith.shrsi %get3A_126, %shift_right_arithmetic3A_127 : i32
        %shift_left3A_129 = arith.constant 7 : i32
        %shift_left3A_130 = arith.shli %shift_right_arithmetic3A_128, %shift_left3A_129 : i32
        %multiple_of3A_131 = tpu.assume_multiple %shift_left3A_130, 128 : i32
        %dma_start3A_132 = arith.constant 0 : i32
        %dma_start3A_133 = arith.constant 0 : i32
        %dma_start3A_134 = tpu.memref_slice %arg5[%scan3A_122, %dma_start3A_132, %dma_start3A_133] : memref<512x32x128xf32, #tpu.memory_space<vmem>> -> memref<1x32x128xf32, #tpu.memory_space<vmem>>
        %dma_start3A_135 = tpu.memref_squeeze %dma_start3A_134 : memref<1x32x128xf32, #tpu.memory_space<vmem>> -> memref<32x128xf32, #tpu.memory_space<vmem>>
        %dma_start3A_136 = arith.constant 0 : i32
        %dma_start3A_137 = tpu.memref_slice %arg2[%dma_start3A_136, %multiple_of3A_131] : memref<32x1000000xf32, #tpu.memory_space<any>> -> memref<32x128xf32, #tpu.memory_space<any>>
        tpu.enqueue_dma source(%dma_start3A_137 : memref<32x128xf32, #tpu.memory_space<any>>) target(%dma_start3A_135 : memref<32x128xf32, #tpu.memory_space<vmem>>) target_semaphore(%arg7 : memref<!tpu.dma_semaphore, #tpu.memory_space<semaphore_mem>>)
        %scan3A_138 = arith.constant 6 : i32
        %scan3A_139 = arith.addi %scan3A_42, %scan3A_138 : i32
        %add3A_140 = arith.constant 0 : i32
        %add3A_141 = arith.addi %add3A_140, %scan3A_139 : i32
        %get3A_142 = arith.index_cast %add3A_141 : i32 to index
        %get3A_143 = memref.load %arg1[%get3A_142] : memref<8192xi32, #tpu.memory_space<smem>>
        %shift_right_arithmetic3A_144 = arith.constant 7 : i32
        %shift_right_arithmetic3A_145 = arith.shrsi %get3A_143, %shift_right_arithmetic3A_144 : i32
        %shift_left3A_146 = arith.constant 7 : i32
        %shift_left3A_147 = arith.shli %shift_right_arithmetic3A_145, %shift_left3A_146 : i32
        %multiple_of3A_148 = tpu.assume_multiple %shift_left3A_147, 128 : i32
        %dma_start3A_149 = arith.constant 0 : i32
        %dma_start3A_150 = arith.constant 0 : i32
        %dma_start3A_151 = tpu.memref_slice %arg5[%scan3A_139, %dma_start3A_149, %dma_start3A_150] : memref<512x32x128xf32, #tpu.memory_space<vmem>> -> memref<1x32x128xf32, #tpu.memory_space<vmem>>
        %dma_start3A_152 = tpu.memref_squeeze %dma_start3A_151 : memref<1x32x128xf32, #tpu.memory_space<vmem>> -> memref<32x128xf32, #tpu.memory_space<vmem>>
        %dma_start3A_153 = arith.constant 0 : i32
        %dma_start3A_154 = tpu.memref_slice %arg2[%dma_start3A_153, %multiple_of3A_148] : memref<32x1000000xf32, #tpu.memory_space<any>> -> memref<32x128xf32, #tpu.memory_space<any>>
        tpu.enqueue_dma source(%dma_start3A_154 : memref<32x128xf32, #tpu.memory_space<any>>) target(%dma_start3A_152 : memref<32x128xf32, #tpu.memory_space<vmem>>) target_semaphore(%arg7 : memref<!tpu.dma_semaphore, #tpu.memory_space<semaphore_mem>>)
        %scan3A_155 = arith.constant 7 : i32
        %scan3A_156 = arith.addi %scan3A_42, %scan3A_155 : i32
        %add3A_157 = arith.constant 0 : i32
        %add3A_158 = arith.addi %add3A_157, %scan3A_156 : i32
        %get3A_159 = arith.index_cast %add3A_158 : i32 to index
        %get3A_160 = memref.load %arg1[%get3A_159] : memref<8192xi32, #tpu.memory_space<smem>>
        %shift_right_arithmetic3A_161 = arith.constant 7 : i32
        %shift_right_arithmetic3A_162 = arith.shrsi %get3A_160, %shift_right_arithmetic3A_161 : i32
        %shift_left3A_163 = arith.constant 7 : i32
        %shift_left3A_164 = arith.shli %shift_right_arithmetic3A_162, %shift_left3A_163 : i32
        %multiple_of3A_165 = tpu.assume_multiple %shift_left3A_164, 128 : i32
        %dma_start3A_166 = arith.constant 0 : i32
        %dma_start3A_167 = arith.constant 0 : i32
        %dma_start3A_168 = tpu.memref_slice %arg5[%scan3A_156, %dma_start3A_166, %dma_start3A_167] : memref<512x32x128xf32, #tpu.memory_space<vmem>> -> memref<1x32x128xf32, #tpu.memory_space<vmem>>
        %dma_start3A_169 = tpu.memref_squeeze %dma_start3A_168 : memref<1x32x128xf32, #tpu.memory_space<vmem>> -> memref<32x128xf32, #tpu.memory_space<vmem>>
        %dma_start3A_170 = arith.constant 0 : i32
        %dma_start3A_171 = tpu.memref_slice %arg2[%dma_start3A_170, %multiple_of3A_165] : memref<32x1000000xf32, #tpu.memory_space<any>> -> memref<32x128xf32, #tpu.memory_space<any>>
        tpu.enqueue_dma source(%dma_start3A_171 : memref<32x128xf32, #tpu.memory_space<any>>) target(%dma_start3A_169 : memref<32x128xf32, #tpu.memory_space<vmem>>) target_semaphore(%arg7 : memref<!tpu.dma_semaphore, #tpu.memory_space<semaphore_mem>>)
        %scan3A_172 = arith.constant 8 : i32
        %scan3A_173 = arith.addi %scan3A_42, %scan3A_172 : i32
        %add3A_174 = arith.constant 0 : i32
        %add3A_175 = arith.addi %add3A_174, %scan3A_173 : i32
        %get3A_176 = arith.index_cast %add3A_175 : i32 to index
        %get3A_177 = memref.load %arg1[%get3A_176] : memref<8192xi32, #tpu.memory_space<smem>>
        %shift_right_arithmetic3A_178 = arith.constant 7 : i32
        %shift_right_arithmetic3A_179 = arith.shrsi %get3A_177, %shift_right_arithmetic3A_178 : i32
        %shift_left3A_180 = arith.constant 7 : i32
        %shift_left3A_181 = arith.shli %shift_right_arithmetic3A_179, %shift_left3A_180 : i32
        %multiple_of3A_182 = tpu.assume_multiple %shift_left3A_181, 128 : i32
        %dma_start3A_183 = arith.constant 0 : i32
        %dma_start3A_184 = arith.constant 0 : i32
        %dma_start3A_185 = tpu.memref_slice %arg5[%scan3A_173, %dma_start3A_183, %dma_start3A_184] : memref<512x32x128xf32, #tpu.memory_space<vmem>> -> memref<1x32x128xf32, #tpu.memory_space<vmem>>
        %dma_start3A_186 = tpu.memref_squeeze %dma_start3A_185 : memref<1x32x128xf32, #tpu.memory_space<vmem>> -> memref<32x128xf32, #tpu.memory_space<vmem>>
        %dma_start3A_187 = arith.constant 0 : i32
        %dma_start3A_188 = tpu.memref_slice %arg2[%dma_start3A_187, %multiple_of3A_182] : memref<32x1000000xf32, #tpu.memory_space<any>> -> memref<32x128xf32, #tpu.memory_space<any>>
        tpu.enqueue_dma source(%dma_start3A_188 : memref<32x128xf32, #tpu.memory_space<any>>) target(%dma_start3A_186 : memref<32x128xf32, #tpu.memory_space<vmem>>) target_semaphore(%arg7 : memref<!tpu.dma_semaphore, #tpu.memory_space<semaphore_mem>>)
        %scan3A_189 = arith.constant 9 : i32
        %scan3A_190 = arith.addi %scan3A_42, %scan3A_189 : i32
        %add3A_191 = arith.constant 0 : i32
        %add3A_192 = arith.addi %add3A_191, %scan3A_190 : i32
        %get3A_193 = arith.index_cast %add3A_192 : i32 to index
        %get3A_194 = memref.load %arg1[%get3A_193] : memref<8192xi32, #tpu.memory_space<smem>>
        %shift_right_arithmetic3A_195 = arith.constant 7 : i32
        %shift_right_arithmetic3A_196 = arith.shrsi %get3A_194, %shift_right_arithmetic3A_195 : i32
        %shift_left3A_197 = arith.constant 7 : i32
        %shift_left3A_198 = arith.shli %shift_right_arithmetic3A_196, %shift_left3A_197 : i32
        %multiple_of3A_199 = tpu.assume_multiple %shift_left3A_198, 128 : i32
        %dma_start3A_200 = arith.constant 0 : i32
        %dma_start3A_201 = arith.constant 0 : i32
        %dma_start3A_202 = tpu.memref_slice %arg5[%scan3A_190, %dma_start3A_200, %dma_start3A_201] : memref<512x32x128xf32, #tpu.memory_space<vmem>> -> memref<1x32x128xf32, #tpu.memory_space<vmem>>
        %dma_start3A_203 = tpu.memref_squeeze %dma_start3A_202 : memref<1x32x128xf32, #tpu.memory_space<vmem>> -> memref<32x128xf32, #tpu.memory_space<vmem>>
        %dma_start3A_204 = arith.constant 0 : i32
        %dma_start3A_205 = tpu.memref_slice %arg2[%dma_start3A_204, %multiple_of3A_199] : memref<32x1000000xf32, #tpu.memory_space<any>> -> memref<32x128xf32, #tpu.memory_space<any>>
        tpu.enqueue_dma source(%dma_start3A_205 : memref<32x128xf32, #tpu.memory_space<any>>) target(%dma_start3A_203 : memref<32x128xf32, #tpu.memory_space<vmem>>) target_semaphore(%arg7 : memref<!tpu.dma_semaphore, #tpu.memory_space<semaphore_mem>>)
        %scan3A_206 = arith.constant 10 : i32
        %scan3A_207 = arith.addi %scan3A_42, %scan3A_206 : i32
        %add3A_208 = arith.constant 0 : i32
        %add3A_209 = arith.addi %add3A_208, %scan3A_207 : i32
        %get3A_210 = arith.index_cast %add3A_209 : i32 to index
        %get3A_211 = memref.load %arg1[%get3A_210] : memref<8192xi32, #tpu.memory_space<smem>>
        %shift_right_arithmetic3A_212 = arith.constant 7 : i32
        %shift_right_arithmetic3A_213 = arith.shrsi %get3A_211, %shift_right_arithmetic3A_212 : i32
        %shift_left3A_214 = arith.constant 7 : i32
        %shift_left3A_215 = arith.shli %shift_right_arithmetic3A_213, %shift_left3A_214 : i32
        %multiple_of3A_216 = tpu.assume_multiple %shift_left3A_215, 128 : i32
        %dma_start3A_217 = arith.constant 0 : i32
        %dma_start3A_218 = arith.constant 0 : i32
        %dma_start3A_219 = tpu.memref_slice %arg5[%scan3A_207, %dma_start3A_217, %dma_start3A_218] : memref<512x32x128xf32, #tpu.memory_space<vmem>> -> memref<1x32x128xf32, #tpu.memory_space<vmem>>
        %dma_start3A_220 = tpu.memref_squeeze %dma_start3A_219 : memref<1x32x128xf32, #tpu.memory_space<vmem>> -> memref<32x128xf32, #tpu.memory_space<vmem>>
        %dma_start3A_221 = arith.constant 0 : i32
        %dma_start3A_222 = tpu.memref_slice %arg2[%dma_start3A_221, %multiple_of3A_216] : memref<32x1000000xf32, #tpu.memory_space<any>> -> memref<32x128xf32, #tpu.memory_space<any>>
        tpu.enqueue_dma source(%dma_start3A_222 : memref<32x128xf32, #tpu.memory_space<any>>) target(%dma_start3A_220 : memref<32x128xf32, #tpu.memory_space<vmem>>) target_semaphore(%arg7 : memref<!tpu.dma_semaphore, #tpu.memory_space<semaphore_mem>>)
        %scan3A_223 = arith.constant 11 : i32
        %scan3A_224 = arith.addi %scan3A_42, %scan3A_223 : i32
        %add3A_225 = arith.constant 0 : i32
        %add3A_226 = arith.addi %add3A_225, %scan3A_224 : i32
        %get3A_227 = arith.index_cast %add3A_226 : i32 to index
        %get3A_228 = memref.load %arg1[%get3A_227] : memref<8192xi32, #tpu.memory_space<smem>>
        %shift_right_arithmetic3A_229 = arith.constant 7 : i32
        %shift_right_arithmetic3A_230 = arith.shrsi %get3A_228, %shift_right_arithmetic3A_229 : i32
        %shift_left3A_231 = arith.constant 7 : i32
        %shift_left3A_232 = arith.shli %shift_right_arithmetic3A_230, %shift_left3A_231 : i32
        %multiple_of3A_233 = tpu.assume_multiple %shift_left3A_232, 128 : i32
        %dma_start3A_234 = arith.constant 0 : i32
        %dma_start3A_235 = arith.constant 0 : i32
        %dma_start3A_236 = tpu.memref_slice %arg5[%scan3A_224, %dma_start3A_234, %dma_start3A_235] : memref<512x32x128xf32, #tpu.memory_space<vmem>> -> memref<1x32x128xf32, #tpu.memory_space<vmem>>
        %dma_start3A_237 = tpu.memref_squeeze %dma_start3A_236 : memref<1x32x128xf32, #tpu.memory_space<vmem>> -> memref<32x128xf32, #tpu.memory_space<vmem>>
        %dma_start3A_238 = arith.constant 0 : i32
        %dma_start3A_239 = tpu.memref_slice %arg2[%dma_start3A_238, %multiple_of3A_233] : memref<32x1000000xf32, #tpu.memory_space<any>> -> memref<32x128xf32, #tpu.memory_space<any>>
        tpu.enqueue_dma source(%dma_start3A_239 : memref<32x128xf32, #tpu.memory_space<any>>) target(%dma_start3A_237 : memref<32x128xf32, #tpu.memory_space<vmem>>) target_semaphore(%arg7 : memref<!tpu.dma_semaphore, #tpu.memory_space<semaphore_mem>>)
        %scan3A_240 = arith.constant 12 : i32
        %scan3A_241 = arith.addi %scan3A_42, %scan3A_240 : i32
        %add3A_242 = arith.constant 0 : i32
        %add3A_243 = arith.addi %add3A_242, %scan3A_241 : i32
        %get3A_244 = arith.index_cast %add3A_243 : i32 to index
        %get3A_245 = memref.load %arg1[%get3A_244] : memref<8192xi32, #tpu.memory_space<smem>>
        %shift_right_arithmetic3A_246 = arith.constant 7 : i32
        %shift_right_arithmetic3A_247 = arith.shrsi %get3A_245, %shift_right_arithmetic3A_246 : i32
        %shift_left3A_248 = arith.constant 7 : i32
        %shift_left3A_249 = arith.shli %shift_right_arithmetic3A_247, %shift_left3A_248 : i32
        %multiple_of3A_250 = tpu.assume_multiple %shift_left3A_249, 128 : i32
        %dma_start3A_251 = arith.constant 0 : i32
        %dma_start3A_252 = arith.constant 0 : i32
        %dma_start3A_253 = tpu.memref_slice %arg5[%scan3A_241, %dma_start3A_251, %dma_start3A_252] : memref<512x32x128xf32, #tpu.memory_space<vmem>> -> memref<1x32x128xf32, #tpu.memory_space<vmem>>
        %dma_start3A_254 = tpu.memref_squeeze %dma_start3A_253 : memref<1x32x128xf32, #tpu.memory_space<vmem>> -> memref<32x128xf32, #tpu.memory_space<vmem>>
        %dma_start3A_255 = arith.constant 0 : i32
        %dma_start3A_256 = tpu.memref_slice %arg2[%dma_start3A_255, %multiple_of3A_250] : memref<32x1000000xf32, #tpu.memory_space<any>> -> memref<32x128xf32, #tpu.memory_space<any>>
        tpu.enqueue_dma source(%dma_start3A_256 : memref<32x128xf32, #tpu.memory_space<any>>) target(%dma_start3A_254 : memref<32x128xf32, #tpu.memory_space<vmem>>) target_semaphore(%arg7 : memref<!tpu.dma_semaphore, #tpu.memory_space<semaphore_mem>>)
        %scan3A_257 = arith.constant 13 : i32
        %scan3A_258 = arith.addi %scan3A_42, %scan3A_257 : i32
        %add3A_259 = arith.constant 0 : i32
        %add3A_260 = arith.addi %add3A_259, %scan3A_258 : i32
        %get3A_261 = arith.index_cast %add3A_260 : i32 to index
        %get3A_262 = memref.load %arg1[%get3A_261] : memref<8192xi32, #tpu.memory_space<smem>>
        %shift_right_arithmetic3A_263 = arith.constant 7 : i32
        %shift_right_arithmetic3A_264 = arith.shrsi %get3A_262, %shift_right_arithmetic3A_263 : i32
        %shift_left3A_265 = arith.constant 7 : i32
        %shift_left3A_266 = arith.shli %shift_right_arithmetic3A_264, %shift_left3A_265 : i32
        %multiple_of3A_267 = tpu.assume_multiple %shift_left3A_266, 128 : i32
        %dma_start3A_268 = arith.constant 0 : i32
        %dma_start3A_269 = arith.constant 0 : i32
        %dma_start3A_270 = tpu.memref_slice %arg5[%scan3A_258, %dma_start3A_268, %dma_start3A_269] : memref<512x32x128xf32, #tpu.memory_space<vmem>> -> memref<1x32x128xf32, #tpu.memory_space<vmem>>
        %dma_start3A_271 = tpu.memref_squeeze %dma_start3A_270 : memref<1x32x128xf32, #tpu.memory_space<vmem>> -> memref<32x128xf32, #tpu.memory_space<vmem>>
        %dma_start3A_272 = arith.constant 0 : i32
        %dma_start3A_273 = tpu.memref_slice %arg2[%dma_start3A_272, %multiple_of3A_267] : memref<32x1000000xf32, #tpu.memory_space<any>> -> memref<32x128xf32, #tpu.memory_space<any>>
        tpu.enqueue_dma source(%dma_start3A_273 : memref<32x128xf32, #tpu.memory_space<any>>) target(%dma_start3A_271 : memref<32x128xf32, #tpu.memory_space<vmem>>) target_semaphore(%arg7 : memref<!tpu.dma_semaphore, #tpu.memory_space<semaphore_mem>>)
        %scan3A_274 = arith.constant 14 : i32
        %scan3A_275 = arith.addi %scan3A_42, %scan3A_274 : i32
        %add3A_276 = arith.constant 0 : i32
        %add3A_277 = arith.addi %add3A_276, %scan3A_275 : i32
        %get3A_278 = arith.index_cast %add3A_277 : i32 to index
        %get3A_279 = memref.load %arg1[%get3A_278] : memref<8192xi32, #tpu.memory_space<smem>>
        %shift_right_arithmetic3A_280 = arith.constant 7 : i32
        %shift_right_arithmetic3A_281 = arith.shrsi %get3A_279, %shift_right_arithmetic3A_280 : i32
        %shift_left3A_282 = arith.constant 7 : i32
        %shift_left3A_283 = arith.shli %shift_right_arithmetic3A_281, %shift_left3A_282 : i32
        %multiple_of3A_284 = tpu.assume_multiple %shift_left3A_283, 128 : i32
        %dma_start3A_285 = arith.constant 0 : i32
        %dma_start3A_286 = arith.constant 0 : i32
        %dma_start3A_287 = tpu.memref_slice %arg5[%scan3A_275, %dma_start3A_285, %dma_start3A_286] : memref<512x32x128xf32, #tpu.memory_space<vmem>> -> memref<1x32x128xf32, #tpu.memory_space<vmem>>
        %dma_start3A_288 = tpu.memref_squeeze %dma_start3A_287 : memref<1x32x128xf32, #tpu.memory_space<vmem>> -> memref<32x128xf32, #tpu.memory_space<vmem>>
        %dma_start3A_289 = arith.constant 0 : i32
        %dma_start3A_290 = tpu.memref_slice %arg2[%dma_start3A_289, %multiple_of3A_284] : memref<32x1000000xf32, #tpu.memory_space<any>> -> memref<32x128xf32, #tpu.memory_space<any>>
        tpu.enqueue_dma source(%dma_start3A_290 : memref<32x128xf32, #tpu.memory_space<any>>) target(%dma_start3A_288 : memref<32x128xf32, #tpu.memory_space<vmem>>) target_semaphore(%arg7 : memref<!tpu.dma_semaphore, #tpu.memory_space<semaphore_mem>>)
        %scan3A_291 = arith.constant 15 : i32
        %scan3A_292 = arith.addi %scan3A_42, %scan3A_291 : i32
        %add3A_293 = arith.constant 0 : i32
        %add3A_294 = arith.addi %add3A_293, %scan3A_292 : i32
        %get3A_295 = arith.index_cast %add3A_294 : i32 to index
        %get3A_296 = memref.load %arg1[%get3A_295] : memref<8192xi32, #tpu.memory_space<smem>>
        %shift_right_arithmetic3A_297 = arith.constant 7 : i32
        %shift_right_arithmetic3A_298 = arith.shrsi %get3A_296, %shift_right_arithmetic3A_297 : i32
        %shift_left3A_299 = arith.constant 7 : i32
        %shift_left3A_300 = arith.shli %shift_right_arithmetic3A_298, %shift_left3A_299 : i32
        %multiple_of3A_301 = tpu.assume_multiple %shift_left3A_300, 128 : i32
        %dma_start3A_302 = arith.constant 0 : i32
        %dma_start3A_303 = arith.constant 0 : i32
        %dma_start3A_304 = tpu.memref_slice %arg5[%scan3A_292, %dma_start3A_302, %dma_start3A_303] : memref<512x32x128xf32, #tpu.memory_space<vmem>> -> memref<1x32x128xf32, #tpu.memory_space<vmem>>
        %dma_start3A_305 = tpu.memref_squeeze %dma_start3A_304 : memref<1x32x128xf32, #tpu.memory_space<vmem>> -> memref<32x128xf32, #tpu.memory_space<vmem>>
        %dma_start3A_306 = arith.constant 0 : i32
        %dma_start3A_307 = tpu.memref_slice %arg2[%dma_start3A_306, %multiple_of3A_301] : memref<32x1000000xf32, #tpu.memory_space<any>> -> memref<32x128xf32, #tpu.memory_space<any>>
        tpu.enqueue_dma source(%dma_start3A_307 : memref<32x128xf32, #tpu.memory_space<any>>) target(%dma_start3A_305 : memref<32x128xf32, #tpu.memory_space<vmem>>) target_semaphore(%arg7 : memref<!tpu.dma_semaphore, #tpu.memory_space<semaphore_mem>>)
      }
      %scan3A_41 = arith.constant 512 : i32
    } else {
    }
    %jit3A = arith.constant 2 : i32
    %eq3A_2 = arith.constant 0 : i32
    %eq3A_3 = arith.cmpi eq, %jit3A, %eq3A_2 : i32
    %jit3A_4 = arith.constant 1 : i32
    %select_n3A = arith.select %eq3A_3, %jit3A_4, %jit3A : i32
    %rem3A = arith.remsi %arg0, %select_n3A : i32
    %ne3A = arith.constant 0 : i32
    %ne3A_5 = arith.cmpi ne, %rem3A, %ne3A : i32
    %lt3A = arith.constant 0 : i32
    %lt3A_6 = arith.cmpi slt, %rem3A, %lt3A : i32
    %lt3A_7 = arith.constant 0 : i32
    %lt3A_8 = arith.cmpi slt, %select_n3A, %lt3A_7 : i32
    %ne3A_9 = arith.xori %lt3A_6, %lt3A_8 : i1
    %and3A = arith.andi %ne3A_9, %ne3A_5 : i1
    %add3A = arith.addi %rem3A, %select_n3A : i32
    %select_n3A_10 = arith.select %and3A, %add3A, %rem3A : i32
    %eq3A_11 = arith.constant 0 : i32
    %eq3A_12 = arith.cmpi eq, %select_n3A_10, %eq3A_11 : i32
    %add3A_13 = arith.constant 1 : i32
    %add3A_14 = arith.addi %arg0, %add3A_13 : i32
    %lt3A_15 = arith.constant 16 : i32
    %lt3A_16 = arith.cmpi slt, %add3A_14, %lt3A_15 : i32
    %and3A_17 = arith.andi %lt3A_16, %eq3A_12 : i1
    %convert_element_type3A_18 = arith.extui %and3A_17 : i1 to i32
    %cond3A_19 = arith.constant 0 : i32
    %cond3A_20 = arith.cmpi ne, %convert_element_type3A_18, %cond3A_19 : i32
    scf.if %cond3A_20 {
      %add3A_38 = arith.constant 1 : i32
      %add3A_39 = arith.addi %arg0, %add3A_38 : i32
      %mul3A = arith.constant 512 : i32
      %mul3A_40 = arith.muli %add3A_39, %mul3A : i32
      %scan3A = arith.constant 0 : i32
      %scan3A_41 = arith.constant 512 : i32
      %scan3A_42 = arith.addi %scan3A, %scan3A_41 : i32
      %scan3A_43 = arith.constant 16 : i32
      scf.for %scan3A_45 = %scan3A to %scan3A_42 step %scan3A_43  : i32 {
        %add3A_46 = arith.addi %mul3A_40, %scan3A_45 : i32
        %get3A = arith.index_cast %add3A_46 : i32 to index
        %get3A_47 = memref.load %arg1[%get3A] : memref<8192xi32, #tpu.memory_space<smem>>
        %shift_right_arithmetic3A = arith.constant 7 : i32
        %shift_right_arithmetic3A_48 = arith.shrsi %get3A_47, %shift_right_arithmetic3A : i32
        %shift_left3A = arith.constant 7 : i32
        %shift_left3A_49 = arith.shli %shift_right_arithmetic3A_48, %shift_left3A : i32
        %multiple_of3A = tpu.assume_multiple %shift_left3A_49, 128 : i32
        %dma_start3A = arith.constant 0 : i32
        %dma_start3A_50 = arith.constant 0 : i32
        %dma_start3A_51 = tpu.memref_slice %arg6[%scan3A_45, %dma_start3A, %dma_start3A_50] : memref<512x32x128xf32, #tpu.memory_space<vmem>> -> memref<1x32x128xf32, #tpu.memory_space<vmem>>
        %dma_start3A_52 = tpu.memref_squeeze %dma_start3A_51 : memref<1x32x128xf32, #tpu.memory_space<vmem>> -> memref<32x128xf32, #tpu.memory_space<vmem>>
        %dma_start3A_53 = arith.constant 0 : i32
        %dma_start3A_54 = tpu.memref_slice %arg2[%dma_start3A_53, %multiple_of3A] : memref<32x1000000xf32, #tpu.memory_space<any>> -> memref<32x128xf32, #tpu.memory_space<any>>
        tpu.enqueue_dma source(%dma_start3A_54 : memref<32x128xf32, #tpu.memory_space<any>>) target(%dma_start3A_52 : memref<32x128xf32, #tpu.memory_space<vmem>>) target_semaphore(%arg8 : memref<!tpu.dma_semaphore, #tpu.memory_space<semaphore_mem>>)
        %scan3A_55 = arith.constant 1 : i32
        %scan3A_56 = arith.addi %scan3A_45, %scan3A_55 : i32
        %add3A_57 = arith.addi %mul3A_40, %scan3A_56 : i32
        %get3A_58 = arith.index_cast %add3A_57 : i32 to index
        %get3A_59 = memref.load %arg1[%get3A_58] : memref<8192xi32, #tpu.memory_space<smem>>
        %shift_right_arithmetic3A_60 = arith.constant 7 : i32
        %shift_right_arithmetic3A_61 = arith.shrsi %get3A_59, %shift_right_arithmetic3A_60 : i32
        %shift_left3A_62 = arith.constant 7 : i32
        %shift_left3A_63 = arith.shli %shift_right_arithmetic3A_61, %shift_left3A_62 : i32
        %multiple_of3A_64 = tpu.assume_multiple %shift_left3A_63, 128 : i32
        %dma_start3A_65 = arith.constant 0 : i32
        %dma_start3A_66 = arith.constant 0 : i32
        %dma_start3A_67 = tpu.memref_slice %arg6[%scan3A_56, %dma_start3A_65, %dma_start3A_66] : memref<512x32x128xf32, #tpu.memory_space<vmem>> -> memref<1x32x128xf32, #tpu.memory_space<vmem>>
        %dma_start3A_68 = tpu.memref_squeeze %dma_start3A_67 : memref<1x32x128xf32, #tpu.memory_space<vmem>> -> memref<32x128xf32, #tpu.memory_space<vmem>>
        %dma_start3A_69 = arith.constant 0 : i32
        %dma_start3A_70 = tpu.memref_slice %arg2[%dma_start3A_69, %multiple_of3A_64] : memref<32x1000000xf32, #tpu.memory_space<any>> -> memref<32x128xf32, #tpu.memory_space<any>>
        tpu.enqueue_dma source(%dma_start3A_70 : memref<32x128xf32, #tpu.memory_space<any>>) target(%dma_start3A_68 : memref<32x128xf32, #tpu.memory_space<vmem>>) target_semaphore(%arg8 : memref<!tpu.dma_semaphore, #tpu.memory_space<semaphore_mem>>)
        %scan3A_71 = arith.constant 2 : i32
        %scan3A_72 = arith.addi %scan3A_45, %scan3A_71 : i32
        %add3A_73 = arith.addi %mul3A_40, %scan3A_72 : i32
        %get3A_74 = arith.index_cast %add3A_73 : i32 to index
        %get3A_75 = memref.load %arg1[%get3A_74] : memref<8192xi32, #tpu.memory_space<smem>>
        %shift_right_arithmetic3A_76 = arith.constant 7 : i32
        %shift_right_arithmetic3A_77 = arith.shrsi %get3A_75, %shift_right_arithmetic3A_76 : i32
        %shift_left3A_78 = arith.constant 7 : i32
        %shift_left3A_79 = arith.shli %shift_right_arithmetic3A_77, %shift_left3A_78 : i32
        %multiple_of3A_80 = tpu.assume_multiple %shift_left3A_79, 128 : i32
        %dma_start3A_81 = arith.constant 0 : i32
        %dma_start3A_82 = arith.constant 0 : i32
        %dma_start3A_83 = tpu.memref_slice %arg6[%scan3A_72, %dma_start3A_81, %dma_start3A_82] : memref<512x32x128xf32, #tpu.memory_space<vmem>> -> memref<1x32x128xf32, #tpu.memory_space<vmem>>
        %dma_start3A_84 = tpu.memref_squeeze %dma_start3A_83 : memref<1x32x128xf32, #tpu.memory_space<vmem>> -> memref<32x128xf32, #tpu.memory_space<vmem>>
        %dma_start3A_85 = arith.constant 0 : i32
        %dma_start3A_86 = tpu.memref_slice %arg2[%dma_start3A_85, %multiple_of3A_80] : memref<32x1000000xf32, #tpu.memory_space<any>> -> memref<32x128xf32, #tpu.memory_space<any>>
        tpu.enqueue_dma source(%dma_start3A_86 : memref<32x128xf32, #tpu.memory_space<any>>) target(%dma_start3A_84 : memref<32x128xf32, #tpu.memory_space<vmem>>) target_semaphore(%arg8 : memref<!tpu.dma_semaphore, #tpu.memory_space<semaphore_mem>>)
        %scan3A_87 = arith.constant 3 : i32
        %scan3A_88 = arith.addi %scan3A_45, %scan3A_87 : i32
        %add3A_89 = arith.addi %mul3A_40, %scan3A_88 : i32
        %get3A_90 = arith.index_cast %add3A_89 : i32 to index
        %get3A_91 = memref.load %arg1[%get3A_90] : memref<8192xi32, #tpu.memory_space<smem>>
        %shift_right_arithmetic3A_92 = arith.constant 7 : i32
        %shift_right_arithmetic3A_93 = arith.shrsi %get3A_91, %shift_right_arithmetic3A_92 : i32
        %shift_left3A_94 = arith.constant 7 : i32
        %shift_left3A_95 = arith.shli %shift_right_arithmetic3A_93, %shift_left3A_94 : i32
        %multiple_of3A_96 = tpu.assume_multiple %shift_left3A_95, 128 : i32
        %dma_start3A_97 = arith.constant 0 : i32
        %dma_start3A_98 = arith.constant 0 : i32
        %dma_start3A_99 = tpu.memref_slice %arg6[%scan3A_88, %dma_start3A_97, %dma_start3A_98] : memref<512x32x128xf32, #tpu.memory_space<vmem>> -> memref<1x32x128xf32, #tpu.memory_space<vmem>>
        %dma_start3A_100 = tpu.memref_squeeze %dma_start3A_99 : memref<1x32x128xf32, #tpu.memory_space<vmem>> -> memref<32x128xf32, #tpu.memory_space<vmem>>
        %dma_start3A_101 = arith.constant 0 : i32
        %dma_start3A_102 = tpu.memref_slice %arg2[%dma_start3A_101, %multiple_of3A_96] : memref<32x1000000xf32, #tpu.memory_space<any>> -> memref<32x128xf32, #tpu.memory_space<any>>
        tpu.enqueue_dma source(%dma_start3A_102 : memref<32x128xf32, #tpu.memory_space<any>>) target(%dma_start3A_100 : memref<32x128xf32, #tpu.memory_space<vmem>>) target_semaphore(%arg8 : memref<!tpu.dma_semaphore, #tpu.memory_space<semaphore_mem>>)
        %scan3A_103 = arith.constant 4 : i32
        %scan3A_104 = arith.addi %scan3A_45, %scan3A_103 : i32
        %add3A_105 = arith.addi %mul3A_40, %scan3A_104 : i32
        %get3A_106 = arith.index_cast %add3A_105 : i32 to index
        %get3A_107 = memref.load %arg1[%get3A_106] : memref<8192xi32, #tpu.memory_space<smem>>
        %shift_right_arithmetic3A_108 = arith.constant 7 : i32
        %shift_right_arithmetic3A_109 = arith.shrsi %get3A_107, %shift_right_arithmetic3A_108 : i32
        %shift_left3A_110 = arith.constant 7 : i32
        %shift_left3A_111 = arith.shli %shift_right_arithmetic3A_109, %shift_left3A_110 : i32
        %multiple_of3A_112 = tpu.assume_multiple %shift_left3A_111, 128 : i32
        %dma_start3A_113 = arith.constant 0 : i32
        %dma_start3A_114 = arith.constant 0 : i32
        %dma_start3A_115 = tpu.memref_slice %arg6[%scan3A_104, %dma_start3A_113, %dma_start3A_114] : memref<512x32x128xf32, #tpu.memory_space<vmem>> -> memref<1x32x128xf32, #tpu.memory_space<vmem>>
        %dma_start3A_116 = tpu.memref_squeeze %dma_start3A_115 : memref<1x32x128xf32, #tpu.memory_space<vmem>> -> memref<32x128xf32, #tpu.memory_space<vmem>>
        %dma_start3A_117 = arith.constant 0 : i32
        %dma_start3A_118 = tpu.memref_slice %arg2[%dma_start3A_117, %multiple_of3A_112] : memref<32x1000000xf32, #tpu.memory_space<any>> -> memref<32x128xf32, #tpu.memory_space<any>>
        tpu.enqueue_dma source(%dma_start3A_118 : memref<32x128xf32, #tpu.memory_space<any>>) target(%dma_start3A_116 : memref<32x128xf32, #tpu.memory_space<vmem>>) target_semaphore(%arg8 : memref<!tpu.dma_semaphore, #tpu.memory_space<semaphore_mem>>)
        %scan3A_119 = arith.constant 5 : i32
        %scan3A_120 = arith.addi %scan3A_45, %scan3A_119 : i32
        %add3A_121 = arith.addi %mul3A_40, %scan3A_120 : i32
        %get3A_122 = arith.index_cast %add3A_121 : i32 to index
        %get3A_123 = memref.load %arg1[%get3A_122] : memref<8192xi32, #tpu.memory_space<smem>>
        %shift_right_arithmetic3A_124 = arith.constant 7 : i32
        %shift_right_arithmetic3A_125 = arith.shrsi %get3A_123, %shift_right_arithmetic3A_124 : i32
        %shift_left3A_126 = arith.constant 7 : i32
        %shift_left3A_127 = arith.shli %shift_right_arithmetic3A_125, %shift_left3A_126 : i32
        %multiple_of3A_128 = tpu.assume_multiple %shift_left3A_127, 128 : i32
        %dma_start3A_129 = arith.constant 0 : i32
        %dma_start3A_130 = arith.constant 0 : i32
        %dma_start3A_131 = tpu.memref_slice %arg6[%scan3A_120, %dma_start3A_129, %dma_start3A_130] : memref<512x32x128xf32, #tpu.memory_space<vmem>> -> memref<1x32x128xf32, #tpu.memory_space<vmem>>
        %dma_start3A_132 = tpu.memref_squeeze %dma_start3A_131 : memref<1x32x128xf32, #tpu.memory_space<vmem>> -> memref<32x128xf32, #tpu.memory_space<vmem>>
        %dma_start3A_133 = arith.constant 0 : i32
        %dma_start3A_134 = tpu.memref_slice %arg2[%dma_start3A_133, %multiple_of3A_128] : memref<32x1000000xf32, #tpu.memory_space<any>> -> memref<32x128xf32, #tpu.memory_space<any>>
        tpu.enqueue_dma source(%dma_start3A_134 : memref<32x128xf32, #tpu.memory_space<any>>) target(%dma_start3A_132 : memref<32x128xf32, #tpu.memory_space<vmem>>) target_semaphore(%arg8 : memref<!tpu.dma_semaphore, #tpu.memory_space<semaphore_mem>>)
        %scan3A_135 = arith.constant 6 : i32
        %scan3A_136 = arith.addi %scan3A_45, %scan3A_135 : i32
        %add3A_137 = arith.addi %mul3A_40, %scan3A_136 : i32
        %get3A_138 = arith.index_cast %add3A_137 : i32 to index
        %get3A_139 = memref.load %arg1[%get3A_138] : memref<8192xi32, #tpu.memory_space<smem>>
        %shift_right_arithmetic3A_140 = arith.constant 7 : i32
        %shift_right_arithmetic3A_141 = arith.shrsi %get3A_139, %shift_right_arithmetic3A_140 : i32
        %shift_left3A_142 = arith.constant 7 : i32
        %shift_left3A_143 = arith.shli %shift_right_arithmetic3A_141, %shift_left3A_142 : i32
        %multiple_of3A_144 = tpu.assume_multiple %shift_left3A_143, 128 : i32
        %dma_start3A_145 = arith.constant 0 : i32
        %dma_start3A_146 = arith.constant 0 : i32
        %dma_start3A_147 = tpu.memref_slice %arg6[%scan3A_136, %dma_start3A_145, %dma_start3A_146] : memref<512x32x128xf32, #tpu.memory_space<vmem>> -> memref<1x32x128xf32, #tpu.memory_space<vmem>>
        %dma_start3A_148 = tpu.memref_squeeze %dma_start3A_147 : memref<1x32x128xf32, #tpu.memory_space<vmem>> -> memref<32x128xf32, #tpu.memory_space<vmem>>
        %dma_start3A_149 = arith.constant 0 : i32
        %dma_start3A_150 = tpu.memref_slice %arg2[%dma_start3A_149, %multiple_of3A_144] : memref<32x1000000xf32, #tpu.memory_space<any>> -> memref<32x128xf32, #tpu.memory_space<any>>
        tpu.enqueue_dma source(%dma_start3A_150 : memref<32x128xf32, #tpu.memory_space<any>>) target(%dma_start3A_148 : memref<32x128xf32, #tpu.memory_space<vmem>>) target_semaphore(%arg8 : memref<!tpu.dma_semaphore, #tpu.memory_space<semaphore_mem>>)
        %scan3A_151 = arith.constant 7 : i32
        %scan3A_152 = arith.addi %scan3A_45, %scan3A_151 : i32
        %add3A_153 = arith.addi %mul3A_40, %scan3A_152 : i32
        %get3A_154 = arith.index_cast %add3A_153 : i32 to index
        %get3A_155 = memref.load %arg1[%get3A_154] : memref<8192xi32, #tpu.memory_space<smem>>
        %shift_right_arithmetic3A_156 = arith.constant 7 : i32
        %shift_right_arithmetic3A_157 = arith.shrsi %get3A_155, %shift_right_arithmetic3A_156 : i32
        %shift_left3A_158 = arith.constant 7 : i32
        %shift_left3A_159 = arith.shli %shift_right_arithmetic3A_157, %shift_left3A_158 : i32
        %multiple_of3A_160 = tpu.assume_multiple %shift_left3A_159, 128 : i32
        %dma_start3A_161 = arith.constant 0 : i32
        %dma_start3A_162 = arith.constant 0 : i32
        %dma_start3A_163 = tpu.memref_slice %arg6[%scan3A_152, %dma_start3A_161, %dma_start3A_162] : memref<512x32x128xf32, #tpu.memory_space<vmem>> -> memref<1x32x128xf32, #tpu.memory_space<vmem>>
        %dma_start3A_164 = tpu.memref_squeeze %dma_start3A_163 : memref<1x32x128xf32, #tpu.memory_space<vmem>> -> memref<32x128xf32, #tpu.memory_space<vmem>>
        %dma_start3A_165 = arith.constant 0 : i32
        %dma_start3A_166 = tpu.memref_slice %arg2[%dma_start3A_165, %multiple_of3A_160] : memref<32x1000000xf32, #tpu.memory_space<any>> -> memref<32x128xf32, #tpu.memory_space<any>>
        tpu.enqueue_dma source(%dma_start3A_166 : memref<32x128xf32, #tpu.memory_space<any>>) target(%dma_start3A_164 : memref<32x128xf32, #tpu.memory_space<vmem>>) target_semaphore(%arg8 : memref<!tpu.dma_semaphore, #tpu.memory_space<semaphore_mem>>)
        %scan3A_167 = arith.constant 8 : i32
        %scan3A_168 = arith.addi %scan3A_45, %scan3A_167 : i32
        %add3A_169 = arith.addi %mul3A_40, %scan3A_168 : i32
        %get3A_170 = arith.index_cast %add3A_169 : i32 to index
        %get3A_171 = memref.load %arg1[%get3A_170] : memref<8192xi32, #tpu.memory_space<smem>>
        %shift_right_arithmetic3A_172 = arith.constant 7 : i32
        %shift_right_arithmetic3A_173 = arith.shrsi %get3A_171, %shift_right_arithmetic3A_172 : i32
        %shift_left3A_174 = arith.constant 7 : i32
        %shift_left3A_175 = arith.shli %shift_right_arithmetic3A_173, %shift_left3A_174 : i32
        %multiple_of3A_176 = tpu.assume_multiple %shift_left3A_175, 128 : i32
        %dma_start3A_177 = arith.constant 0 : i32
        %dma_start3A_178 = arith.constant 0 : i32
        %dma_start3A_179 = tpu.memref_slice %arg6[%scan3A_168, %dma_start3A_177, %dma_start3A_178] : memref<512x32x128xf32, #tpu.memory_space<vmem>> -> memref<1x32x128xf32, #tpu.memory_space<vmem>>
        %dma_start3A_180 = tpu.memref_squeeze %dma_start3A_179 : memref<1x32x128xf32, #tpu.memory_space<vmem>> -> memref<32x128xf32, #tpu.memory_space<vmem>>
        %dma_start3A_181 = arith.constant 0 : i32
        %dma_start3A_182 = tpu.memref_slice %arg2[%dma_start3A_181, %multiple_of3A_176] : memref<32x1000000xf32, #tpu.memory_space<any>> -> memref<32x128xf32, #tpu.memory_space<any>>
        tpu.enqueue_dma source(%dma_start3A_182 : memref<32x128xf32, #tpu.memory_space<any>>) target(%dma_start3A_180 : memref<32x128xf32, #tpu.memory_space<vmem>>) target_semaphore(%arg8 : memref<!tpu.dma_semaphore, #tpu.memory_space<semaphore_mem>>)
        %scan3A_183 = arith.constant 9 : i32
        %scan3A_184 = arith.addi %scan3A_45, %scan3A_183 : i32
        %add3A_185 = arith.addi %mul3A_40, %scan3A_184 : i32
        %get3A_186 = arith.index_cast %add3A_185 : i32 to index
        %get3A_187 = memref.load %arg1[%get3A_186] : memref<8192xi32, #tpu.memory_space<smem>>
        %shift_right_arithmetic3A_188 = arith.constant 7 : i32
        %shift_right_arithmetic3A_189 = arith.shrsi %get3A_187, %shift_right_arithmetic3A_188 : i32
        %shift_left3A_190 = arith.constant 7 : i32
        %shift_left3A_191 = arith.shli %shift_right_arithmetic3A_189, %shift_left3A_190 : i32
        %multiple_of3A_192 = tpu.assume_multiple %shift_left3A_191, 128 : i32
        %dma_start3A_193 = arith.constant 0 : i32
        %dma_start3A_194 = arith.constant 0 : i32
        %dma_start3A_195 = tpu.memref_slice %arg6[%scan3A_184, %dma_start3A_193, %dma_start3A_194] : memref<512x32x128xf32, #tpu.memory_space<vmem>> -> memref<1x32x128xf32, #tpu.memory_space<vmem>>
        %dma_start3A_196 = tpu.memref_squeeze %dma_start3A_195 : memref<1x32x128xf32, #tpu.memory_space<vmem>> -> memref<32x128xf32, #tpu.memory_space<vmem>>
        %dma_start3A_197 = arith.constant 0 : i32
        %dma_start3A_198 = tpu.memref_slice %arg2[%dma_start3A_197, %multiple_of3A_192] : memref<32x1000000xf32, #tpu.memory_space<any>> -> memref<32x128xf32, #tpu.memory_space<any>>
        tpu.enqueue_dma source(%dma_start3A_198 : memref<32x128xf32, #tpu.memory_space<any>>) target(%dma_start3A_196 : memref<32x128xf32, #tpu.memory_space<vmem>>) target_semaphore(%arg8 : memref<!tpu.dma_semaphore, #tpu.memory_space<semaphore_mem>>)
        %scan3A_199 = arith.constant 10 : i32
        %scan3A_200 = arith.addi %scan3A_45, %scan3A_199 : i32
        %add3A_201 = arith.addi %mul3A_40, %scan3A_200 : i32
        %get3A_202 = arith.index_cast %add3A_201 : i32 to index
        %get3A_203 = memref.load %arg1[%get3A_202] : memref<8192xi32, #tpu.memory_space<smem>>
        %shift_right_arithmetic3A_204 = arith.constant 7 : i32
        %shift_right_arithmetic3A_205 = arith.shrsi %get3A_203, %shift_right_arithmetic3A_204 : i32
        %shift_left3A_206 = arith.constant 7 : i32
        %shift_left3A_207 = arith.shli %shift_right_arithmetic3A_205, %shift_left3A_206 : i32
        %multiple_of3A_208 = tpu.assume_multiple %shift_left3A_207, 128 : i32
        %dma_start3A_209 = arith.constant 0 : i32
        %dma_start3A_210 = arith.constant 0 : i32
        %dma_start3A_211 = tpu.memref_slice %arg6[%scan3A_200, %dma_start3A_209, %dma_start3A_210] : memref<512x32x128xf32, #tpu.memory_space<vmem>> -> memref<1x32x128xf32, #tpu.memory_space<vmem>>
        %dma_start3A_212 = tpu.memref_squeeze %dma_start3A_211 : memref<1x32x128xf32, #tpu.memory_space<vmem>> -> memref<32x128xf32, #tpu.memory_space<vmem>>
        %dma_start3A_213 = arith.constant 0 : i32
        %dma_start3A_214 = tpu.memref_slice %arg2[%dma_start3A_213, %multiple_of3A_208] : memref<32x1000000xf32, #tpu.memory_space<any>> -> memref<32x128xf32, #tpu.memory_space<any>>
        tpu.enqueue_dma source(%dma_start3A_214 : memref<32x128xf32, #tpu.memory_space<any>>) target(%dma_start3A_212 : memref<32x128xf32, #tpu.memory_space<vmem>>) target_semaphore(%arg8 : memref<!tpu.dma_semaphore, #tpu.memory_space<semaphore_mem>>)
        %scan3A_215 = arith.constant 11 : i32
        %scan3A_216 = arith.addi %scan3A_45, %scan3A_215 : i32
        %add3A_217 = arith.addi %mul3A_40, %scan3A_216 : i32
        %get3A_218 = arith.index_cast %add3A_217 : i32 to index
        %get3A_219 = memref.load %arg1[%get3A_218] : memref<8192xi32, #tpu.memory_space<smem>>
        %shift_right_arithmetic3A_220 = arith.constant 7 : i32
        %shift_right_arithmetic3A_221 = arith.shrsi %get3A_219, %shift_right_arithmetic3A_220 : i32
        %shift_left3A_222 = arith.constant 7 : i32
        %shift_left3A_223 = arith.shli %shift_right_arithmetic3A_221, %shift_left3A_222 : i32
        %multiple_of3A_224 = tpu.assume_multiple %shift_left3A_223, 128 : i32
        %dma_start3A_225 = arith.constant 0 : i32
        %dma_start3A_226 = arith.constant 0 : i32
        %dma_start3A_227 = tpu.memref_slice %arg6[%scan3A_216, %dma_start3A_225, %dma_start3A_226] : memref<512x32x128xf32, #tpu.memory_space<vmem>> -> memref<1x32x128xf32, #tpu.memory_space<vmem>>
        %dma_start3A_228 = tpu.memref_squeeze %dma_start3A_227 : memref<1x32x128xf32, #tpu.memory_space<vmem>> -> memref<32x128xf32, #tpu.memory_space<vmem>>
        %dma_start3A_229 = arith.constant 0 : i32
        %dma_start3A_230 = tpu.memref_slice %arg2[%dma_start3A_229, %multiple_of3A_224] : memref<32x1000000xf32, #tpu.memory_space<any>> -> memref<32x128xf32, #tpu.memory_space<any>>
        tpu.enqueue_dma source(%dma_start3A_230 : memref<32x128xf32, #tpu.memory_space<any>>) target(%dma_start3A_228 : memref<32x128xf32, #tpu.memory_space<vmem>>) target_semaphore(%arg8 : memref<!tpu.dma_semaphore, #tpu.memory_space<semaphore_mem>>)
        %scan3A_231 = arith.constant 12 : i32
        %scan3A_232 = arith.addi %scan3A_45, %scan3A_231 : i32
        %add3A_233 = arith.addi %mul3A_40, %scan3A_232 : i32
        %get3A_234 = arith.index_cast %add3A_233 : i32 to index
        %get3A_235 = memref.load %arg1[%get3A_234] : memref<8192xi32, #tpu.memory_space<smem>>
        %shift_right_arithmetic3A_236 = arith.constant 7 : i32
        %shift_right_arithmetic3A_237 = arith.shrsi %get3A_235, %shift_right_arithmetic3A_236 : i32
        %shift_left3A_238 = arith.constant 7 : i32
        %shift_left3A_239 = arith.shli %shift_right_arithmetic3A_237, %shift_left3A_238 : i32
        %multiple_of3A_240 = tpu.assume_multiple %shift_left3A_239, 128 : i32
        %dma_start3A_241 = arith.constant 0 : i32
        %dma_start3A_242 = arith.constant 0 : i32
        %dma_start3A_243 = tpu.memref_slice %arg6[%scan3A_232, %dma_start3A_241, %dma_start3A_242] : memref<512x32x128xf32, #tpu.memory_space<vmem>> -> memref<1x32x128xf32, #tpu.memory_space<vmem>>
        %dma_start3A_244 = tpu.memref_squeeze %dma_start3A_243 : memref<1x32x128xf32, #tpu.memory_space<vmem>> -> memref<32x128xf32, #tpu.memory_space<vmem>>
        %dma_start3A_245 = arith.constant 0 : i32
        %dma_start3A_246 = tpu.memref_slice %arg2[%dma_start3A_245, %multiple_of3A_240] : memref<32x1000000xf32, #tpu.memory_space<any>> -> memref<32x128xf32, #tpu.memory_space<any>>
        tpu.enqueue_dma source(%dma_start3A_246 : memref<32x128xf32, #tpu.memory_space<any>>) target(%dma_start3A_244 : memref<32x128xf32, #tpu.memory_space<vmem>>) target_semaphore(%arg8 : memref<!tpu.dma_semaphore, #tpu.memory_space<semaphore_mem>>)
        %scan3A_247 = arith.constant 13 : i32
        %scan3A_248 = arith.addi %scan3A_45, %scan3A_247 : i32
        %add3A_249 = arith.addi %mul3A_40, %scan3A_248 : i32
        %get3A_250 = arith.index_cast %add3A_249 : i32 to index
        %get3A_251 = memref.load %arg1[%get3A_250] : memref<8192xi32, #tpu.memory_space<smem>>
        %shift_right_arithmetic3A_252 = arith.constant 7 : i32
        %shift_right_arithmetic3A_253 = arith.shrsi %get3A_251, %shift_right_arithmetic3A_252 : i32
        %shift_left3A_254 = arith.constant 7 : i32
        %shift_left3A_255 = arith.shli %shift_right_arithmetic3A_253, %shift_left3A_254 : i32
        %multiple_of3A_256 = tpu.assume_multiple %shift_left3A_255, 128 : i32
        %dma_start3A_257 = arith.constant 0 : i32
        %dma_start3A_258 = arith.constant 0 : i32
        %dma_start3A_259 = tpu.memref_slice %arg6[%scan3A_248, %dma_start3A_257, %dma_start3A_258] : memref<512x32x128xf32, #tpu.memory_space<vmem>> -> memref<1x32x128xf32, #tpu.memory_space<vmem>>
        %dma_start3A_260 = tpu.memref_squeeze %dma_start3A_259 : memref<1x32x128xf32, #tpu.memory_space<vmem>> -> memref<32x128xf32, #tpu.memory_space<vmem>>
        %dma_start3A_261 = arith.constant 0 : i32
        %dma_start3A_262 = tpu.memref_slice %arg2[%dma_start3A_261, %multiple_of3A_256] : memref<32x1000000xf32, #tpu.memory_space<any>> -> memref<32x128xf32, #tpu.memory_space<any>>
        tpu.enqueue_dma source(%dma_start3A_262 : memref<32x128xf32, #tpu.memory_space<any>>) target(%dma_start3A_260 : memref<32x128xf32, #tpu.memory_space<vmem>>) target_semaphore(%arg8 : memref<!tpu.dma_semaphore, #tpu.memory_space<semaphore_mem>>)
        %scan3A_263 = arith.constant 14 : i32
        %scan3A_264 = arith.addi %scan3A_45, %scan3A_263 : i32
        %add3A_265 = arith.addi %mul3A_40, %scan3A_264 : i32
        %get3A_266 = arith.index_cast %add3A_265 : i32 to index
        %get3A_267 = memref.load %arg1[%get3A_266] : memref<8192xi32, #tpu.memory_space<smem>>
        %shift_right_arithmetic3A_268 = arith.constant 7 : i32
        %shift_right_arithmetic3A_269 = arith.shrsi %get3A_267, %shift_right_arithmetic3A_268 : i32
        %shift_left3A_270 = arith.constant 7 : i32
        %shift_left3A_271 = arith.shli %shift_right_arithmetic3A_269, %shift_left3A_270 : i32
        %multiple_of3A_272 = tpu.assume_multiple %shift_left3A_271, 128 : i32
        %dma_start3A_273 = arith.constant 0 : i32
        %dma_start3A_274 = arith.constant 0 : i32
        %dma_start3A_275 = tpu.memref_slice %arg6[%scan3A_264, %dma_start3A_273, %dma_start3A_274] : memref<512x32x128xf32, #tpu.memory_space<vmem>> -> memref<1x32x128xf32, #tpu.memory_space<vmem>>
        %dma_start3A_276 = tpu.memref_squeeze %dma_start3A_275 : memref<1x32x128xf32, #tpu.memory_space<vmem>> -> memref<32x128xf32, #tpu.memory_space<vmem>>
        %dma_start3A_277 = arith.constant 0 : i32
        %dma_start3A_278 = tpu.memref_slice %arg2[%dma_start3A_277, %multiple_of3A_272] : memref<32x1000000xf32, #tpu.memory_space<any>> -> memref<32x128xf32, #tpu.memory_space<any>>
        tpu.enqueue_dma source(%dma_start3A_278 : memref<32x128xf32, #tpu.memory_space<any>>) target(%dma_start3A_276 : memref<32x128xf32, #tpu.memory_space<vmem>>) target_semaphore(%arg8 : memref<!tpu.dma_semaphore, #tpu.memory_space<semaphore_mem>>)
        %scan3A_279 = arith.constant 15 : i32
        %scan3A_280 = arith.addi %scan3A_45, %scan3A_279 : i32
        %add3A_281 = arith.addi %mul3A_40, %scan3A_280 : i32
        %get3A_282 = arith.index_cast %add3A_281 : i32 to index
        %get3A_283 = memref.load %arg1[%get3A_282] : memref<8192xi32, #tpu.memory_space<smem>>
        %shift_right_arithmetic3A_284 = arith.constant 7 : i32
        %shift_right_arithmetic3A_285 = arith.shrsi %get3A_283, %shift_right_arithmetic3A_284 : i32
        %shift_left3A_286 = arith.constant 7 : i32
        %shift_left3A_287 = arith.shli %shift_right_arithmetic3A_285, %shift_left3A_286 : i32
        %multiple_of3A_288 = tpu.assume_multiple %shift_left3A_287, 128 : i32
        %dma_start3A_289 = arith.constant 0 : i32
        %dma_start3A_290 = arith.constant 0 : i32
        %dma_start3A_291 = tpu.memref_slice %arg6[%scan3A_280, %dma_start3A_289, %dma_start3A_290] : memref<512x32x128xf32, #tpu.memory_space<vmem>> -> memref<1x32x128xf32, #tpu.memory_space<vmem>>
        %dma_start3A_292 = tpu.memref_squeeze %dma_start3A_291 : memref<1x32x128xf32, #tpu.memory_space<vmem>> -> memref<32x128xf32, #tpu.memory_space<vmem>>
        %dma_start3A_293 = arith.constant 0 : i32
        %dma_start3A_294 = tpu.memref_slice %arg2[%dma_start3A_293, %multiple_of3A_288] : memref<32x1000000xf32, #tpu.memory_space<any>> -> memref<32x128xf32, #tpu.memory_space<any>>
        tpu.enqueue_dma source(%dma_start3A_294 : memref<32x128xf32, #tpu.memory_space<any>>) target(%dma_start3A_292 : memref<32x128xf32, #tpu.memory_space<vmem>>) target_semaphore(%arg8 : memref<!tpu.dma_semaphore, #tpu.memory_space<semaphore_mem>>)
      }
      %scan3A_44 = arith.constant 512 : i32
    } else {
    }
    %add3A_21 = arith.constant 1 : i32
    %add3A_22 = arith.addi %arg0, %add3A_21 : i32
    %lt3A_23 = arith.constant 16 : i32
    %lt3A_24 = arith.cmpi slt, %add3A_22, %lt3A_23 : i32
    %not3A = arith.constant true
    %not3A_25 = arith.xori %eq3A_12, %not3A : i1
    %and3A_26 = arith.andi %lt3A_24, %not3A_25 : i1
    %convert_element_type3A_27 = arith.extui %and3A_26 : i1 to i32
    %cond3A_28 = arith.constant 0 : i32
    %cond3A_29 = arith.cmpi ne, %convert_element_type3A_27, %cond3A_28 : i32
    scf.if %cond3A_29 {
      %add3A_38 = arith.constant 1 : i32
      %add3A_39 = arith.addi %arg0, %add3A_38 : i32
      %mul3A = arith.constant 512 : i32
      %mul3A_40 = arith.muli %add3A_39, %mul3A : i32
      %scan3A = arith.constant 0 : i32
      %scan3A_41 = arith.constant 512 : i32
      %scan3A_42 = arith.addi %scan3A, %scan3A_41 : i32
      %scan3A_43 = arith.constant 16 : i32
      scf.for %scan3A_45 = %scan3A to %scan3A_42 step %scan3A_43  : i32 {
        %add3A_46 = arith.addi %mul3A_40, %scan3A_45 : i32
        %get3A = arith.index_cast %add3A_46 : i32 to index
        %get3A_47 = memref.load %arg1[%get3A] : memref<8192xi32, #tpu.memory_space<smem>>
        %shift_right_arithmetic3A = arith.constant 7 : i32
        %shift_right_arithmetic3A_48 = arith.shrsi %get3A_47, %shift_right_arithmetic3A : i32
        %shift_left3A = arith.constant 7 : i32
        %shift_left3A_49 = arith.shli %shift_right_arithmetic3A_48, %shift_left3A : i32
        %multiple_of3A = tpu.assume_multiple %shift_left3A_49, 128 : i32
        %dma_start3A = arith.constant 0 : i32
        %dma_start3A_50 = arith.constant 0 : i32
        %dma_start3A_51 = tpu.memref_slice %arg5[%scan3A_45, %dma_start3A, %dma_start3A_50] : memref<512x32x128xf32, #tpu.memory_space<vmem>> -> memref<1x32x128xf32, #tpu.memory_space<vmem>>
        %dma_start3A_52 = tpu.memref_squeeze %dma_start3A_51 : memref<1x32x128xf32, #tpu.memory_space<vmem>> -> memref<32x128xf32, #tpu.memory_space<vmem>>
        %dma_start3A_53 = arith.constant 0 : i32
        %dma_start3A_54 = tpu.memref_slice %arg2[%dma_start3A_53, %multiple_of3A] : memref<32x1000000xf32, #tpu.memory_space<any>> -> memref<32x128xf32, #tpu.memory_space<any>>
        tpu.enqueue_dma source(%dma_start3A_54 : memref<32x128xf32, #tpu.memory_space<any>>) target(%dma_start3A_52 : memref<32x128xf32, #tpu.memory_space<vmem>>) target_semaphore(%arg7 : memref<!tpu.dma_semaphore, #tpu.memory_space<semaphore_mem>>)
        %scan3A_55 = arith.constant 1 : i32
        %scan3A_56 = arith.addi %scan3A_45, %scan3A_55 : i32
        %add3A_57 = arith.addi %mul3A_40, %scan3A_56 : i32
        %get3A_58 = arith.index_cast %add3A_57 : i32 to index
        %get3A_59 = memref.load %arg1[%get3A_58] : memref<8192xi32, #tpu.memory_space<smem>>
        %shift_right_arithmetic3A_60 = arith.constant 7 : i32
        %shift_right_arithmetic3A_61 = arith.shrsi %get3A_59, %shift_right_arithmetic3A_60 : i32
        %shift_left3A_62 = arith.constant 7 : i32
        %shift_left3A_63 = arith.shli %shift_right_arithmetic3A_61, %shift_left3A_62 : i32
        %multiple_of3A_64 = tpu.assume_multiple %shift_left3A_63, 128 : i32
        %dma_start3A_65 = arith.constant 0 : i32
        %dma_start3A_66 = arith.constant 0 : i32
        %dma_start3A_67 = tpu.memref_slice %arg5[%scan3A_56, %dma_start3A_65, %dma_start3A_66] : memref<512x32x128xf32, #tpu.memory_space<vmem>> -> memref<1x32x128xf32, #tpu.memory_space<vmem>>
        %dma_start3A_68 = tpu.memref_squeeze %dma_start3A_67 : memref<1x32x128xf32, #tpu.memory_space<vmem>> -> memref<32x128xf32, #tpu.memory_space<vmem>>
        %dma_start3A_69 = arith.constant 0 : i32
        %dma_start3A_70 = tpu.memref_slice %arg2[%dma_start3A_69, %multiple_of3A_64] : memref<32x1000000xf32, #tpu.memory_space<any>> -> memref<32x128xf32, #tpu.memory_space<any>>
        tpu.enqueue_dma source(%dma_start3A_70 : memref<32x128xf32, #tpu.memory_space<any>>) target(%dma_start3A_68 : memref<32x128xf32, #tpu.memory_space<vmem>>) target_semaphore(%arg7 : memref<!tpu.dma_semaphore, #tpu.memory_space<semaphore_mem>>)
        %scan3A_71 = arith.constant 2 : i32
        %scan3A_72 = arith.addi %scan3A_45, %scan3A_71 : i32
        %add3A_73 = arith.addi %mul3A_40, %scan3A_72 : i32
        %get3A_74 = arith.index_cast %add3A_73 : i32 to index
        %get3A_75 = memref.load %arg1[%get3A_74] : memref<8192xi32, #tpu.memory_space<smem>>
        %shift_right_arithmetic3A_76 = arith.constant 7 : i32
        %shift_right_arithmetic3A_77 = arith.shrsi %get3A_75, %shift_right_arithmetic3A_76 : i32
        %shift_left3A_78 = arith.constant 7 : i32
        %shift_left3A_79 = arith.shli %shift_right_arithmetic3A_77, %shift_left3A_78 : i32
        %multiple_of3A_80 = tpu.assume_multiple %shift_left3A_79, 128 : i32
        %dma_start3A_81 = arith.constant 0 : i32
        %dma_start3A_82 = arith.constant 0 : i32
        %dma_start3A_83 = tpu.memref_slice %arg5[%scan3A_72, %dma_start3A_81, %dma_start3A_82] : memref<512x32x128xf32, #tpu.memory_space<vmem>> -> memref<1x32x128xf32, #tpu.memory_space<vmem>>
        %dma_start3A_84 = tpu.memref_squeeze %dma_start3A_83 : memref<1x32x128xf32, #tpu.memory_space<vmem>> -> memref<32x128xf32, #tpu.memory_space<vmem>>
        %dma_start3A_85 = arith.constant 0 : i32
        %dma_start3A_86 = tpu.memref_slice %arg2[%dma_start3A_85, %multiple_of3A_80] : memref<32x1000000xf32, #tpu.memory_space<any>> -> memref<32x128xf32, #tpu.memory_space<any>>
        tpu.enqueue_dma source(%dma_start3A_86 : memref<32x128xf32, #tpu.memory_space<any>>) target(%dma_start3A_84 : memref<32x128xf32, #tpu.memory_space<vmem>>) target_semaphore(%arg7 : memref<!tpu.dma_semaphore, #tpu.memory_space<semaphore_mem>>)
        %scan3A_87 = arith.constant 3 : i32
        %scan3A_88 = arith.addi %scan3A_45, %scan3A_87 : i32
        %add3A_89 = arith.addi %mul3A_40, %scan3A_88 : i32
        %get3A_90 = arith.index_cast %add3A_89 : i32 to index
        %get3A_91 = memref.load %arg1[%get3A_90] : memref<8192xi32, #tpu.memory_space<smem>>
        %shift_right_arithmetic3A_92 = arith.constant 7 : i32
        %shift_right_arithmetic3A_93 = arith.shrsi %get3A_91, %shift_right_arithmetic3A_92 : i32
        %shift_left3A_94 = arith.constant 7 : i32
        %shift_left3A_95 = arith.shli %shift_right_arithmetic3A_93, %shift_left3A_94 : i32
        %multiple_of3A_96 = tpu.assume_multiple %shift_left3A_95, 128 : i32
        %dma_start3A_97 = arith.constant 0 : i32
        %dma_start3A_98 = arith.constant 0 : i32
        %dma_start3A_99 = tpu.memref_slice %arg5[%scan3A_88, %dma_start3A_97, %dma_start3A_98] : memref<512x32x128xf32, #tpu.memory_space<vmem>> -> memref<1x32x128xf32, #tpu.memory_space<vmem>>
        %dma_start3A_100 = tpu.memref_squeeze %dma_start3A_99 : memref<1x32x128xf32, #tpu.memory_space<vmem>> -> memref<32x128xf32, #tpu.memory_space<vmem>>
        %dma_start3A_101 = arith.constant 0 : i32
        %dma_start3A_102 = tpu.memref_slice %arg2[%dma_start3A_101, %multiple_of3A_96] : memref<32x1000000xf32, #tpu.memory_space<any>> -> memref<32x128xf32, #tpu.memory_space<any>>
        tpu.enqueue_dma source(%dma_start3A_102 : memref<32x128xf32, #tpu.memory_space<any>>) target(%dma_start3A_100 : memref<32x128xf32, #tpu.memory_space<vmem>>) target_semaphore(%arg7 : memref<!tpu.dma_semaphore, #tpu.memory_space<semaphore_mem>>)
        %scan3A_103 = arith.constant 4 : i32
        %scan3A_104 = arith.addi %scan3A_45, %scan3A_103 : i32
        %add3A_105 = arith.addi %mul3A_40, %scan3A_104 : i32
        %get3A_106 = arith.index_cast %add3A_105 : i32 to index
        %get3A_107 = memref.load %arg1[%get3A_106] : memref<8192xi32, #tpu.memory_space<smem>>
        %shift_right_arithmetic3A_108 = arith.constant 7 : i32
        %shift_right_arithmetic3A_109 = arith.shrsi %get3A_107, %shift_right_arithmetic3A_108 : i32
        %shift_left3A_110 = arith.constant 7 : i32
        %shift_left3A_111 = arith.shli %shift_right_arithmetic3A_109, %shift_left3A_110 : i32
        %multiple_of3A_112 = tpu.assume_multiple %shift_left3A_111, 128 : i32
        %dma_start3A_113 = arith.constant 0 : i32
        %dma_start3A_114 = arith.constant 0 : i32
        %dma_start3A_115 = tpu.memref_slice %arg5[%scan3A_104, %dma_start3A_113, %dma_start3A_114] : memref<512x32x128xf32, #tpu.memory_space<vmem>> -> memref<1x32x128xf32, #tpu.memory_space<vmem>>
        %dma_start3A_116 = tpu.memref_squeeze %dma_start3A_115 : memref<1x32x128xf32, #tpu.memory_space<vmem>> -> memref<32x128xf32, #tpu.memory_space<vmem>>
        %dma_start3A_117 = arith.constant 0 : i32
        %dma_start3A_118 = tpu.memref_slice %arg2[%dma_start3A_117, %multiple_of3A_112] : memref<32x1000000xf32, #tpu.memory_space<any>> -> memref<32x128xf32, #tpu.memory_space<any>>
        tpu.enqueue_dma source(%dma_start3A_118 : memref<32x128xf32, #tpu.memory_space<any>>) target(%dma_start3A_116 : memref<32x128xf32, #tpu.memory_space<vmem>>) target_semaphore(%arg7 : memref<!tpu.dma_semaphore, #tpu.memory_space<semaphore_mem>>)
        %scan3A_119 = arith.constant 5 : i32
        %scan3A_120 = arith.addi %scan3A_45, %scan3A_119 : i32
        %add3A_121 = arith.addi %mul3A_40, %scan3A_120 : i32
        %get3A_122 = arith.index_cast %add3A_121 : i32 to index
        %get3A_123 = memref.load %arg1[%get3A_122] : memref<8192xi32, #tpu.memory_space<smem>>
        %shift_right_arithmetic3A_124 = arith.constant 7 : i32
        %shift_right_arithmetic3A_125 = arith.shrsi %get3A_123, %shift_right_arithmetic3A_124 : i32
        %shift_left3A_126 = arith.constant 7 : i32
        %shift_left3A_127 = arith.shli %shift_right_arithmetic3A_125, %shift_left3A_126 : i32
        %multiple_of3A_128 = tpu.assume_multiple %shift_left3A_127, 128 : i32
        %dma_start3A_129 = arith.constant 0 : i32
        %dma_start3A_130 = arith.constant 0 : i32
        %dma_start3A_131 = tpu.memref_slice %arg5[%scan3A_120, %dma_start3A_129, %dma_start3A_130] : memref<512x32x128xf32, #tpu.memory_space<vmem>> -> memref<1x32x128xf32, #tpu.memory_space<vmem>>
        %dma_start3A_132 = tpu.memref_squeeze %dma_start3A_131 : memref<1x32x128xf32, #tpu.memory_space<vmem>> -> memref<32x128xf32, #tpu.memory_space<vmem>>
        %dma_start3A_133 = arith.constant 0 : i32
        %dma_start3A_134 = tpu.memref_slice %arg2[%dma_start3A_133, %multiple_of3A_128] : memref<32x1000000xf32, #tpu.memory_space<any>> -> memref<32x128xf32, #tpu.memory_space<any>>
        tpu.enqueue_dma source(%dma_start3A_134 : memref<32x128xf32, #tpu.memory_space<any>>) target(%dma_start3A_132 : memref<32x128xf32, #tpu.memory_space<vmem>>) target_semaphore(%arg7 : memref<!tpu.dma_semaphore, #tpu.memory_space<semaphore_mem>>)
        %scan3A_135 = arith.constant 6 : i32
        %scan3A_136 = arith.addi %scan3A_45, %scan3A_135 : i32
        %add3A_137 = arith.addi %mul3A_40, %scan3A_136 : i32
        %get3A_138 = arith.index_cast %add3A_137 : i32 to index
        %get3A_139 = memref.load %arg1[%get3A_138] : memref<8192xi32, #tpu.memory_space<smem>>
        %shift_right_arithmetic3A_140 = arith.constant 7 : i32
        %shift_right_arithmetic3A_141 = arith.shrsi %get3A_139, %shift_right_arithmetic3A_140 : i32
        %shift_left3A_142 = arith.constant 7 : i32
        %shift_left3A_143 = arith.shli %shift_right_arithmetic3A_141, %shift_left3A_142 : i32
        %multiple_of3A_144 = tpu.assume_multiple %shift_left3A_143, 128 : i32
        %dma_start3A_145 = arith.constant 0 : i32
        %dma_start3A_146 = arith.constant 0 : i32
        %dma_start3A_147 = tpu.memref_slice %arg5[%scan3A_136, %dma_start3A_145, %dma_start3A_146] : memref<512x32x128xf32, #tpu.memory_space<vmem>> -> memref<1x32x128xf32, #tpu.memory_space<vmem>>
        %dma_start3A_148 = tpu.memref_squeeze %dma_start3A_147 : memref<1x32x128xf32, #tpu.memory_space<vmem>> -> memref<32x128xf32, #tpu.memory_space<vmem>>
        %dma_start3A_149 = arith.constant 0 : i32
        %dma_start3A_150 = tpu.memref_slice %arg2[%dma_start3A_149, %multiple_of3A_144] : memref<32x1000000xf32, #tpu.memory_space<any>> -> memref<32x128xf32, #tpu.memory_space<any>>
        tpu.enqueue_dma source(%dma_start3A_150 : memref<32x128xf32, #tpu.memory_space<any>>) target(%dma_start3A_148 : memref<32x128xf32, #tpu.memory_space<vmem>>) target_semaphore(%arg7 : memref<!tpu.dma_semaphore, #tpu.memory_space<semaphore_mem>>)
        %scan3A_151 = arith.constant 7 : i32
        %scan3A_152 = arith.addi %scan3A_45, %scan3A_151 : i32
        %add3A_153 = arith.addi %mul3A_40, %scan3A_152 : i32
        %get3A_154 = arith.index_cast %add3A_153 : i32 to index
        %get3A_155 = memref.load %arg1[%get3A_154] : memref<8192xi32, #tpu.memory_space<smem>>
        %shift_right_arithmetic3A_156 = arith.constant 7 : i32
        %shift_right_arithmetic3A_157 = arith.shrsi %get3A_155, %shift_right_arithmetic3A_156 : i32
        %shift_left3A_158 = arith.constant 7 : i32
        %shift_left3A_159 = arith.shli %shift_right_arithmetic3A_157, %shift_left3A_158 : i32
        %multiple_of3A_160 = tpu.assume_multiple %shift_left3A_159, 128 : i32
        %dma_start3A_161 = arith.constant 0 : i32
        %dma_start3A_162 = arith.constant 0 : i32
        %dma_start3A_163 = tpu.memref_slice %arg5[%scan3A_152, %dma_start3A_161, %dma_start3A_162] : memref<512x32x128xf32, #tpu.memory_space<vmem>> -> memref<1x32x128xf32, #tpu.memory_space<vmem>>
        %dma_start3A_164 = tpu.memref_squeeze %dma_start3A_163 : memref<1x32x128xf32, #tpu.memory_space<vmem>> -> memref<32x128xf32, #tpu.memory_space<vmem>>
        %dma_start3A_165 = arith.constant 0 : i32
        %dma_start3A_166 = tpu.memref_slice %arg2[%dma_start3A_165, %multiple_of3A_160] : memref<32x1000000xf32, #tpu.memory_space<any>> -> memref<32x128xf32, #tpu.memory_space<any>>
        tpu.enqueue_dma source(%dma_start3A_166 : memref<32x128xf32, #tpu.memory_space<any>>) target(%dma_start3A_164 : memref<32x128xf32, #tpu.memory_space<vmem>>) target_semaphore(%arg7 : memref<!tpu.dma_semaphore, #tpu.memory_space<semaphore_mem>>)
        %scan3A_167 = arith.constant 8 : i32
        %scan3A_168 = arith.addi %scan3A_45, %scan3A_167 : i32
        %add3A_169 = arith.addi %mul3A_40, %scan3A_168 : i32
        %get3A_170 = arith.index_cast %add3A_169 : i32 to index
        %get3A_171 = memref.load %arg1[%get3A_170] : memref<8192xi32, #tpu.memory_space<smem>>
        %shift_right_arithmetic3A_172 = arith.constant 7 : i32
        %shift_right_arithmetic3A_173 = arith.shrsi %get3A_171, %shift_right_arithmetic3A_172 : i32
        %shift_left3A_174 = arith.constant 7 : i32
        %shift_left3A_175 = arith.shli %shift_right_arithmetic3A_173, %shift_left3A_174 : i32
        %multiple_of3A_176 = tpu.assume_multiple %shift_left3A_175, 128 : i32
        %dma_start3A_177 = arith.constant 0 : i32
        %dma_start3A_178 = arith.constant 0 : i32
        %dma_start3A_179 = tpu.memref_slice %arg5[%scan3A_168, %dma_start3A_177, %dma_start3A_178] : memref<512x32x128xf32, #tpu.memory_space<vmem>> -> memref<1x32x128xf32, #tpu.memory_space<vmem>>
        %dma_start3A_180 = tpu.memref_squeeze %dma_start3A_179 : memref<1x32x128xf32, #tpu.memory_space<vmem>> -> memref<32x128xf32, #tpu.memory_space<vmem>>
        %dma_start3A_181 = arith.constant 0 : i32
        %dma_start3A_182 = tpu.memref_slice %arg2[%dma_start3A_181, %multiple_of3A_176] : memref<32x1000000xf32, #tpu.memory_space<any>> -> memref<32x128xf32, #tpu.memory_space<any>>
        tpu.enqueue_dma source(%dma_start3A_182 : memref<32x128xf32, #tpu.memory_space<any>>) target(%dma_start3A_180 : memref<32x128xf32, #tpu.memory_space<vmem>>) target_semaphore(%arg7 : memref<!tpu.dma_semaphore, #tpu.memory_space<semaphore_mem>>)
        %scan3A_183 = arith.constant 9 : i32
        %scan3A_184 = arith.addi %scan3A_45, %scan3A_183 : i32
        %add3A_185 = arith.addi %mul3A_40, %scan3A_184 : i32
        %get3A_186 = arith.index_cast %add3A_185 : i32 to index
        %get3A_187 = memref.load %arg1[%get3A_186] : memref<8192xi32, #tpu.memory_space<smem>>
        %shift_right_arithmetic3A_188 = arith.constant 7 : i32
        %shift_right_arithmetic3A_189 = arith.shrsi %get3A_187, %shift_right_arithmetic3A_188 : i32
        %shift_left3A_190 = arith.constant 7 : i32
        %shift_left3A_191 = arith.shli %shift_right_arithmetic3A_189, %shift_left3A_190 : i32
        %multiple_of3A_192 = tpu.assume_multiple %shift_left3A_191, 128 : i32
        %dma_start3A_193 = arith.constant 0 : i32
        %dma_start3A_194 = arith.constant 0 : i32
        %dma_start3A_195 = tpu.memref_slice %arg5[%scan3A_184, %dma_start3A_193, %dma_start3A_194] : memref<512x32x128xf32, #tpu.memory_space<vmem>> -> memref<1x32x128xf32, #tpu.memory_space<vmem>>
        %dma_start3A_196 = tpu.memref_squeeze %dma_start3A_195 : memref<1x32x128xf32, #tpu.memory_space<vmem>> -> memref<32x128xf32, #tpu.memory_space<vmem>>
        %dma_start3A_197 = arith.constant 0 : i32
        %dma_start3A_198 = tpu.memref_slice %arg2[%dma_start3A_197, %multiple_of3A_192] : memref<32x1000000xf32, #tpu.memory_space<any>> -> memref<32x128xf32, #tpu.memory_space<any>>
        tpu.enqueue_dma source(%dma_start3A_198 : memref<32x128xf32, #tpu.memory_space<any>>) target(%dma_start3A_196 : memref<32x128xf32, #tpu.memory_space<vmem>>) target_semaphore(%arg7 : memref<!tpu.dma_semaphore, #tpu.memory_space<semaphore_mem>>)
        %scan3A_199 = arith.constant 10 : i32
        %scan3A_200 = arith.addi %scan3A_45, %scan3A_199 : i32
        %add3A_201 = arith.addi %mul3A_40, %scan3A_200 : i32
        %get3A_202 = arith.index_cast %add3A_201 : i32 to index
        %get3A_203 = memref.load %arg1[%get3A_202] : memref<8192xi32, #tpu.memory_space<smem>>
        %shift_right_arithmetic3A_204 = arith.constant 7 : i32
        %shift_right_arithmetic3A_205 = arith.shrsi %get3A_203, %shift_right_arithmetic3A_204 : i32
        %shift_left3A_206 = arith.constant 7 : i32
        %shift_left3A_207 = arith.shli %shift_right_arithmetic3A_205, %shift_left3A_206 : i32
        %multiple_of3A_208 = tpu.assume_multiple %shift_left3A_207, 128 : i32
        %dma_start3A_209 = arith.constant 0 : i32
        %dma_start3A_210 = arith.constant 0 : i32
        %dma_start3A_211 = tpu.memref_slice %arg5[%scan3A_200, %dma_start3A_209, %dma_start3A_210] : memref<512x32x128xf32, #tpu.memory_space<vmem>> -> memref<1x32x128xf32, #tpu.memory_space<vmem>>
        %dma_start3A_212 = tpu.memref_squeeze %dma_start3A_211 : memref<1x32x128xf32, #tpu.memory_space<vmem>> -> memref<32x128xf32, #tpu.memory_space<vmem>>
        %dma_start3A_213 = arith.constant 0 : i32
        %dma_start3A_214 = tpu.memref_slice %arg2[%dma_start3A_213, %multiple_of3A_208] : memref<32x1000000xf32, #tpu.memory_space<any>> -> memref<32x128xf32, #tpu.memory_space<any>>
        tpu.enqueue_dma source(%dma_start3A_214 : memref<32x128xf32, #tpu.memory_space<any>>) target(%dma_start3A_212 : memref<32x128xf32, #tpu.memory_space<vmem>>) target_semaphore(%arg7 : memref<!tpu.dma_semaphore, #tpu.memory_space<semaphore_mem>>)
        %scan3A_215 = arith.constant 11 : i32
        %scan3A_216 = arith.addi %scan3A_45, %scan3A_215 : i32
        %add3A_217 = arith.addi %mul3A_40, %scan3A_216 : i32
        %get3A_218 = arith.index_cast %add3A_217 : i32 to index
        %get3A_219 = memref.load %arg1[%get3A_218] : memref<8192xi32, #tpu.memory_space<smem>>
        %shift_right_arithmetic3A_220 = arith.constant 7 : i32
        %shift_right_arithmetic3A_221 = arith.shrsi %get3A_219, %shift_right_arithmetic3A_220 : i32
        %shift_left3A_222 = arith.constant 7 : i32
        %shift_left3A_223 = arith.shli %shift_right_arithmetic3A_221, %shift_left3A_222 : i32
        %multiple_of3A_224 = tpu.assume_multiple %shift_left3A_223, 128 : i32
        %dma_start3A_225 = arith.constant 0 : i32
        %dma_start3A_226 = arith.constant 0 : i32
        %dma_start3A_227 = tpu.memref_slice %arg5[%scan3A_216, %dma_start3A_225, %dma_start3A_226] : memref<512x32x128xf32, #tpu.memory_space<vmem>> -> memref<1x32x128xf32, #tpu.memory_space<vmem>>
        %dma_start3A_228 = tpu.memref_squeeze %dma_start3A_227 : memref<1x32x128xf32, #tpu.memory_space<vmem>> -> memref<32x128xf32, #tpu.memory_space<vmem>>
        %dma_start3A_229 = arith.constant 0 : i32
        %dma_start3A_230 = tpu.memref_slice %arg2[%dma_start3A_229, %multiple_of3A_224] : memref<32x1000000xf32, #tpu.memory_space<any>> -> memref<32x128xf32, #tpu.memory_space<any>>
        tpu.enqueue_dma source(%dma_start3A_230 : memref<32x128xf32, #tpu.memory_space<any>>) target(%dma_start3A_228 : memref<32x128xf32, #tpu.memory_space<vmem>>) target_semaphore(%arg7 : memref<!tpu.dma_semaphore, #tpu.memory_space<semaphore_mem>>)
        %scan3A_231 = arith.constant 12 : i32
        %scan3A_232 = arith.addi %scan3A_45, %scan3A_231 : i32
        %add3A_233 = arith.addi %mul3A_40, %scan3A_232 : i32
        %get3A_234 = arith.index_cast %add3A_233 : i32 to index
        %get3A_235 = memref.load %arg1[%get3A_234] : memref<8192xi32, #tpu.memory_space<smem>>
        %shift_right_arithmetic3A_236 = arith.constant 7 : i32
        %shift_right_arithmetic3A_237 = arith.shrsi %get3A_235, %shift_right_arithmetic3A_236 : i32
        %shift_left3A_238 = arith.constant 7 : i32
        %shift_left3A_239 = arith.shli %shift_right_arithmetic3A_237, %shift_left3A_238 : i32
        %multiple_of3A_240 = tpu.assume_multiple %shift_left3A_239, 128 : i32
        %dma_start3A_241 = arith.constant 0 : i32
        %dma_start3A_242 = arith.constant 0 : i32
        %dma_start3A_243 = tpu.memref_slice %arg5[%scan3A_232, %dma_start3A_241, %dma_start3A_242] : memref<512x32x128xf32, #tpu.memory_space<vmem>> -> memref<1x32x128xf32, #tpu.memory_space<vmem>>
        %dma_start3A_244 = tpu.memref_squeeze %dma_start3A_243 : memref<1x32x128xf32, #tpu.memory_space<vmem>> -> memref<32x128xf32, #tpu.memory_space<vmem>>
        %dma_start3A_245 = arith.constant 0 : i32
        %dma_start3A_246 = tpu.memref_slice %arg2[%dma_start3A_245, %multiple_of3A_240] : memref<32x1000000xf32, #tpu.memory_space<any>> -> memref<32x128xf32, #tpu.memory_space<any>>
        tpu.enqueue_dma source(%dma_start3A_246 : memref<32x128xf32, #tpu.memory_space<any>>) target(%dma_start3A_244 : memref<32x128xf32, #tpu.memory_space<vmem>>) target_semaphore(%arg7 : memref<!tpu.dma_semaphore, #tpu.memory_space<semaphore_mem>>)
        %scan3A_247 = arith.constant 13 : i32
        %scan3A_248 = arith.addi %scan3A_45, %scan3A_247 : i32
        %add3A_249 = arith.addi %mul3A_40, %scan3A_248 : i32
        %get3A_250 = arith.index_cast %add3A_249 : i32 to index
        %get3A_251 = memref.load %arg1[%get3A_250] : memref<8192xi32, #tpu.memory_space<smem>>
        %shift_right_arithmetic3A_252 = arith.constant 7 : i32
        %shift_right_arithmetic3A_253 = arith.shrsi %get3A_251, %shift_right_arithmetic3A_252 : i32
        %shift_left3A_254 = arith.constant 7 : i32
        %shift_left3A_255 = arith.shli %shift_right_arithmetic3A_253, %shift_left3A_254 : i32
        %multiple_of3A_256 = tpu.assume_multiple %shift_left3A_255, 128 : i32
        %dma_start3A_257 = arith.constant 0 : i32
        %dma_start3A_258 = arith.constant 0 : i32
        %dma_start3A_259 = tpu.memref_slice %arg5[%scan3A_248, %dma_start3A_257, %dma_start3A_258] : memref<512x32x128xf32, #tpu.memory_space<vmem>> -> memref<1x32x128xf32, #tpu.memory_space<vmem>>
        %dma_start3A_260 = tpu.memref_squeeze %dma_start3A_259 : memref<1x32x128xf32, #tpu.memory_space<vmem>> -> memref<32x128xf32, #tpu.memory_space<vmem>>
        %dma_start3A_261 = arith.constant 0 : i32
        %dma_start3A_262 = tpu.memref_slice %arg2[%dma_start3A_261, %multiple_of3A_256] : memref<32x1000000xf32, #tpu.memory_space<any>> -> memref<32x128xf32, #tpu.memory_space<any>>
        tpu.enqueue_dma source(%dma_start3A_262 : memref<32x128xf32, #tpu.memory_space<any>>) target(%dma_start3A_260 : memref<32x128xf32, #tpu.memory_space<vmem>>) target_semaphore(%arg7 : memref<!tpu.dma_semaphore, #tpu.memory_space<semaphore_mem>>)
        %scan3A_263 = arith.constant 14 : i32
        %scan3A_264 = arith.addi %scan3A_45, %scan3A_263 : i32
        %add3A_265 = arith.addi %mul3A_40, %scan3A_264 : i32
        %get3A_266 = arith.index_cast %add3A_265 : i32 to index
        %get3A_267 = memref.load %arg1[%get3A_266] : memref<8192xi32, #tpu.memory_space<smem>>
        %shift_right_arithmetic3A_268 = arith.constant 7 : i32
        %shift_right_arithmetic3A_269 = arith.shrsi %get3A_267, %shift_right_arithmetic3A_268 : i32
        %shift_left3A_270 = arith.constant 7 : i32
        %shift_left3A_271 = arith.shli %shift_right_arithmetic3A_269, %shift_left3A_270 : i32
        %multiple_of3A_272 = tpu.assume_multiple %shift_left3A_271, 128 : i32
        %dma_start3A_273 = arith.constant 0 : i32
        %dma_start3A_274 = arith.constant 0 : i32
        %dma_start3A_275 = tpu.memref_slice %arg5[%scan3A_264, %dma_start3A_273, %dma_start3A_274] : memref<512x32x128xf32, #tpu.memory_space<vmem>> -> memref<1x32x128xf32, #tpu.memory_space<vmem>>
        %dma_start3A_276 = tpu.memref_squeeze %dma_start3A_275 : memref<1x32x128xf32, #tpu.memory_space<vmem>> -> memref<32x128xf32, #tpu.memory_space<vmem>>
        %dma_start3A_277 = arith.constant 0 : i32
        %dma_start3A_278 = tpu.memref_slice %arg2[%dma_start3A_277, %multiple_of3A_272] : memref<32x1000000xf32, #tpu.memory_space<any>> -> memref<32x128xf32, #tpu.memory_space<any>>
        tpu.enqueue_dma source(%dma_start3A_278 : memref<32x128xf32, #tpu.memory_space<any>>) target(%dma_start3A_276 : memref<32x128xf32, #tpu.memory_space<vmem>>) target_semaphore(%arg7 : memref<!tpu.dma_semaphore, #tpu.memory_space<semaphore_mem>>)
        %scan3A_279 = arith.constant 15 : i32
        %scan3A_280 = arith.addi %scan3A_45, %scan3A_279 : i32
        %add3A_281 = arith.addi %mul3A_40, %scan3A_280 : i32
        %get3A_282 = arith.index_cast %add3A_281 : i32 to index
        %get3A_283 = memref.load %arg1[%get3A_282] : memref<8192xi32, #tpu.memory_space<smem>>
        %shift_right_arithmetic3A_284 = arith.constant 7 : i32
        %shift_right_arithmetic3A_285 = arith.shrsi %get3A_283, %shift_right_arithmetic3A_284 : i32
        %shift_left3A_286 = arith.constant 7 : i32
        %shift_left3A_287 = arith.shli %shift_right_arithmetic3A_285, %shift_left3A_286 : i32
        %multiple_of3A_288 = tpu.assume_multiple %shift_left3A_287, 128 : i32
        %dma_start3A_289 = arith.constant 0 : i32
        %dma_start3A_290 = arith.constant 0 : i32
        %dma_start3A_291 = tpu.memref_slice %arg5[%scan3A_280, %dma_start3A_289, %dma_start3A_290] : memref<512x32x128xf32, #tpu.memory_space<vmem>> -> memref<1x32x128xf32, #tpu.memory_space<vmem>>
        %dma_start3A_292 = tpu.memref_squeeze %dma_start3A_291 : memref<1x32x128xf32, #tpu.memory_space<vmem>> -> memref<32x128xf32, #tpu.memory_space<vmem>>
        %dma_start3A_293 = arith.constant 0 : i32
        %dma_start3A_294 = tpu.memref_slice %arg2[%dma_start3A_293, %multiple_of3A_288] : memref<32x1000000xf32, #tpu.memory_space<any>> -> memref<32x128xf32, #tpu.memory_space<any>>
        tpu.enqueue_dma source(%dma_start3A_294 : memref<32x128xf32, #tpu.memory_space<any>>) target(%dma_start3A_292 : memref<32x128xf32, #tpu.memory_space<vmem>>) target_semaphore(%arg7 : memref<!tpu.dma_semaphore, #tpu.memory_space<semaphore_mem>>)
      }
      %scan3A_44 = arith.constant 512 : i32
    } else {
    }
    %convert_element_type3A_30 = arith.extui %eq3A_12 : i1 to i32
    %cond3A_31 = arith.constant 0 : i32
    %cond3A_32 = arith.cmpi ne, %convert_element_type3A_30, %cond3A_31 : i32
    scf.if %cond3A_32 {
      %scan3A = arith.constant 0 : i32
      %scan3A_38 = arith.constant 512 : i32
      %scan3A_39 = arith.addi %scan3A, %scan3A_38 : i32
      %scan3A_40 = arith.constant 16 : i32
      scf.for %scan3A_59 = %scan3A to %scan3A_39 step %scan3A_40  : i32 {
        %dma_wait3A = arith.constant 0 : i32
        %dma_wait3A_60 = arith.constant 0 : i32
        %dma_wait3A_61 = tpu.memref_slice %arg5[%scan3A_59, %dma_wait3A, %dma_wait3A_60] : memref<512x32x128xf32, #tpu.memory_space<vmem>> -> memref<1x32x128xf32, #tpu.memory_space<vmem>>
        %dma_wait3A_62 = tpu.memref_squeeze %dma_wait3A_61 : memref<1x32x128xf32, #tpu.memory_space<vmem>> -> memref<32x128xf32, #tpu.memory_space<vmem>>
        %dma_wait3A_63 = arith.constant 0 : i32
        %dma_wait3A_64 = arith.constant 0 : i32
        %dma_wait3A_65 = tpu.memref_slice %arg2[%dma_wait3A_63, %dma_wait3A_64] : memref<32x1000000xf32, #tpu.memory_space<any>> -> memref<32x128xf32, #tpu.memory_space<any>>
        tpu.wait_dma2 semaphore(%arg7 : memref<!tpu.dma_semaphore, #tpu.memory_space<semaphore_mem>>) src(%dma_wait3A_65 : memref<32x128xf32, #tpu.memory_space<any>>) dst(%dma_wait3A_62 : memref<32x128xf32, #tpu.memory_space<vmem>>)
        %scan3A_66 = arith.constant 1 : i32
        %scan3A_67 = arith.addi %scan3A_59, %scan3A_66 : i32
        %dma_wait3A_68 = arith.constant 0 : i32
        %dma_wait3A_69 = arith.constant 0 : i32
        %dma_wait3A_70 = tpu.memref_slice %arg5[%scan3A_67, %dma_wait3A_68, %dma_wait3A_69] : memref<512x32x128xf32, #tpu.memory_space<vmem>> -> memref<1x32x128xf32, #tpu.memory_space<vmem>>
        %dma_wait3A_71 = tpu.memref_squeeze %dma_wait3A_70 : memref<1x32x128xf32, #tpu.memory_space<vmem>> -> memref<32x128xf32, #tpu.memory_space<vmem>>
        %dma_wait3A_72 = arith.constant 0 : i32
        %dma_wait3A_73 = arith.constant 0 : i32
        %dma_wait3A_74 = tpu.memref_slice %arg2[%dma_wait3A_72, %dma_wait3A_73] : memref<32x1000000xf32, #tpu.memory_space<any>> -> memref<32x128xf32, #tpu.memory_space<any>>
        tpu.wait_dma2 semaphore(%arg7 : memref<!tpu.dma_semaphore, #tpu.memory_space<semaphore_mem>>) src(%dma_wait3A_74 : memref<32x128xf32, #tpu.memory_space<any>>) dst(%dma_wait3A_71 : memref<32x128xf32, #tpu.memory_space<vmem>>)
        %scan3A_75 = arith.constant 2 : i32
        %scan3A_76 = arith.addi %scan3A_59, %scan3A_75 : i32
        %dma_wait3A_77 = arith.constant 0 : i32
        %dma_wait3A_78 = arith.constant 0 : i32
        %dma_wait3A_79 = tpu.memref_slice %arg5[%scan3A_76, %dma_wait3A_77, %dma_wait3A_78] : memref<512x32x128xf32, #tpu.memory_space<vmem>> -> memref<1x32x128xf32, #tpu.memory_space<vmem>>
        %dma_wait3A_80 = tpu.memref_squeeze %dma_wait3A_79 : memref<1x32x128xf32, #tpu.memory_space<vmem>> -> memref<32x128xf32, #tpu.memory_space<vmem>>
        %dma_wait3A_81 = arith.constant 0 : i32
        %dma_wait3A_82 = arith.constant 0 : i32
        %dma_wait3A_83 = tpu.memref_slice %arg2[%dma_wait3A_81, %dma_wait3A_82] : memref<32x1000000xf32, #tpu.memory_space<any>> -> memref<32x128xf32, #tpu.memory_space<any>>
        tpu.wait_dma2 semaphore(%arg7 : memref<!tpu.dma_semaphore, #tpu.memory_space<semaphore_mem>>) src(%dma_wait3A_83 : memref<32x128xf32, #tpu.memory_space<any>>) dst(%dma_wait3A_80 : memref<32x128xf32, #tpu.memory_space<vmem>>)
        %scan3A_84 = arith.constant 3 : i32
        %scan3A_85 = arith.addi %scan3A_59, %scan3A_84 : i32
        %dma_wait3A_86 = arith.constant 0 : i32
        %dma_wait3A_87 = arith.constant 0 : i32
        %dma_wait3A_88 = tpu.memref_slice %arg5[%scan3A_85, %dma_wait3A_86, %dma_wait3A_87] : memref<512x32x128xf32, #tpu.memory_space<vmem>> -> memref<1x32x128xf32, #tpu.memory_space<vmem>>
        %dma_wait3A_89 = tpu.memref_squeeze %dma_wait3A_88 : memref<1x32x128xf32, #tpu.memory_space<vmem>> -> memref<32x128xf32, #tpu.memory_space<vmem>>
        %dma_wait3A_90 = arith.constant 0 : i32
        %dma_wait3A_91 = arith.constant 0 : i32
        %dma_wait3A_92 = tpu.memref_slice %arg2[%dma_wait3A_90, %dma_wait3A_91] : memref<32x1000000xf32, #tpu.memory_space<any>> -> memref<32x128xf32, #tpu.memory_space<any>>
        tpu.wait_dma2 semaphore(%arg7 : memref<!tpu.dma_semaphore, #tpu.memory_space<semaphore_mem>>) src(%dma_wait3A_92 : memref<32x128xf32, #tpu.memory_space<any>>) dst(%dma_wait3A_89 : memref<32x128xf32, #tpu.memory_space<vmem>>)
        %scan3A_93 = arith.constant 4 : i32
        %scan3A_94 = arith.addi %scan3A_59, %scan3A_93 : i32
        %dma_wait3A_95 = arith.constant 0 : i32
        %dma_wait3A_96 = arith.constant 0 : i32
        %dma_wait3A_97 = tpu.memref_slice %arg5[%scan3A_94, %dma_wait3A_95, %dma_wait3A_96] : memref<512x32x128xf32, #tpu.memory_space<vmem>> -> memref<1x32x128xf32, #tpu.memory_space<vmem>>
        %dma_wait3A_98 = tpu.memref_squeeze %dma_wait3A_97 : memref<1x32x128xf32, #tpu.memory_space<vmem>> -> memref<32x128xf32, #tpu.memory_space<vmem>>
        %dma_wait3A_99 = arith.constant 0 : i32
        %dma_wait3A_100 = arith.constant 0 : i32
        %dma_wait3A_101 = tpu.memref_slice %arg2[%dma_wait3A_99, %dma_wait3A_100] : memref<32x1000000xf32, #tpu.memory_space<any>> -> memref<32x128xf32, #tpu.memory_space<any>>
        tpu.wait_dma2 semaphore(%arg7 : memref<!tpu.dma_semaphore, #tpu.memory_space<semaphore_mem>>) src(%dma_wait3A_101 : memref<32x128xf32, #tpu.memory_space<any>>) dst(%dma_wait3A_98 : memref<32x128xf32, #tpu.memory_space<vmem>>)
        %scan3A_102 = arith.constant 5 : i32
        %scan3A_103 = arith.addi %scan3A_59, %scan3A_102 : i32
        %dma_wait3A_104 = arith.constant 0 : i32
        %dma_wait3A_105 = arith.constant 0 : i32
        %dma_wait3A_106 = tpu.memref_slice %arg5[%scan3A_103, %dma_wait3A_104, %dma_wait3A_105] : memref<512x32x128xf32, #tpu.memory_space<vmem>> -> memref<1x32x128xf32, #tpu.memory_space<vmem>>
        %dma_wait3A_107 = tpu.memref_squeeze %dma_wait3A_106 : memref<1x32x128xf32, #tpu.memory_space<vmem>> -> memref<32x128xf32, #tpu.memory_space<vmem>>
        %dma_wait3A_108 = arith.constant 0 : i32
        %dma_wait3A_109 = arith.constant 0 : i32
        %dma_wait3A_110 = tpu.memref_slice %arg2[%dma_wait3A_108, %dma_wait3A_109] : memref<32x1000000xf32, #tpu.memory_space<any>> -> memref<32x128xf32, #tpu.memory_space<any>>
        tpu.wait_dma2 semaphore(%arg7 : memref<!tpu.dma_semaphore, #tpu.memory_space<semaphore_mem>>) src(%dma_wait3A_110 : memref<32x128xf32, #tpu.memory_space<any>>) dst(%dma_wait3A_107 : memref<32x128xf32, #tpu.memory_space<vmem>>)
        %scan3A_111 = arith.constant 6 : i32
        %scan3A_112 = arith.addi %scan3A_59, %scan3A_111 : i32
        %dma_wait3A_113 = arith.constant 0 : i32
        %dma_wait3A_114 = arith.constant 0 : i32
        %dma_wait3A_115 = tpu.memref_slice %arg5[%scan3A_112, %dma_wait3A_113, %dma_wait3A_114] : memref<512x32x128xf32, #tpu.memory_space<vmem>> -> memref<1x32x128xf32, #tpu.memory_space<vmem>>
        %dma_wait3A_116 = tpu.memref_squeeze %dma_wait3A_115 : memref<1x32x128xf32, #tpu.memory_space<vmem>> -> memref<32x128xf32, #tpu.memory_space<vmem>>
        %dma_wait3A_117 = arith.constant 0 : i32
        %dma_wait3A_118 = arith.constant 0 : i32
        %dma_wait3A_119 = tpu.memref_slice %arg2[%dma_wait3A_117, %dma_wait3A_118] : memref<32x1000000xf32, #tpu.memory_space<any>> -> memref<32x128xf32, #tpu.memory_space<any>>
        tpu.wait_dma2 semaphore(%arg7 : memref<!tpu.dma_semaphore, #tpu.memory_space<semaphore_mem>>) src(%dma_wait3A_119 : memref<32x128xf32, #tpu.memory_space<any>>) dst(%dma_wait3A_116 : memref<32x128xf32, #tpu.memory_space<vmem>>)
        %scan3A_120 = arith.constant 7 : i32
        %scan3A_121 = arith.addi %scan3A_59, %scan3A_120 : i32
        %dma_wait3A_122 = arith.constant 0 : i32
        %dma_wait3A_123 = arith.constant 0 : i32
        %dma_wait3A_124 = tpu.memref_slice %arg5[%scan3A_121, %dma_wait3A_122, %dma_wait3A_123] : memref<512x32x128xf32, #tpu.memory_space<vmem>> -> memref<1x32x128xf32, #tpu.memory_space<vmem>>
        %dma_wait3A_125 = tpu.memref_squeeze %dma_wait3A_124 : memref<1x32x128xf32, #tpu.memory_space<vmem>> -> memref<32x128xf32, #tpu.memory_space<vmem>>
        %dma_wait3A_126 = arith.constant 0 : i32
        %dma_wait3A_127 = arith.constant 0 : i32
        %dma_wait3A_128 = tpu.memref_slice %arg2[%dma_wait3A_126, %dma_wait3A_127] : memref<32x1000000xf32, #tpu.memory_space<any>> -> memref<32x128xf32, #tpu.memory_space<any>>
        tpu.wait_dma2 semaphore(%arg7 : memref<!tpu.dma_semaphore, #tpu.memory_space<semaphore_mem>>) src(%dma_wait3A_128 : memref<32x128xf32, #tpu.memory_space<any>>) dst(%dma_wait3A_125 : memref<32x128xf32, #tpu.memory_space<vmem>>)
        %scan3A_129 = arith.constant 8 : i32
        %scan3A_130 = arith.addi %scan3A_59, %scan3A_129 : i32
        %dma_wait3A_131 = arith.constant 0 : i32
        %dma_wait3A_132 = arith.constant 0 : i32
        %dma_wait3A_133 = tpu.memref_slice %arg5[%scan3A_130, %dma_wait3A_131, %dma_wait3A_132] : memref<512x32x128xf32, #tpu.memory_space<vmem>> -> memref<1x32x128xf32, #tpu.memory_space<vmem>>
        %dma_wait3A_134 = tpu.memref_squeeze %dma_wait3A_133 : memref<1x32x128xf32, #tpu.memory_space<vmem>> -> memref<32x128xf32, #tpu.memory_space<vmem>>
        %dma_wait3A_135 = arith.constant 0 : i32
        %dma_wait3A_136 = arith.constant 0 : i32
        %dma_wait3A_137 = tpu.memref_slice %arg2[%dma_wait3A_135, %dma_wait3A_136] : memref<32x1000000xf32, #tpu.memory_space<any>> -> memref<32x128xf32, #tpu.memory_space<any>>
        tpu.wait_dma2 semaphore(%arg7 : memref<!tpu.dma_semaphore, #tpu.memory_space<semaphore_mem>>) src(%dma_wait3A_137 : memref<32x128xf32, #tpu.memory_space<any>>) dst(%dma_wait3A_134 : memref<32x128xf32, #tpu.memory_space<vmem>>)
        %scan3A_138 = arith.constant 9 : i32
        %scan3A_139 = arith.addi %scan3A_59, %scan3A_138 : i32
        %dma_wait3A_140 = arith.constant 0 : i32
        %dma_wait3A_141 = arith.constant 0 : i32
        %dma_wait3A_142 = tpu.memref_slice %arg5[%scan3A_139, %dma_wait3A_140, %dma_wait3A_141] : memref<512x32x128xf32, #tpu.memory_space<vmem>> -> memref<1x32x128xf32, #tpu.memory_space<vmem>>
        %dma_wait3A_143 = tpu.memref_squeeze %dma_wait3A_142 : memref<1x32x128xf32, #tpu.memory_space<vmem>> -> memref<32x128xf32, #tpu.memory_space<vmem>>
        %dma_wait3A_144 = arith.constant 0 : i32
        %dma_wait3A_145 = arith.constant 0 : i32
        %dma_wait3A_146 = tpu.memref_slice %arg2[%dma_wait3A_144, %dma_wait3A_145] : memref<32x1000000xf32, #tpu.memory_space<any>> -> memref<32x128xf32, #tpu.memory_space<any>>
        tpu.wait_dma2 semaphore(%arg7 : memref<!tpu.dma_semaphore, #tpu.memory_space<semaphore_mem>>) src(%dma_wait3A_146 : memref<32x128xf32, #tpu.memory_space<any>>) dst(%dma_wait3A_143 : memref<32x128xf32, #tpu.memory_space<vmem>>)
        %scan3A_147 = arith.constant 10 : i32
        %scan3A_148 = arith.addi %scan3A_59, %scan3A_147 : i32
        %dma_wait3A_149 = arith.constant 0 : i32
        %dma_wait3A_150 = arith.constant 0 : i32
        %dma_wait3A_151 = tpu.memref_slice %arg5[%scan3A_148, %dma_wait3A_149, %dma_wait3A_150] : memref<512x32x128xf32, #tpu.memory_space<vmem>> -> memref<1x32x128xf32, #tpu.memory_space<vmem>>
        %dma_wait3A_152 = tpu.memref_squeeze %dma_wait3A_151 : memref<1x32x128xf32, #tpu.memory_space<vmem>> -> memref<32x128xf32, #tpu.memory_space<vmem>>
        %dma_wait3A_153 = arith.constant 0 : i32
        %dma_wait3A_154 = arith.constant 0 : i32
        %dma_wait3A_155 = tpu.memref_slice %arg2[%dma_wait3A_153, %dma_wait3A_154] : memref<32x1000000xf32, #tpu.memory_space<any>> -> memref<32x128xf32, #tpu.memory_space<any>>
        tpu.wait_dma2 semaphore(%arg7 : memref<!tpu.dma_semaphore, #tpu.memory_space<semaphore_mem>>) src(%dma_wait3A_155 : memref<32x128xf32, #tpu.memory_space<any>>) dst(%dma_wait3A_152 : memref<32x128xf32, #tpu.memory_space<vmem>>)
        %scan3A_156 = arith.constant 11 : i32
        %scan3A_157 = arith.addi %scan3A_59, %scan3A_156 : i32
        %dma_wait3A_158 = arith.constant 0 : i32
        %dma_wait3A_159 = arith.constant 0 : i32
        %dma_wait3A_160 = tpu.memref_slice %arg5[%scan3A_157, %dma_wait3A_158, %dma_wait3A_159] : memref<512x32x128xf32, #tpu.memory_space<vmem>> -> memref<1x32x128xf32, #tpu.memory_space<vmem>>
        %dma_wait3A_161 = tpu.memref_squeeze %dma_wait3A_160 : memref<1x32x128xf32, #tpu.memory_space<vmem>> -> memref<32x128xf32, #tpu.memory_space<vmem>>
        %dma_wait3A_162 = arith.constant 0 : i32
        %dma_wait3A_163 = arith.constant 0 : i32
        %dma_wait3A_164 = tpu.memref_slice %arg2[%dma_wait3A_162, %dma_wait3A_163] : memref<32x1000000xf32, #tpu.memory_space<any>> -> memref<32x128xf32, #tpu.memory_space<any>>
        tpu.wait_dma2 semaphore(%arg7 : memref<!tpu.dma_semaphore, #tpu.memory_space<semaphore_mem>>) src(%dma_wait3A_164 : memref<32x128xf32, #tpu.memory_space<any>>) dst(%dma_wait3A_161 : memref<32x128xf32, #tpu.memory_space<vmem>>)
        %scan3A_165 = arith.constant 12 : i32
        %scan3A_166 = arith.addi %scan3A_59, %scan3A_165 : i32
        %dma_wait3A_167 = arith.constant 0 : i32
        %dma_wait3A_168 = arith.constant 0 : i32
        %dma_wait3A_169 = tpu.memref_slice %arg5[%scan3A_166, %dma_wait3A_167, %dma_wait3A_168] : memref<512x32x128xf32, #tpu.memory_space<vmem>> -> memref<1x32x128xf32, #tpu.memory_space<vmem>>
        %dma_wait3A_170 = tpu.memref_squeeze %dma_wait3A_169 : memref<1x32x128xf32, #tpu.memory_space<vmem>> -> memref<32x128xf32, #tpu.memory_space<vmem>>
        %dma_wait3A_171 = arith.constant 0 : i32
        %dma_wait3A_172 = arith.constant 0 : i32
        %dma_wait3A_173 = tpu.memref_slice %arg2[%dma_wait3A_171, %dma_wait3A_172] : memref<32x1000000xf32, #tpu.memory_space<any>> -> memref<32x128xf32, #tpu.memory_space<any>>
        tpu.wait_dma2 semaphore(%arg7 : memref<!tpu.dma_semaphore, #tpu.memory_space<semaphore_mem>>) src(%dma_wait3A_173 : memref<32x128xf32, #tpu.memory_space<any>>) dst(%dma_wait3A_170 : memref<32x128xf32, #tpu.memory_space<vmem>>)
        %scan3A_174 = arith.constant 13 : i32
        %scan3A_175 = arith.addi %scan3A_59, %scan3A_174 : i32
        %dma_wait3A_176 = arith.constant 0 : i32
        %dma_wait3A_177 = arith.constant 0 : i32
        %dma_wait3A_178 = tpu.memref_slice %arg5[%scan3A_175, %dma_wait3A_176, %dma_wait3A_177] : memref<512x32x128xf32, #tpu.memory_space<vmem>> -> memref<1x32x128xf32, #tpu.memory_space<vmem>>
        %dma_wait3A_179 = tpu.memref_squeeze %dma_wait3A_178 : memref<1x32x128xf32, #tpu.memory_space<vmem>> -> memref<32x128xf32, #tpu.memory_space<vmem>>
        %dma_wait3A_180 = arith.constant 0 : i32
        %dma_wait3A_181 = arith.constant 0 : i32
        %dma_wait3A_182 = tpu.memref_slice %arg2[%dma_wait3A_180, %dma_wait3A_181] : memref<32x1000000xf32, #tpu.memory_space<any>> -> memref<32x128xf32, #tpu.memory_space<any>>
        tpu.wait_dma2 semaphore(%arg7 : memref<!tpu.dma_semaphore, #tpu.memory_space<semaphore_mem>>) src(%dma_wait3A_182 : memref<32x128xf32, #tpu.memory_space<any>>) dst(%dma_wait3A_179 : memref<32x128xf32, #tpu.memory_space<vmem>>)
        %scan3A_183 = arith.constant 14 : i32
        %scan3A_184 = arith.addi %scan3A_59, %scan3A_183 : i32
        %dma_wait3A_185 = arith.constant 0 : i32
        %dma_wait3A_186 = arith.constant 0 : i32
        %dma_wait3A_187 = tpu.memref_slice %arg5[%scan3A_184, %dma_wait3A_185, %dma_wait3A_186] : memref<512x32x128xf32, #tpu.memory_space<vmem>> -> memref<1x32x128xf32, #tpu.memory_space<vmem>>
        %dma_wait3A_188 = tpu.memref_squeeze %dma_wait3A_187 : memref<1x32x128xf32, #tpu.memory_space<vmem>> -> memref<32x128xf32, #tpu.memory_space<vmem>>
        %dma_wait3A_189 = arith.constant 0 : i32
        %dma_wait3A_190 = arith.constant 0 : i32
        %dma_wait3A_191 = tpu.memref_slice %arg2[%dma_wait3A_189, %dma_wait3A_190] : memref<32x1000000xf32, #tpu.memory_space<any>> -> memref<32x128xf32, #tpu.memory_space<any>>
        tpu.wait_dma2 semaphore(%arg7 : memref<!tpu.dma_semaphore, #tpu.memory_space<semaphore_mem>>) src(%dma_wait3A_191 : memref<32x128xf32, #tpu.memory_space<any>>) dst(%dma_wait3A_188 : memref<32x128xf32, #tpu.memory_space<vmem>>)
        %scan3A_192 = arith.constant 15 : i32
        %scan3A_193 = arith.addi %scan3A_59, %scan3A_192 : i32
        %dma_wait3A_194 = arith.constant 0 : i32
        %dma_wait3A_195 = arith.constant 0 : i32
        %dma_wait3A_196 = tpu.memref_slice %arg5[%scan3A_193, %dma_wait3A_194, %dma_wait3A_195] : memref<512x32x128xf32, #tpu.memory_space<vmem>> -> memref<1x32x128xf32, #tpu.memory_space<vmem>>
        %dma_wait3A_197 = tpu.memref_squeeze %dma_wait3A_196 : memref<1x32x128xf32, #tpu.memory_space<vmem>> -> memref<32x128xf32, #tpu.memory_space<vmem>>
        %dma_wait3A_198 = arith.constant 0 : i32
        %dma_wait3A_199 = arith.constant 0 : i32
        %dma_wait3A_200 = tpu.memref_slice %arg2[%dma_wait3A_198, %dma_wait3A_199] : memref<32x1000000xf32, #tpu.memory_space<any>> -> memref<32x128xf32, #tpu.memory_space<any>>
        tpu.wait_dma2 semaphore(%arg7 : memref<!tpu.dma_semaphore, #tpu.memory_space<semaphore_mem>>) src(%dma_wait3A_200 : memref<32x128xf32, #tpu.memory_space<any>>) dst(%dma_wait3A_197 : memref<32x128xf32, #tpu.memory_space<vmem>>)
      }
      %scan3A_41 = arith.constant 512 : i32
      %get3A = arith.constant 0 : index
      %get3A_42 = arith.constant 0 : index
      %get3A_43 = arith.constant 0 : index
      %get3A_44 = vector.load %arg5[%get3A, %get3A_42, %get3A_43] : memref<512x32x128xf32, #tpu.memory_space<vmem>>, vector<512x32x128xf32>
      %get3A_45 = arith.constant 0 : index
      %get3A_46 = arith.constant 0 : index
      %get3A_47 = vector.load %arg3[%get3A_45, %get3A_46] : memref<512x1xi32, #tpu.memory_space<vmem>>, vector<512x1xi32>
      %and3A_48 = arith.constant 127 : i32
      %and3A_49 = vector.broadcast %and3A_48 : i32 to vector<512x1xi32>
      %and3A_50 = arith.andi %get3A_47, %and3A_49 : vector<512x1xi32>
      %broadcast_in_dim3A = vector.shape_cast %and3A_50 : vector<512x1xi32> to vector<512x1x1xi32>
      %iota3A = tpu.iota {dimensions = array<i32: 2>} : vector<512x32x128xi32>
      %eq3A_51 = vector.broadcast %broadcast_in_dim3A : vector<512x1x1xi32> to vector<512x32x128xi32>
      %eq3A_52 = arith.cmpi eq, %iota3A, %eq3A_51 : vector<512x32x128xi32>
      %jit3A_53 = arith.constant 0.000000e+00 : f32
      %broadcast_in_dim3A_54 = vector.broadcast %jit3A_53 : f32 to vector<512x32x128xf32>
      %select_n3A_55 = arith.select %eq3A_52, %get3A_44, %broadcast_in_dim3A_54 : vector<512x32x128xi1>, vector<512x32x128xf32>
      %reduce_sum3A = arith.constant dense<0.000000e+00> : vector<512x32xf32>
      %reduce_sum3A_56 = vector.multi_reduction <add>, %select_n3A_55, %reduce_sum3A [2] : vector<512x32x128xf32> to vector<512x32xf32>
      %swap3A = arith.constant 0 : index
      %swap3A_57 = arith.constant 0 : index
      %swap3A_58 = vector.load %arg4[%swap3A, %swap3A_57] : memref<512x32xf32, #tpu.memory_space<vmem>>, vector<512x32xf32>
      tpu.vector_store %arg4[%swap3A, %swap3A_57], %reduce_sum3A_56 {strides = array<i32>} : memref<512x32xf32, #tpu.memory_space<vmem>>, vector<512x32xf32>,
    } else {
    }
    %not3A_33 = arith.constant true
    %not3A_34 = arith.xori %eq3A_12, %not3A_33 : i1
    %convert_element_type3A_35 = arith.extui %not3A_34 : i1 to i32
    %cond3A_36 = arith.constant 0 : i32
    %cond3A_37 = arith.cmpi ne, %convert_element_type3A_35, %cond3A_36 : i32
    scf.if %cond3A_37 {
      %scan3A = arith.constant 0 : i32
      %scan3A_38 = arith.constant 512 : i32
      %scan3A_39 = arith.addi %scan3A, %scan3A_38 : i32
      %scan3A_40 = arith.constant 16 : i32
      scf.for %scan3A_59 = %scan3A to %scan3A_39 step %scan3A_40  : i32 {
        %dma_wait3A = arith.constant 0 : i32
        %dma_wait3A_60 = arith.constant 0 : i32
        %dma_wait3A_61 = tpu.memref_slice %arg6[%scan3A_59, %dma_wait3A, %dma_wait3A_60] : memref<512x32x128xf32, #tpu.memory_space<vmem>> -> memref<1x32x128xf32, #tpu.memory_space<vmem>>
        %dma_wait3A_62 = tpu.memref_squeeze %dma_wait3A_61 : memref<1x32x128xf32, #tpu.memory_space<vmem>> -> memref<32x128xf32, #tpu.memory_space<vmem>>
        %dma_wait3A_63 = arith.constant 0 : i32
        %dma_wait3A_64 = arith.constant 0 : i32
        %dma_wait3A_65 = tpu.memref_slice %arg2[%dma_wait3A_63, %dma_wait3A_64] : memref<32x1000000xf32, #tpu.memory_space<any>> -> memref<32x128xf32, #tpu.memory_space<any>>
        tpu.wait_dma2 semaphore(%arg8 : memref<!tpu.dma_semaphore, #tpu.memory_space<semaphore_mem>>) src(%dma_wait3A_65 : memref<32x128xf32, #tpu.memory_space<any>>) dst(%dma_wait3A_62 : memref<32x128xf32, #tpu.memory_space<vmem>>)
        %scan3A_66 = arith.constant 1 : i32
        %scan3A_67 = arith.addi %scan3A_59, %scan3A_66 : i32
        %dma_wait3A_68 = arith.constant 0 : i32
        %dma_wait3A_69 = arith.constant 0 : i32
        %dma_wait3A_70 = tpu.memref_slice %arg6[%scan3A_67, %dma_wait3A_68, %dma_wait3A_69] : memref<512x32x128xf32, #tpu.memory_space<vmem>> -> memref<1x32x128xf32, #tpu.memory_space<vmem>>
        %dma_wait3A_71 = tpu.memref_squeeze %dma_wait3A_70 : memref<1x32x128xf32, #tpu.memory_space<vmem>> -> memref<32x128xf32, #tpu.memory_space<vmem>>
        %dma_wait3A_72 = arith.constant 0 : i32
        %dma_wait3A_73 = arith.constant 0 : i32
        %dma_wait3A_74 = tpu.memref_slice %arg2[%dma_wait3A_72, %dma_wait3A_73] : memref<32x1000000xf32, #tpu.memory_space<any>> -> memref<32x128xf32, #tpu.memory_space<any>>
        tpu.wait_dma2 semaphore(%arg8 : memref<!tpu.dma_semaphore, #tpu.memory_space<semaphore_mem>>) src(%dma_wait3A_74 : memref<32x128xf32, #tpu.memory_space<any>>) dst(%dma_wait3A_71 : memref<32x128xf32, #tpu.memory_space<vmem>>)
        %scan3A_75 = arith.constant 2 : i32
        %scan3A_76 = arith.addi %scan3A_59, %scan3A_75 : i32
        %dma_wait3A_77 = arith.constant 0 : i32
        %dma_wait3A_78 = arith.constant 0 : i32
        %dma_wait3A_79 = tpu.memref_slice %arg6[%scan3A_76, %dma_wait3A_77, %dma_wait3A_78] : memref<512x32x128xf32, #tpu.memory_space<vmem>> -> memref<1x32x128xf32, #tpu.memory_space<vmem>>
        %dma_wait3A_80 = tpu.memref_squeeze %dma_wait3A_79 : memref<1x32x128xf32, #tpu.memory_space<vmem>> -> memref<32x128xf32, #tpu.memory_space<vmem>>
        %dma_wait3A_81 = arith.constant 0 : i32
        %dma_wait3A_82 = arith.constant 0 : i32
        %dma_wait3A_83 = tpu.memref_slice %arg2[%dma_wait3A_81, %dma_wait3A_82] : memref<32x1000000xf32, #tpu.memory_space<any>> -> memref<32x128xf32, #tpu.memory_space<any>>
        tpu.wait_dma2 semaphore(%arg8 : memref<!tpu.dma_semaphore, #tpu.memory_space<semaphore_mem>>) src(%dma_wait3A_83 : memref<32x128xf32, #tpu.memory_space<any>>) dst(%dma_wait3A_80 : memref<32x128xf32, #tpu.memory_space<vmem>>)
        %scan3A_84 = arith.constant 3 : i32
        %scan3A_85 = arith.addi %scan3A_59, %scan3A_84 : i32
        %dma_wait3A_86 = arith.constant 0 : i32
        %dma_wait3A_87 = arith.constant 0 : i32
        %dma_wait3A_88 = tpu.memref_slice %arg6[%scan3A_85, %dma_wait3A_86, %dma_wait3A_87] : memref<512x32x128xf32, #tpu.memory_space<vmem>> -> memref<1x32x128xf32, #tpu.memory_space<vmem>>
        %dma_wait3A_89 = tpu.memref_squeeze %dma_wait3A_88 : memref<1x32x128xf32, #tpu.memory_space<vmem>> -> memref<32x128xf32, #tpu.memory_space<vmem>>
        %dma_wait3A_90 = arith.constant 0 : i32
        %dma_wait3A_91 = arith.constant 0 : i32
        %dma_wait3A_92 = tpu.memref_slice %arg2[%dma_wait3A_90, %dma_wait3A_91] : memref<32x1000000xf32, #tpu.memory_space<any>> -> memref<32x128xf32, #tpu.memory_space<any>>
        tpu.wait_dma2 semaphore(%arg8 : memref<!tpu.dma_semaphore, #tpu.memory_space<semaphore_mem>>) src(%dma_wait3A_92 : memref<32x128xf32, #tpu.memory_space<any>>) dst(%dma_wait3A_89 : memref<32x128xf32, #tpu.memory_space<vmem>>)
        %scan3A_93 = arith.constant 4 : i32
        %scan3A_94 = arith.addi %scan3A_59, %scan3A_93 : i32
        %dma_wait3A_95 = arith.constant 0 : i32
        %dma_wait3A_96 = arith.constant 0 : i32
        %dma_wait3A_97 = tpu.memref_slice %arg6[%scan3A_94, %dma_wait3A_95, %dma_wait3A_96] : memref<512x32x128xf32, #tpu.memory_space<vmem>> -> memref<1x32x128xf32, #tpu.memory_space<vmem>>
        %dma_wait3A_98 = tpu.memref_squeeze %dma_wait3A_97 : memref<1x32x128xf32, #tpu.memory_space<vmem>> -> memref<32x128xf32, #tpu.memory_space<vmem>>
        %dma_wait3A_99 = arith.constant 0 : i32
        %dma_wait3A_100 = arith.constant 0 : i32
        %dma_wait3A_101 = tpu.memref_slice %arg2[%dma_wait3A_99, %dma_wait3A_100] : memref<32x1000000xf32, #tpu.memory_space<any>> -> memref<32x128xf32, #tpu.memory_space<any>>
        tpu.wait_dma2 semaphore(%arg8 : memref<!tpu.dma_semaphore, #tpu.memory_space<semaphore_mem>>) src(%dma_wait3A_101 : memref<32x128xf32, #tpu.memory_space<any>>) dst(%dma_wait3A_98 : memref<32x128xf32, #tpu.memory_space<vmem>>)
        %scan3A_102 = arith.constant 5 : i32
        %scan3A_103 = arith.addi %scan3A_59, %scan3A_102 : i32
        %dma_wait3A_104 = arith.constant 0 : i32
        %dma_wait3A_105 = arith.constant 0 : i32
        %dma_wait3A_106 = tpu.memref_slice %arg6[%scan3A_103, %dma_wait3A_104, %dma_wait3A_105] : memref<512x32x128xf32, #tpu.memory_space<vmem>> -> memref<1x32x128xf32, #tpu.memory_space<vmem>>
        %dma_wait3A_107 = tpu.memref_squeeze %dma_wait3A_106 : memref<1x32x128xf32, #tpu.memory_space<vmem>> -> memref<32x128xf32, #tpu.memory_space<vmem>>
        %dma_wait3A_108 = arith.constant 0 : i32
        %dma_wait3A_109 = arith.constant 0 : i32
        %dma_wait3A_110 = tpu.memref_slice %arg2[%dma_wait3A_108, %dma_wait3A_109] : memref<32x1000000xf32, #tpu.memory_space<any>> -> memref<32x128xf32, #tpu.memory_space<any>>
        tpu.wait_dma2 semaphore(%arg8 : memref<!tpu.dma_semaphore, #tpu.memory_space<semaphore_mem>>) src(%dma_wait3A_110 : memref<32x128xf32, #tpu.memory_space<any>>) dst(%dma_wait3A_107 : memref<32x128xf32, #tpu.memory_space<vmem>>)
        %scan3A_111 = arith.constant 6 : i32
        %scan3A_112 = arith.addi %scan3A_59, %scan3A_111 : i32
        %dma_wait3A_113 = arith.constant 0 : i32
        %dma_wait3A_114 = arith.constant 0 : i32
        %dma_wait3A_115 = tpu.memref_slice %arg6[%scan3A_112, %dma_wait3A_113, %dma_wait3A_114] : memref<512x32x128xf32, #tpu.memory_space<vmem>> -> memref<1x32x128xf32, #tpu.memory_space<vmem>>
        %dma_wait3A_116 = tpu.memref_squeeze %dma_wait3A_115 : memref<1x32x128xf32, #tpu.memory_space<vmem>> -> memref<32x128xf32, #tpu.memory_space<vmem>>
        %dma_wait3A_117 = arith.constant 0 : i32
        %dma_wait3A_118 = arith.constant 0 : i32
        %dma_wait3A_119 = tpu.memref_slice %arg2[%dma_wait3A_117, %dma_wait3A_118] : memref<32x1000000xf32, #tpu.memory_space<any>> -> memref<32x128xf32, #tpu.memory_space<any>>
        tpu.wait_dma2 semaphore(%arg8 : memref<!tpu.dma_semaphore, #tpu.memory_space<semaphore_mem>>) src(%dma_wait3A_119 : memref<32x128xf32, #tpu.memory_space<any>>) dst(%dma_wait3A_116 : memref<32x128xf32, #tpu.memory_space<vmem>>)
        %scan3A_120 = arith.constant 7 : i32
        %scan3A_121 = arith.addi %scan3A_59, %scan3A_120 : i32
        %dma_wait3A_122 = arith.constant 0 : i32
        %dma_wait3A_123 = arith.constant 0 : i32
        %dma_wait3A_124 = tpu.memref_slice %arg6[%scan3A_121, %dma_wait3A_122, %dma_wait3A_123] : memref<512x32x128xf32, #tpu.memory_space<vmem>> -> memref<1x32x128xf32, #tpu.memory_space<vmem>>
        %dma_wait3A_125 = tpu.memref_squeeze %dma_wait3A_124 : memref<1x32x128xf32, #tpu.memory_space<vmem>> -> memref<32x128xf32, #tpu.memory_space<vmem>>
        %dma_wait3A_126 = arith.constant 0 : i32
        %dma_wait3A_127 = arith.constant 0 : i32
        %dma_wait3A_128 = tpu.memref_slice %arg2[%dma_wait3A_126, %dma_wait3A_127] : memref<32x1000000xf32, #tpu.memory_space<any>> -> memref<32x128xf32, #tpu.memory_space<any>>
        tpu.wait_dma2 semaphore(%arg8 : memref<!tpu.dma_semaphore, #tpu.memory_space<semaphore_mem>>) src(%dma_wait3A_128 : memref<32x128xf32, #tpu.memory_space<any>>) dst(%dma_wait3A_125 : memref<32x128xf32, #tpu.memory_space<vmem>>)
        %scan3A_129 = arith.constant 8 : i32
        %scan3A_130 = arith.addi %scan3A_59, %scan3A_129 : i32
        %dma_wait3A_131 = arith.constant 0 : i32
        %dma_wait3A_132 = arith.constant 0 : i32
        %dma_wait3A_133 = tpu.memref_slice %arg6[%scan3A_130, %dma_wait3A_131, %dma_wait3A_132] : memref<512x32x128xf32, #tpu.memory_space<vmem>> -> memref<1x32x128xf32, #tpu.memory_space<vmem>>
        %dma_wait3A_134 = tpu.memref_squeeze %dma_wait3A_133 : memref<1x32x128xf32, #tpu.memory_space<vmem>> -> memref<32x128xf32, #tpu.memory_space<vmem>>
        %dma_wait3A_135 = arith.constant 0 : i32
        %dma_wait3A_136 = arith.constant 0 : i32
        %dma_wait3A_137 = tpu.memref_slice %arg2[%dma_wait3A_135, %dma_wait3A_136] : memref<32x1000000xf32, #tpu.memory_space<any>> -> memref<32x128xf32, #tpu.memory_space<any>>
        tpu.wait_dma2 semaphore(%arg8 : memref<!tpu.dma_semaphore, #tpu.memory_space<semaphore_mem>>) src(%dma_wait3A_137 : memref<32x128xf32, #tpu.memory_space<any>>) dst(%dma_wait3A_134 : memref<32x128xf32, #tpu.memory_space<vmem>>)
        %scan3A_138 = arith.constant 9 : i32
        %scan3A_139 = arith.addi %scan3A_59, %scan3A_138 : i32
        %dma_wait3A_140 = arith.constant 0 : i32
        %dma_wait3A_141 = arith.constant 0 : i32
        %dma_wait3A_142 = tpu.memref_slice %arg6[%scan3A_139, %dma_wait3A_140, %dma_wait3A_141] : memref<512x32x128xf32, #tpu.memory_space<vmem>> -> memref<1x32x128xf32, #tpu.memory_space<vmem>>
        %dma_wait3A_143 = tpu.memref_squeeze %dma_wait3A_142 : memref<1x32x128xf32, #tpu.memory_space<vmem>> -> memref<32x128xf32, #tpu.memory_space<vmem>>
        %dma_wait3A_144 = arith.constant 0 : i32
        %dma_wait3A_145 = arith.constant 0 : i32
        %dma_wait3A_146 = tpu.memref_slice %arg2[%dma_wait3A_144, %dma_wait3A_145] : memref<32x1000000xf32, #tpu.memory_space<any>> -> memref<32x128xf32, #tpu.memory_space<any>>
        tpu.wait_dma2 semaphore(%arg8 : memref<!tpu.dma_semaphore, #tpu.memory_space<semaphore_mem>>) src(%dma_wait3A_146 : memref<32x128xf32, #tpu.memory_space<any>>) dst(%dma_wait3A_143 : memref<32x128xf32, #tpu.memory_space<vmem>>)
        %scan3A_147 = arith.constant 10 : i32
        %scan3A_148 = arith.addi %scan3A_59, %scan3A_147 : i32
        %dma_wait3A_149 = arith.constant 0 : i32
        %dma_wait3A_150 = arith.constant 0 : i32
        %dma_wait3A_151 = tpu.memref_slice %arg6[%scan3A_148, %dma_wait3A_149, %dma_wait3A_150] : memref<512x32x128xf32, #tpu.memory_space<vmem>> -> memref<1x32x128xf32, #tpu.memory_space<vmem>>
        %dma_wait3A_152 = tpu.memref_squeeze %dma_wait3A_151 : memref<1x32x128xf32, #tpu.memory_space<vmem>> -> memref<32x128xf32, #tpu.memory_space<vmem>>
        %dma_wait3A_153 = arith.constant 0 : i32
        %dma_wait3A_154 = arith.constant 0 : i32
        %dma_wait3A_155 = tpu.memref_slice %arg2[%dma_wait3A_153, %dma_wait3A_154] : memref<32x1000000xf32, #tpu.memory_space<any>> -> memref<32x128xf32, #tpu.memory_space<any>>
        tpu.wait_dma2 semaphore(%arg8 : memref<!tpu.dma_semaphore, #tpu.memory_space<semaphore_mem>>) src(%dma_wait3A_155 : memref<32x128xf32, #tpu.memory_space<any>>) dst(%dma_wait3A_152 : memref<32x128xf32, #tpu.memory_space<vmem>>)
        %scan3A_156 = arith.constant 11 : i32
        %scan3A_157 = arith.addi %scan3A_59, %scan3A_156 : i32
        %dma_wait3A_158 = arith.constant 0 : i32
        %dma_wait3A_159 = arith.constant 0 : i32
        %dma_wait3A_160 = tpu.memref_slice %arg6[%scan3A_157, %dma_wait3A_158, %dma_wait3A_159] : memref<512x32x128xf32, #tpu.memory_space<vmem>> -> memref<1x32x128xf32, #tpu.memory_space<vmem>>
        %dma_wait3A_161 = tpu.memref_squeeze %dma_wait3A_160 : memref<1x32x128xf32, #tpu.memory_space<vmem>> -> memref<32x128xf32, #tpu.memory_space<vmem>>
        %dma_wait3A_162 = arith.constant 0 : i32
        %dma_wait3A_163 = arith.constant 0 : i32
        %dma_wait3A_164 = tpu.memref_slice %arg2[%dma_wait3A_162, %dma_wait3A_163] : memref<32x1000000xf32, #tpu.memory_space<any>> -> memref<32x128xf32, #tpu.memory_space<any>>
        tpu.wait_dma2 semaphore(%arg8 : memref<!tpu.dma_semaphore, #tpu.memory_space<semaphore_mem>>) src(%dma_wait3A_164 : memref<32x128xf32, #tpu.memory_space<any>>) dst(%dma_wait3A_161 : memref<32x128xf32, #tpu.memory_space<vmem>>)
        %scan3A_165 = arith.constant 12 : i32
        %scan3A_166 = arith.addi %scan3A_59, %scan3A_165 : i32
        %dma_wait3A_167 = arith.constant 0 : i32
        %dma_wait3A_168 = arith.constant 0 : i32
        %dma_wait3A_169 = tpu.memref_slice %arg6[%scan3A_166, %dma_wait3A_167, %dma_wait3A_168] : memref<512x32x128xf32, #tpu.memory_space<vmem>> -> memref<1x32x128xf32, #tpu.memory_space<vmem>>
        %dma_wait3A_170 = tpu.memref_squeeze %dma_wait3A_169 : memref<1x32x128xf32, #tpu.memory_space<vmem>> -> memref<32x128xf32, #tpu.memory_space<vmem>>
        %dma_wait3A_171 = arith.constant 0 : i32
        %dma_wait3A_172 = arith.constant 0 : i32
        %dma_wait3A_173 = tpu.memref_slice %arg2[%dma_wait3A_171, %dma_wait3A_172] : memref<32x1000000xf32, #tpu.memory_space<any>> -> memref<32x128xf32, #tpu.memory_space<any>>
        tpu.wait_dma2 semaphore(%arg8 : memref<!tpu.dma_semaphore, #tpu.memory_space<semaphore_mem>>) src(%dma_wait3A_173 : memref<32x128xf32, #tpu.memory_space<any>>) dst(%dma_wait3A_170 : memref<32x128xf32, #tpu.memory_space<vmem>>)
        %scan3A_174 = arith.constant 13 : i32
        %scan3A_175 = arith.addi %scan3A_59, %scan3A_174 : i32
        %dma_wait3A_176 = arith.constant 0 : i32
        %dma_wait3A_177 = arith.constant 0 : i32
        %dma_wait3A_178 = tpu.memref_slice %arg6[%scan3A_175, %dma_wait3A_176, %dma_wait3A_177] : memref<512x32x128xf32, #tpu.memory_space<vmem>> -> memref<1x32x128xf32, #tpu.memory_space<vmem>>
        %dma_wait3A_179 = tpu.memref_squeeze %dma_wait3A_178 : memref<1x32x128xf32, #tpu.memory_space<vmem>> -> memref<32x128xf32, #tpu.memory_space<vmem>>
        %dma_wait3A_180 = arith.constant 0 : i32
        %dma_wait3A_181 = arith.constant 0 : i32
        %dma_wait3A_182 = tpu.memref_slice %arg2[%dma_wait3A_180, %dma_wait3A_181] : memref<32x1000000xf32, #tpu.memory_space<any>> -> memref<32x128xf32, #tpu.memory_space<any>>
        tpu.wait_dma2 semaphore(%arg8 : memref<!tpu.dma_semaphore, #tpu.memory_space<semaphore_mem>>) src(%dma_wait3A_182 : memref<32x128xf32, #tpu.memory_space<any>>) dst(%dma_wait3A_179 : memref<32x128xf32, #tpu.memory_space<vmem>>)
        %scan3A_183 = arith.constant 14 : i32
        %scan3A_184 = arith.addi %scan3A_59, %scan3A_183 : i32
        %dma_wait3A_185 = arith.constant 0 : i32
        %dma_wait3A_186 = arith.constant 0 : i32
        %dma_wait3A_187 = tpu.memref_slice %arg6[%scan3A_184, %dma_wait3A_185, %dma_wait3A_186] : memref<512x32x128xf32, #tpu.memory_space<vmem>> -> memref<1x32x128xf32, #tpu.memory_space<vmem>>
        %dma_wait3A_188 = tpu.memref_squeeze %dma_wait3A_187 : memref<1x32x128xf32, #tpu.memory_space<vmem>> -> memref<32x128xf32, #tpu.memory_space<vmem>>
        %dma_wait3A_189 = arith.constant 0 : i32
        %dma_wait3A_190 = arith.constant 0 : i32
        %dma_wait3A_191 = tpu.memref_slice %arg2[%dma_wait3A_189, %dma_wait3A_190] : memref<32x1000000xf32, #tpu.memory_space<any>> -> memref<32x128xf32, #tpu.memory_space<any>>
        tpu.wait_dma2 semaphore(%arg8 : memref<!tpu.dma_semaphore, #tpu.memory_space<semaphore_mem>>) src(%dma_wait3A_191 : memref<32x128xf32, #tpu.memory_space<any>>) dst(%dma_wait3A_188 : memref<32x128xf32, #tpu.memory_space<vmem>>)
        %scan3A_192 = arith.constant 15 : i32
        %scan3A_193 = arith.addi %scan3A_59, %scan3A_192 : i32
        %dma_wait3A_194 = arith.constant 0 : i32
        %dma_wait3A_195 = arith.constant 0 : i32
        %dma_wait3A_196 = tpu.memref_slice %arg6[%scan3A_193, %dma_wait3A_194, %dma_wait3A_195] : memref<512x32x128xf32, #tpu.memory_space<vmem>> -> memref<1x32x128xf32, #tpu.memory_space<vmem>>
        %dma_wait3A_197 = tpu.memref_squeeze %dma_wait3A_196 : memref<1x32x128xf32, #tpu.memory_space<vmem>> -> memref<32x128xf32, #tpu.memory_space<vmem>>
        %dma_wait3A_198 = arith.constant 0 : i32
        %dma_wait3A_199 = arith.constant 0 : i32
        %dma_wait3A_200 = tpu.memref_slice %arg2[%dma_wait3A_198, %dma_wait3A_199] : memref<32x1000000xf32, #tpu.memory_space<any>> -> memref<32x128xf32, #tpu.memory_space<any>>
        tpu.wait_dma2 semaphore(%arg8 : memref<!tpu.dma_semaphore, #tpu.memory_space<semaphore_mem>>) src(%dma_wait3A_200 : memref<32x128xf32, #tpu.memory_space<any>>) dst(%dma_wait3A_197 : memref<32x128xf32, #tpu.memory_space<vmem>>)
      }
      %scan3A_41 = arith.constant 512 : i32
      %get3A = arith.constant 0 : index
      %get3A_42 = arith.constant 0 : index
      %get3A_43 = arith.constant 0 : index
      %get3A_44 = vector.load %arg6[%get3A, %get3A_42, %get3A_43] : memref<512x32x128xf32, #tpu.memory_space<vmem>>, vector<512x32x128xf32>
      %get3A_45 = arith.constant 0 : index
      %get3A_46 = arith.constant 0 : index
      %get3A_47 = vector.load %arg3[%get3A_45, %get3A_46] : memref<512x1xi32, #tpu.memory_space<vmem>>, vector<512x1xi32>
      %and3A_48 = arith.constant 127 : i32
      %and3A_49 = vector.broadcast %and3A_48 : i32 to vector<512x1xi32>
      %and3A_50 = arith.andi %get3A_47, %and3A_49 : vector<512x1xi32>
      %broadcast_in_dim3A = vector.shape_cast %and3A_50 : vector<512x1xi32> to vector<512x1x1xi32>
      %iota3A = tpu.iota {dimensions = array<i32: 2>} : vector<512x32x128xi32>
      %eq3A_51 = vector.broadcast %broadcast_in_dim3A : vector<512x1x1xi32> to vector<512x32x128xi32>
      %eq3A_52 = arith.cmpi eq, %iota3A, %eq3A_51 : vector<512x32x128xi32>
      %jit3A_53 = arith.constant 0.000000e+00 : f32
      %broadcast_in_dim3A_54 = vector.broadcast %jit3A_53 : f32 to vector<512x32x128xf32>
      %select_n3A_55 = arith.select %eq3A_52, %get3A_44, %broadcast_in_dim3A_54 : vector<512x32x128xi1>, vector<512x32x128xf32>
      %reduce_sum3A = arith.constant dense<0.000000e+00> : vector<512x32xf32>
      %reduce_sum3A_56 = vector.multi_reduction <add>, %select_n3A_55, %reduce_sum3A [2] : vector<512x32x128xf32> to vector<512x32xf32>
      %swap3A = arith.constant 0 : index
      %swap3A_57 = arith.constant 0 : index
      %swap3A_58 = vector.load %arg4[%swap3A, %swap3A_57] : memref<512x32xf32, #tpu.memory_space<vmem>>, vector<512x32xf32>
      tpu.vector_store %arg4[%swap3A, %swap3A_57], %reduce_sum3A_56 {strides = array<i32>} : memref<512x32xf32, #tpu.memory_space<vmem>>, vector<512x32xf32>,
    } else {
    }
    return
  }
  func.func @transform_1(%arg0: i32, %arg1: memref<8192xi32, #tpu.memory_space<smem>>) -> (i32, i32) {
    %c0_i32 = arith.constant 0 : i32
    %c0_i32_0 = arith.constant 0 : i32
    return %arg0, %c0_i32 : i32, i32
  }
  func.func @transform_2(%arg0: i32, %arg1: memref<8192xi32, #tpu.memory_space<smem>>) -> (i32, i32) {
    %c0_i32 = arith.constant 0 : i32
    %c0_i32_0 = arith.constant 0 : i32
    return %arg0, %c0_i32 : i32, i32
  }
}

</mosaic_0001>

<sc_bundles>
// kernel: kernel.4.cloned.1.call-start
scs
__scs_entry_jumppad:
0x0: {  	(pc) =	sbr.rel $0x88, $3  }
0x1: {  	(tag) =	ssettag $0x0;
	lr =	simm.s32 $0x1  }
0x2: {  	[smem:$0x3F9F] =	sst lr;
	_ =	strace $0xD0000000  }
0x3: {  	_ = 	snop  }
0x4: {  	_ = 	snop  }
0x5: {  	_ = 	snop  }
0x6: {  	_ = 	snop  }
0x7: {  	_ = 	snop  }
__scs_overlays_trampoline_lowered:
0x8: {  	[smem:$0x3FAE] =	sst s0  }
0x9: {  	[smem:$0x3FAF] =	sst s1  }
0xa: {  	[smem:$0x3FB0] =	sst s2  }
0xb: {  	[smem:$0x3FB1] =	sst s3  }
0xc: {  	[smem:$0x3FB2] =	sst s4  }
0xd: {  	[smem:$0x3FB3] =	sst s5  }
0xe: {  	[smem:$0x3FB4] =	sst s6  }
0xf: {  	[smem:$0x3FB5] =	sst s7  }
0x10: {  	[smem:$0x3FB6] =	sst s8  }
0x11: {  	[smem:$0x3FB7] =	sst s9;
	s0 =	simm.s32 @!p0 $0x0  }
0x12: {  	s1 =	sld [smem:$0x3F9D];
	s0 =	simm.s32 @p0 $0x1  }
0x13: {  	[smem:$0x3FB8] =	sst s0;
	s0 =	simm.s32 @!p1 $0x0  }
0x14: {  	s2 =	sld [smem:$0x3F9C];
	s0 =	simm.s32 @p1 $0x1  }
0x15: {  	[smem:$0x3FB9] =	sst s0;
	s0 =	simm.s32 @!p2 $0x0  }
0x16: {  	s3 =	sld [smem:$0x3FDB];
	s0 =	simm.s32 @p2 $0x1  }
0x17: {  	s4 =	simm.s32 $0x1BF5;
	[smem:$0x3FBB] =	sst s0  }
0x18: {  	s0 =	sld [smem:$0x3F9E];
	_ =	swait.ge [sflag:s4], $0x0  }
0x19: {  	s7 =	sld [smem:$0x3F9F]  }
0x1a: {  	s8 =	sadd.s32 $0xFFFFE003, lr  }
0x1b: {  	s9 =	sadd.s32 $0xFFFFFEF7, lr;
	s5 =	simm.s32 $0xFFFFFFFF;
	p2 =	slt.u32 s8, $0xFFFFF086  }
0x1c: {  	p1 =	slt.u32 s9, $0xF7A;
	s5 =	simm.s32 @!p2 $0x0  }
0x1d: {  	s5 =	simm.s32 @p1 $0x1;
	p0 =	seq.s32 s7, s2  }
0x1e: {  	s7 =	smul.u32 @!p0 $0xF7A, s2;
	p2 =	seq.s32 @!p0 s5, $0x0  }
0x1f: {  	s9 =	smul.u32 $0xF7A, s1;
	s8 =	simm.s32 @!p0 $0x1BF5;
	p2 =	por !p2, p0  }
0x20: {  	[sflag:s8] =	ssyncset.s32 @!p0 $0xFFFFF086;
	s6 =	sadd.s32 @!p0 s3, s7;
	s7 =	simm.s32 @!p0 $0x108  }
0x21: {  	s3 =	sadd.s32 s3, s9;
	s6 =	sadd.s32 @!p0 $0x88, s6;
	s7 =	simm.s32 @p2 $0x1082  }
0x22: {  	[simem:s7], [sflag:s8] =	dma.local @!p0 [hbm:s6], $0xF7A  }
0x23: {  	s9 =	sor.u32 $0xD0000000, s2;
	s6 =	simm.s32 $0x108;
	_ =	swait.ge @!p0 [sflag:s8], $0x0  }
0x24: {  	s3 =	sadd.s32 $0x88, s3;
	s6 =	simm.s32 @!p1 $0x1082;
	[sflag:s4] =	ssyncset.s32 $0xFFFFF086  }
0x25: {  	[simem:s6], [sflag:s4] =	dma.local [hbm:s3], $0xF7A  }
0x26: {  	[smem:$0x3F9F] =	sst s1;
	(tag) =	ssettag s2;
	_ =	strace s9  }
0x27: {  	s1 =	sld [smem:$0x3FAF]  }
0x28: {  	s2 =	sld [smem:$0x3FB0]  }
0x29: {  	s4 =	sld [smem:$0x3FB2]  }
0x2a: {  	p0 =	seq.s32 s5, $0x0;
	s5 =	sld [smem:$0x3FB3]  }
0x2b: {  	s6 =	sld [smem:$0x3FB4]  }
0x2c: {  	s7 =	sld [smem:$0x3FB5]  }
0x2d: {  	s3 =	simm.s32 $0x108;
	s8 =	sld [smem:$0x3FB6]  }
0x2e: {  	s3 =	simm.s32 @!p0 $0x1082;
	s9 =	sld [smem:$0x3FB7]  }
0x2f: {  	lr =	sadd.s32 s0, s3;
	s0 =	sld [smem:$0x3FAE]  }
0x30: {  	s3 =	sld [smem:$0x3FB1]  }
0x31: {  	[smem:$0x3FBA] =	sst s10  }
0x32: {  	s10 =	sld [smem:$0x3FB8];
	_ =	sdelay $0x3  }
0x33: {  	p0 =	seq.s32 s10, $0x1;
	s10 =	sld [smem:$0x3FBA];
	_ =	sdelay $0x3  }
0x34: {  	[smem:$0x3FBA] =	sst s10  }
0x35: {  	s10 =	sld [smem:$0x3FB9];
	_ =	sdelay $0x3  }
0x36: {  	p1 =	seq.s32 s10, $0x1;
	s10 =	sld [smem:$0x3FBA];
	_ =	sdelay $0x3  }
0x37: {  	[smem:$0x3FBA] =	sst s10  }
0x38: {  	s10 =	sld [smem:$0x3FBB]  }
0x39: {  	_ = 	snop;
	(pc) =	sbr.ind lr, $3  }
0x3a: {  	_ = 	snop  }
0x3b: {  	_ = 	snop  }
0x3c: {  	p2 =	seq.s32 s10, $0x1;
	s10 =	sld [smem:$0x3FBA]  }
0x3d: {  	_ =	shalt  }
0x3e: {  	_ =	shalt  }
0x3f: {  	_ =	shalt  }
0x40: {  	_ =	shalt  }
0x41: {  	_ =	shalt  }
0x42: {  	_ =	shalt  }
0x43: {  	_ =	shalt  }
0x44: {  	_ =	shalt  }
0x45: {  	_ =	shalt  }
0x46: {  	_ =	shalt  }
0x47: {  	_ =	shalt  }
0x48: {  	_ =	shalt  }
0x49: {  	_ =	shalt  }
0x4a: {  	_ =	shalt  }
0x4b: {  	_ =	shalt  }
0x4c: {  	_ =	shalt  }
0x4d: {  	_ =	shalt  }
0x4e: {  	_ =	shalt  }
0x4f: {  	_ =	shalt  }
0x50: {  	_ =	shalt  }
0x51: {  	_ =	shalt  }
0x52: {  	_ =	shalt  }
0x53: {  	_ =	shalt  }
0x54: {  	_ =	shalt  }
0x55: {  	_ =	shalt  }
0x56: {  	_ =	shalt  }
0x57: {  	_ =	shalt  }
0x58: {  	_ =	shalt  }
0x59: {  	_ =	shalt  }
0x5a: {  	_ =	shalt  }
0x5b: {  	_ =	shalt  }
0x5c: {  	_ =	shalt  }
0x5d: {  	_ =	shalt  }
0x5e: {  	_ =	shalt  }
0x5f: {  	_ =	shalt  }
0x60: {  	_ =	shalt  }
0x61: {  	_ =	shalt  }
0x62: {  	_ =	shalt  }
0x63: {  	_ =	shalt  }
0x64: {  	_ =	shalt  }
0x65: {  	_ =	shalt  }
0x66: {  	_ =	shalt  }
0x67: {  	_ =	shalt  }
0x68: {  	_ =	shalt  }
0x69: {  	_ =	shalt  }
0x6a: {  	_ =	shalt  }
0x6b: {  	_ =	shalt  }
0x6c: {  	_ =	shalt  }
0x6d: {  	_ =	shalt  }
0x6e: {  	_ =	shalt  }
0x6f: {  	_ =	shalt  }
0x70: {  	_ =	shalt  }
0x71: {  	_ =	shalt  }
0x72: {  	_ =	shalt  }
0x73: {  	_ =	shalt  }
0x74: {  	_ =	shalt  }
0x75: {  	_ =	shalt  }
0x76: {  	_ =	shalt  }
0x77: {  	_ =	shalt  }
0x78: {  	_ =	shalt  }
0x79: {  	_ =	shalt  }
0x7a: {  	_ =	shalt  }
0x7b: {  	_ =	shalt  }
0x7c: {  	_ =	shalt  }
0x7d: {  	_ =	shalt  }
0x7e: {  	_ =	shalt  }
0x7f: {  	_ =	shalt  }
0x80: {  	_ =	shalt  }
0x81: {  	_ =	shalt  }
0x82: {  	_ =	shalt  }
0x83: {  	_ =	shalt  }
0x84: {  	_ =	shalt  }
0x85: {  	_ =	shalt  }
0x86: {  	_ =	shalt  }
0x87: {  	_ =	shalt  }
.Lfunc_end0:
.L_simem_size_0:
called_computation_lowered:
.L_overlay_start_0:
0x88: {  	s2 =	sld [smem:$0x3FD9]  }
0x89: {  	s3 =	sld [smem:$0x3FFE];
	_ =	sdelay $0x1  }
0x8a: {  	s1 =	srdreg.scid  }
0x8b: {  	s0 =	sand.u32 $0x1, s1  }
0x8c: {  	s17 =	sshll.u32 s0, $0xA;
	s2 =	sadd.s32 s3, s2  }
0x8d: {  	s2 =	sadd.s32 s2, s17  }
0x8e: {  	[smem:$0x3FC6] =	sst s2  }
0x8f: {  	_ = 	snop  }
0x90: {  	s2 =	sld [smem:$0x3FC8]  }
0x91: {  	s18 =	sld [smem:$0x3FD0];
	(tm) =	ssettm $0x1  }
0x92: {  	s4 =	sld [smem:$0x3FFB];
	_ =	sdelay $0x3  }
0x93: {  	_ =	strace s4  }
0x94: {  	s4 =	sld [smem:$0x3FFC];
	_ =	sdelay $0x3  }
0x95: {  	_ =	strace s4  }
0x96: {  	s4 =	sld [smem:$0x3FFD];
	_ =	sdelay $0x3  }
0x97: {  	_ =	strace s4  }
0x98: {  	_ =	strace $0x8FFFFFFF  }
0x99: {  	s19 =	sld [smem:$0x3FDB];
	_ =	sdelay $0x1  }
0x9a: {  	s5 =	simm.s32 $_scs_section_size  }
0x9b: {  	s6 =	simm.s32 $_size__tile_overlayer_lowered;
	s7 =	simm.s32 $_tile_overlayer_lowered  }
0x9c: {  	s22 =	simm.s32 $0x1BFF;
	s21 =	sshll.u32 s7, $0x1;
	s4 =	sadd.s32 s5, s19  }
0x9d: {  	s8 =	simm.s32 $0x0;
	s20 =	sshll.u32 s6, $0x1;
	s6 =	sadd.s32 s21, s4  }
0x9e: {  	[timem:s8], [sflag:s22] =	dma.local [hbm:s6], s20  }
0x9f: {  	_ =	swait.ge [sflag:s22], s20  }
0xa0: {  	s5 =	ssub.s32 $0x0, s20;
	[sflag:s22] =	ssyncset.done $0x0  }
0xa1: {  	[sflag:s22] =	ssyncadd.s32 s5;
	_ =	sdelay $0x1  }
0xa2: {  	s23 =	simm.s32 $0x1B8B  }
0xa3: {  	_ =	swait.ge [sflag:s23], $0x1  }
0xa4: {  	[sflag:s23] =	ssyncset.done $0x0  }
0xa5: {  	s25 =	simm.s32 $0x1B8E;
	s24 =	sld [smem:$0x3FFE];
	[sflag:s23] =	ssyncadd.s32 $0xFFFFFFFF  }
0xa6: {  	s26 =	simm.s32 $execute0_lowered;
	[smem:$0x3FD2] =	sst s25  }
0xa7: {  	s6 =	sshll.u32 s26, $0x1;
	_ =	strace $0x80000046;
	[dreg:$0x1] =	wrdreg $0xFFFFFFFF  }
0xa8: {  	s28 =	simm.s32 $_size_execute0_lowered;
	s4 =	sadd.s32 s4, s6;
	[dreg:$0x0] =	wrdreg $0x0  }
0xa9: {  	s6 =	sshll.u32 s28, $0x1;
	[dreg:$0x2] =	wrdreg s4  }
0xaa: {  	[dreg:$0x3] =	wrdreg s6  }
0xab: {  	[dreg:$0x4] =	wrdreg $0xC0  }
0xac: {  	_ =	task [dreg:s8], $0x5FFFF  }
0xad: {  	[dreg:$0x1] =	wrdreg $0xFFFFFFFF  }
0xae: {  	[dreg:$0x0] =	wrdreg $0x60  }
0xaf: {  	[dreg:$0x2] =	wrdreg s2  }
0xb0: {  	[dreg:$0x3] =	wrdreg s18  }
0xb1: {  	[dreg:$0x4] =	wrdreg s24  }
0xb2: {  	[dreg:$0x5] =	wrdreg $0x9  }
0xb3: {  	_ =	task.clear_ibuf [dreg:s8], $0x6FFFF;
	_ =	strace $0x90000046  }
0xb4: {  	s29 =	simm.s32 $0x9;
	_ =	strace $0x80000048  }
0xb5: {  	_ =	swait.ge [sflag:s29], $0x1  }
0xb6: {  	[sflag:s29] =	ssyncadd.s32 $0xFFFFFFFF  }
0xb7: {  	_ =	strace $0x90000048  }
0xb8: {  	_ =	sfence  }
0xb9: {  	s30 =	sld [smem:$0x0];
	_ =	sdelay $0x2  }
0xba: {  	s31 =	sshll.u32 s1, $0xD;
	s1 =	sshrl.u32 s1, $0x2  }
0xbb: {  	s3 =	sand.u32 $0x4000, s31;
	s1 =	sadd.s32 s1, s30  }
0xbc: {  	s0 =	sor.u32 s3, s0;
	s1 =	sshll.u32 s1, $0x11  }
0xbd: {  	s0 =	sor.u32 s1, s0  }
0xbe: {  	s0 =	sadd.s32 $0x8F2B, s0  }
0xbf: {  	[sflag:s0] =	ssyncadd.remote.s32 $0x1  }
0xc0: {  	_ =	sfence.sel $0xFFFF  }
0xc1: {  	[dreg:$0x0] =	wrdreg $0xFFFFFFFF;
	(pc) =	sbr.abs _section_cstart, $3  }
0xc2: {  	[dreg:$0x1] =	wrdreg $0xFFFFFFFF  }
0xc3: {  	_ =	task.clear_ibuf [dreg:s8], $0x2FFFF;
	_ =	strace $0x9FFFFFFF  }
0xc4: {  	(tm) =	ssettm $0x7FFFFFFF  }
0xc5: {  	_ =	shalt  }
tec
execute0_lowered:
.L_overlay_start_1:
0x0: {  	(tag) =	ssettag $0x1  }
0x1: {  	v0 =	vlaneseq.u32;
	s0 =	rddreg [dreg:$0x0];
	v1 =	vimm.s32 $0xB80  }
0x2: {  	s1 =	rddreg [dreg:$0x1];
	vm0 =	vcmask $0x300;
	v2 =	vimm.s32 $0x1B80;
	vm1 =	vcmask $0x704  }
0x3: {  	s2 =	rddreg [dreg:$0x2];
	s3 =	srdreg.scid;
	vm15 =	vcmask $0xB08;
	v1 =	vsel vm0, $0x0, v1;
	v2 =	vsel vm0, $0x1000, v2  }
0x4: {  	s4 =	stileid.u32;
	s6 =	simm.s32 $0x0;
	vm4 =	vcmask $0xF0C;
	s8 =	simm.s32 $0x400;
	v1 =	vsel vm1, $0x80, v1;
	v2 =	vsel vm1, $0x1080, v2  }
0x5: {  	vm5 =	vcmask $0x1310;
	s9 =	simm.s32 $0x7A1400;
	s22 =	simm.s32 $0x100;
	s20 =	simm.s32 $0x1100;
	v1 =	vsel vm15, $0x100, v1;
	v2 =	vsel vm15, $0x1100, v2  }
0x6: {  	vm6 =	vcmask $0x1714;
	s21 =	simm.s32 $0x2100;
	s23 =	simm.s32 $0x3100;
	s31 =	simm.s32 $0x6100;
	v1 =	vsel vm4, $0x180, v1;
	v2 =	vsel vm4, $0x1180, v2  }
0x7: {  	vm7 =	vcmask $0x1B18;
	s12 =	simm.s32 $0x8100;
	s13 =	simm.s32 $0x9100;
	s14 =	simm.s32 $0xA100;
	v1 =	vsel vm5, $0x200, v1;
	v2 =	vsel vm5, $0x1200, v2  }
0x8: {  	vm8 =	vcmask $0x1F1C;
	s15 =	simm.s32 $0xB100;
	s16 =	simm.s32 $0xC100;
	s17 =	simm.s32 $0xD100;
	v1 =	vsel vm6, $0x280, v1;
	v2 =	vsel vm6, $0x1280, v2  }
0x9: {  	vm9 =	vcmask $0x2320;
	s18 =	simm.s32 $0xE100;
	s19 =	simm.s32 $0xF100;
	s28 =	simm.s32 $0x10100;
	v1 =	vsel vm7, $0x300, v1;
	v2 =	vsel vm7, $0x1300, v2  }
0xa: {  	vm10 =	vcmask $0x2724;
	s29 =	simm.s32 $0x2;
	s3 =	sand.u32 $0x1, s3;
	s4 =	sshll.u32 s4, $0x9;
	v1 =	vsel vm8, $0x380, v1;
	v2 =	vsel vm8, $0x1380, v2  }
0xb: {  	vm11 =	vcmask $0x2B28;
	[smem:$0x7FF] =	sst s6;
	s5 =	sshll.u32 s3, $0x8;
	s3 =	ssub.s32 $0x2, s3;
	v1 =	vsel vm9, $0x800, v1;
	v2 =	vsel vm9, $0x1800, v2  }
0xc: {  	vm12 =	vcmask $0x2F2C;
	_ =	strace $0x80000047;
	s4 =	sor.u32 s5, s4;
	s24 =	sshrl.u32 s3, $0x1;
	v1 =	vsel vm10, $0x880, v1;
	v2 =	vsel vm10, $0x1880, v2  }
0xd: {  	vm13 =	vcmask $0x3330;
	s25 =	sshrl.u32 s4, $0x3;
	s2 =	sadd.s32 s4, s2;
	s3 =	ssub.s32 s3, s24;
	v1 =	vsel vm11, $0x900, v1;
	v2 =	vsel vm11, $0x1900, v2  }
0xe: {  	vm14 =	vcmask $0x3734;
	s24 =	simm.s32 $0x4100;
	s4 =	simm.s32 $0x7100;
	s1 =	sadd.s32 s1, s25;
	v1 =	vsel vm12, $0x980, v1;
	v2 =	vsel vm12, $0x1980, v2  }
0xf: {  	v0 =	vmul.u32 $0x80, v0;
	s26 =	sadd.s32 $0xC00, s2;
	s30 =	smax.u32 s3, $0x1;
	[dreg:$0x4] =	wrdreg s1;
	v1 =	vsel vm13, $0xA00, v1;
	v2 =	vsel vm13, $0x1A00, v2  }
0x10: {  	vm15 =	vcmask $0x3B38;
	s3 =	simm.s32 $0x3;
	s25 =	simm.s32 $0x5100;
	[dreg:$0x5] =	wrdreg s26;
	v3 =	vsel vm14, $0xA80, v1;
	v4 =	vsel vm14, $0x1A80, v2  }
0x11: {  	s2 =	simm.s32 $0x0;
	[dreg:$0x6] =	wrdreg s30;
	s26 =	simm.s32 $0x1;
	v1 =	vor.u32 $0x800, v0;
	v2 =	vsel vm15, $0xB00, v3;
	v3 =	vsel vm15, $0x1B00, v4  }
.LBB2_1:
0x12: {  	[dreg:$0x7] =	wrdreg s2  }
0x13: {  	s1 =	simm.s32 $0x0;
	s30 =	rddreg [dreg:$0x4]  }
0x14: {  	[tilespmem:s1], [sflag:$0x3] =	stream.linear.gather [hbm4b:s30+s1], $0x100, $0x38;
	[tilespmem:$0x12100] =	vst v63  }
0x15: {  	_ =	swait.ge [sflag:s3], $0x100  }
0x16: {  	[sflag:s3] =	ssyncset.done $0x0  }
0x17: {  	[sflag:s3] =	ssyncadd.s32 $0xFFFFFF00  }
0x18: {  	v4 =	vld [tilespmem:$0x0];
	_ =	sdelay $0x4  }
0x19: {  	(v2sf) =	vpush v4, $0x0;
	_ =	sdelay $0x1  }
0x1a: {  	(v2sf) =	vpush v4, $0x1;
	_ =	sdelay $0x2  }
0x1b: {  	(v2sf) =	vpush v4, $0x2;
	_ =	sdelay $0x2  }
0x1c: {  	(v2sf) =	vpush v4, $0x3;
	_ =	sdelay $0x2  }
0x1d: {  	(v2sf) =	vpush v4, $0x4;
	_ =	sdelay $0x2  }
0x1e: {  	(v2sf) =	vpush v4, $0x5  }
0x1f: {  	s3 =	spop (v2sf)  }
0x20: {  	s1 =	sand.u32 $0xFFFFF80, s3  }
0x21: {  	(v2sf) =	vpush v4, $0x6;
	s5 =	spop (v2sf);
	s1 =	sadd.s32 s0, s1  }
0x22: {  	[tilespmem:s22], [sflag:$0x1] =	stream.strided.gather [hbm4b:s1+s8], $0x1000, s9, s8, $0x38;
	[tilespmem:$0x12100] =	vst v63  }
0x23: {  	s1 =	sand.u32 $0xFFFFF80, s5  }
0x24: {  	(v2sf) =	vpush v4, $0x7;
	s6 =	spop (v2sf);
	s1 =	sadd.s32 s0, s1  }
0x25: {  	[tilespmem:s20], [sflag:$0x1] =	stream.strided.gather [hbm4b:s1+s8], $0x1000, s9, s8, $0x38;
	[tilespmem:$0x12100] =	vst v63  }
0x26: {  	s1 =	sand.u32 $0xFFFFF80, s6  }
0x27: {  	s7 =	spop (v2sf);
	s1 =	sadd.s32 s0, s1  }
0x28: {  	[tilespmem:s21], [sflag:$0x1] =	stream.strided.gather [hbm4b:s1+s8], $0x1000, s9, s8, $0x38;
	[tilespmem:$0x12100] =	vst v63  }
0x29: {  	s1 =	sand.u32 $0xFFFFF80, s7  }
0x2a: {  	s10 =	spop (v2sf);
	s1 =	sadd.s32 s0, s1  }
0x2b: {  	[tilespmem:s23], [sflag:$0x1] =	stream.strided.gather [hbm4b:s1+s8], $0x1000, s9, s8, $0x38;
	[tilespmem:$0x12100] =	vst v63  }
0x2c: {  	s1 =	sand.u32 $0xFFFFF80, s10  }
0x2d: {  	s11 =	spop (v2sf);
	s1 =	sadd.s32 s0, s1  }
0x2e: {  	[tilespmem:s24], [sflag:$0x1] =	stream.strided.gather [hbm4b:s1+s8], $0x1000, s9, s8, $0x38;
	[tilespmem:$0x12100] =	vst v63  }
0x2f: {  	s1 =	sand.u32 $0xFFFFF80, s11  }
0x30: {  	s30 =	spop (v2sf);
	s1 =	sadd.s32 s0, s1  }
0x31: {  	[tilespmem:s25], [sflag:$0x1] =	stream.strided.gather [hbm4b:s1+s8], $0x1000, s9, s8, $0x38;
	[tilespmem:$0x12100] =	vst v63  }
0x32: {  	s1 =	sand.u32 $0xFFFFF80, s30  }
0x33: {  	s2 =	spop (v2sf);
	s1 =	sadd.s32 s0, s1  }
0x34: {  	[tilespmem:s31], [sflag:$0x1] =	stream.strided.gather [hbm4b:s1+s8], $0x1000, s9, s8, $0x38;
	[tilespmem:$0x12100] =	vst v63  }
0x35: {  	s1 =	sand.u32 $0xFFFFF80, s2  }
0x36: {  	s2 =	simm.s32 $0x10;
	s1 =	sadd.s32 s0, s1  }
0x37: {  	[tilespmem:s4], [sflag:$0x1] =	stream.strided.gather [hbm4b:s1+s8], $0x1000, s9, s8, $0x38;
	[tilespmem:$0x12100] =	vst v63  }
0x38: {  	v4 =	vld [tilespmem:s2+$0xFFFFFFF0];
	_ =	sdelay $0x4  }
0x39: {  	(v2sf) =	vpush v4, $0x8  }
0x3a: {  	(v2sf) =	vpush v4, $0x9  }
0x3b: {  	(v2sf) =	vpush v4, $0xA;
	_ =	sdelay $0x1  }
0x3c: {  	(v2sf) =	vpush v4, $0xB;
	_ =	sdelay $0x1  }
0x3d: {  	(v2sf) =	vpush v4, $0xC;
	_ =	sdelay $0x1  }
0x3e: {  	(v2sf) =	vpush v4, $0xD;
	_ =	sdelay $0x1  }
0x3f: {  	(v2sf) =	vpush v4, $0xE;
	_ =	sdelay $0x1  }
0x40: {  	(v2sf) =	vpush v4, $0xF;
	_ =	sdelay $0x1  }
0x41: {  	(v2sf) =	vpush v4, $0x0  }
0x42: {  	s11 =	spop (v2sf)  }
0x43: {  	(v2sf) =	vpush v4, $0x1;
	s3 =	sand.u32 $0xFFFFF80, s11;
	s10 =	spop (v2sf)  }
0x44: {  	s1 =	sadd.s32 s0, s3;
	s4 =	sand.u32 $0xFFFFF80, s10;
	s7 =	spop (v2sf)  }
0x45: {  	[tilespmem:s12], [sflag:$0x2] =	stream.strided.gather [hbm4b:s1+s8], $0x1000, s9, s8, $0x38;
	[tilespmem:$0x12100] =	vst v63  }
0x46: {  	(v2sf) =	vpush v4, $0x2;
	s5 =	sadd.s32 s0, s4;
	s12 =	sand.u32 $0xFFFFF80, s7;
	s6 =	spop (v2sf)  }
0x47: {  	(v2sf) =	vpush v4, $0x3;
	[tilespmem:s13], [sflag:$0x2] =	stream.strided.gather [hbm4b:s5+s8], $0x1000, s9, s8, $0x38;
	[tilespmem:$0x12100] =	vst v63  }
0x48: {  	(v2sf) =	vpush v4, $0x4;
	s30 =	sand.u32 $0xFFFFF80, s6;
	s13 =	sadd.s32 s0, s12;
	s5 =	spop (v2sf)  }
0x49: {  	[tilespmem:s14], [sflag:$0x2] =	stream.strided.gather [hbm4b:s13+s8], $0x1000, s9, s8, $0x38;
	[tilespmem:$0x12100] =	vst v63  }
0x4a: {  	(v2sf) =	vpush v4, $0x5;
	s3 =	sadd.s32 s0, s30;
	s12 =	sand.u32 $0xFFFFF80, s5;
	s4 =	spop (v2sf)  }
0x4b: {  	(v2sf) =	vpush v4, $0x6;
	[tilespmem:s15], [sflag:$0x2] =	stream.strided.gather [hbm4b:s3+s8], $0x1000, s9, s8, $0x38;
	[tilespmem:$0x12100] =	vst v63  }
0x4c: {  	(v2sf) =	vpush v4, $0x7;
	s13 =	sadd.s32 s0, s12;
	s14 =	sand.u32 $0xFFFFF80, s4;
	s3 =	spop (v2sf)  }
0x4d: {  	[tilespmem:s16], [sflag:$0x2] =	stream.strided.gather [hbm4b:s13+s8], $0x1000, s9, s8, $0x38;
	[tilespmem:$0x12100] =	vst v63  }
0x4e: {  	s12 =	sadd.s32 s0, s14;
	s15 =	sand.u32 $0xFFFFF80, s3;
	s1 =	spop (v2sf)  }
0x4f: {  	[tilespmem:s17], [sflag:$0x2] =	stream.strided.gather [hbm4b:s12+s8], $0x1000, s9, s8, $0x38;
	[tilespmem:$0x12100] =	vst v63  }
0x50: {  	s16 =	sadd.s32 s0, s15;
	s30 =	spop (v2sf);
	s17 =	sand.u32 $0xFFFFF80, s1  }
0x51: {  	[tilespmem:s18], [sflag:$0x2] =	stream.strided.gather [hbm4b:s16+s8], $0x1000, s9, s8, $0x38;
	[tilespmem:$0x12100] =	vst v63  }
0x52: {  	s16 =	sadd.s32 s0, s17;
	s18 =	spop (v2sf)  }
0x53: {  	[tilespmem:s19], [sflag:$0x2] =	stream.strided.gather [hbm4b:s16+s8], $0x1000, s9, s8, $0x38;
	[tilespmem:$0x12100] =	vst v63  }
0x54: {  	_ =	swait.ge [sflag:s26], $0x1000  }
0x55: {  	s19 =	spop (v2sf)  }
0x56: {  	[sflag:s26] =	ssyncset.done $0x0;
	s16 =	spop (v2sf)  }
0x57: {  	[sflag:s26] =	ssyncadd.s32 $0xFFFFF000;
	s15 =	spop (v2sf)  }
0x58: {  	_ =	swait.ge [sflag:s26], $0x1000  }
0x59: {  	s14 =	spop (v2sf)  }
0x5a: {  	[sflag:s26] =	ssyncset.done $0x0;
	s13 =	spop (v2sf)  }
0x5b: {  	[sflag:s26] =	ssyncadd.s32 $0xFFFFF000;
	s12 =	spop (v2sf)  }
0x5c: {  	_ =	swait.ge [sflag:s26], $0x1000  }
0x5d: {  	[sflag:s26] =	ssyncset.done $0x0  }
0x5e: {  	[sflag:s26] =	ssyncadd.s32 $0xFFFFF000  }
0x5f: {  	_ =	swait.ge [sflag:s26], $0x1000  }
0x60: {  	[sflag:s26] =	ssyncset.done $0x0  }
0x61: {  	[sflag:s26] =	ssyncadd.s32 $0xFFFFF000  }
0x62: {  	_ =	swait.ge [sflag:s26], $0x1000  }
0x63: {  	[sflag:s26] =	ssyncset.done $0x0  }
0x64: {  	[sflag:s26] =	ssyncadd.s32 $0xFFFFF000  }
0x65: {  	_ =	swait.ge [sflag:s26], $0x1000  }
0x66: {  	[sflag:s26] =	ssyncset.done $0x0  }
0x67: {  	[sflag:s26] =	ssyncadd.s32 $0xFFFFF000  }
0x68: {  	s17 =	sand.u32 $0x7F, s30;
	_ =	swait.ge [sflag:s26], $0x1000  }
0x69: {  	s30 =	simm.s32 $0x0;
	v4 =	vor.u32 s17, v0;
	[sflag:s26] =	ssyncset.done $0x0  }
0x6a: {  	v5 =	vor.u32 s17, v1;
	v6 =	vmov s30;
	[sflag:s26] =	ssyncadd.s32 $0xFFFFF000  }
0x6b: {  	v7 =	vshll.u32 v6, $0x3;
	_ =	swait.ge [sflag:s26], $0x1000  }
0x6c: {  	v6 =	vand.u32 $0x70, v6;
	v7 =	vand.u32 $0x400, v7;
	[sflag:s26] =	ssyncset.done $0x0  }
0x6d: {  	v6 =	vor.u32 v6, v7;
	[sflag:s26] =	ssyncadd.s32 $0xFFFFF000  }
0x6e: {  	v7 =	vor.u32 v2, v6;
	v4 =	vld.idx.msk [tilespmem:v4+s22+$0x0], $0xffff  }
0x6f: {  	s18 =	sand.u32 $0x7F, s18;
	v6 =	vor.u32 v3, v6;
	v5 =	vld.idx.msk [tilespmem:v5+s22+$0x0], $0xffff  }
0x70: {  	s30 =	simm.s32 $0x1;
	v8 =	vor.u32 s18, v0  }
0x71: {  	v9 =	vor.u32 s18, v1;
	v10 =	vmov s30  }
0x72: {  	v11 =	vshll.u32 v10, $0x3  }
0x73: {  	[tilespmem:v7+s28+$0x0] =	vst.idx.msk $0xffff, v4;
	v4 =	vand.u32 $0x71, v10;
	v7 =	vand.u32 $0x400, v11  }
0x74: {  	[tilespmem:v6+s28+$0x0] =	vst.idx.msk $0xffff, v5;
	v4 =	vor.u32 v4, v7  }
0x75: {  	v5 =	vld.idx.msk [tilespmem:v8+s20+$0x0], $0xffff;
	v6 =	vor.u32 v2, v4  }
0x76: {  	s18 =	sand.u32 $0x7F, s19;
	v7 =	vld.idx.msk [tilespmem:v9+s20+$0x0], $0xffff;
	v4 =	vor.u32 v3, v4  }
0x77: {  	s30 =	simm.s32 $0x2;
	v12 =	vor.u32 s18, v0  }
0x78: {  	v14 =	vmov s30;
	v13 =	vor.u32 s18, v1  }
0x79: {  	v15 =	vshll.u32 v14, $0x3  }
0x7a: {  	[tilespmem:v6+s28+$0x0] =	vst.idx.msk $0xffff, v5;
	v5 =	vand.u32 $0x72, v14;
	v6 =	vand.u32 $0x400, v15  }
0x7b: {  	[tilespmem:v4+s28+$0x0] =	vst.idx.msk $0xffff, v7;
	v4 =	vor.u32 v5, v6  }
0x7c: {  	v5 =	vld.idx.msk [tilespmem:v12+s21+$0x0], $0xffff;
	v6 =	vor.u32 v2, v4  }
0x7d: {  	s16 =	sand.u32 $0x7F, s16;
	v7 =	vld.idx.msk [tilespmem:v13+s21+$0x0], $0xffff;
	v4 =	vor.u32 v3, v4  }
0x7e: {  	v16 =	vor.u32 s16, v0;
	s20 =	simm.s32 $0x3  }
0x7f: {  	v17 =	vor.u32 s16, v1;
	v18 =	vmov s20  }
0x80: {  	v19 =	vshll.u32 v18, $0x3  }
0x81: {  	[tilespmem:v6+s28+$0x0] =	vst.idx.msk $0xffff, v5;
	v5 =	vand.u32 $0x73, v18;
	v6 =	vand.u32 $0x400, v19  }
0x82: {  	[tilespmem:v4+s28+$0x0] =	vst.idx.msk $0xffff, v7;
	v4 =	vor.u32 v5, v6  }
0x83: {  	v5 =	vld.idx.msk [tilespmem:v16+s23+$0x0], $0xffff;
	v6 =	vor.u32 v2, v4  }
0x84: {  	s15 =	sand.u32 $0x7F, s15;
	v7 =	vld.idx.msk [tilespmem:v17+s23+$0x0], $0xffff;
	v4 =	vor.u32 v3, v4  }
0x85: {  	v20 =	vor.u32 s15, v0;
	s21 =	simm.s32 $0x4  }
0x86: {  	v21 =	vor.u32 s15, v1;
	v22 =	vmov s21  }
0x87: {  	v23 =	vshll.u32 v22, $0x3  }
0x88: {  	[tilespmem:v6+s28+$0x0] =	vst.idx.msk $0xffff, v5;
	v5 =	vand.u32 $0x74, v22;
	v6 =	vand.u32 $0x400, v23  }
0x89: {  	[tilespmem:v4+s28+$0x0] =	vst.idx.msk $0xffff, v7;
	v4 =	vor.u32 v5, v6  }
0x8a: {  	v5 =	vld.idx.msk [tilespmem:v20+s24+$0x0], $0xffff;
	v6 =	vor.u32 v2, v4  }
0x8b: {  	s14 =	sand.u32 $0x7F, s14;
	v7 =	vld.idx.msk [tilespmem:v21+s24+$0x0], $0xffff;
	v4 =	vor.u32 v3, v4  }
0x8c: {  	v24 =	vor.u32 s14, v0;
	s23 =	simm.s32 $0x5  }
0x8d: {  	v25 =	vor.u32 s14, v1;
	v26 =	vmov s23  }
0x8e: {  	v27 =	vshll.u32 v26, $0x3  }
0x8f: {  	[tilespmem:v6+s28+$0x0] =	vst.idx.msk $0xffff, v5;
	v5 =	vand.u32 $0x75, v26;
	v6 =	vand.u32 $0x400, v27  }
0x90: {  	[tilespmem:v4+s28+$0x0] =	vst.idx.msk $0xffff, v7;
	v4 =	vor.u32 v5, v6  }
0x91: {  	v5 =	vld.idx.msk [tilespmem:v24+s25+$0x0], $0xffff;
	v6 =	vor.u32 v2, v4  }
0x92: {  	s13 =	sand.u32 $0x7F, s13;
	v7 =	vld.idx.msk [tilespmem:v25+s25+$0x0], $0xffff;
	v4 =	vor.u32 v3, v4  }
0x93: {  	v28 =	vor.u32 s13, v0;
	s24 =	simm.s32 $0x6  }
0x94: {  	v29 =	vor.u32 s13, v1;
	v30 =	vmov s24  }
0x95: {  	v31 =	vshll.u32 v30, $0x3  }
0x96: {  	[tilespmem:v6+s28+$0x0] =	vst.idx.msk $0xffff, v5;
	v5 =	vand.u32 $0x76, v30;
	v6 =	vand.u32 $0x400, v31  }
0x97: {  	[tilespmem:v4+s28+$0x0] =	vst.idx.msk $0xffff, v7;
	v4 =	vor.u32 v5, v6  }
0x98: {  	v5 =	vld.idx.msk [tilespmem:v28+s31+$0x0], $0xffff;
	v6 =	vor.u32 v2, v4  }
0x99: {  	s12 =	sand.u32 $0x7F, s12;
	v7 =	vld.idx.msk [tilespmem:v29+s31+$0x0], $0xffff;
	v4 =	vor.u32 v3, v4  }
0x9a: {  	v32 =	vor.u32 s12, v0;
	s25 =	simm.s32 $0x7  }
0x9b: {  	v33 =	vor.u32 s12, v1;
	v34 =	vmov s25  }
0x9c: {  	v35 =	vshll.u32 v34, $0x3  }
0x9d: {  	[tilespmem:v6+s28+$0x0] =	vst.idx.msk $0xffff, v5;
	v5 =	vand.u32 $0x77, v34;
	v6 =	vand.u32 $0x400, v35  }
0x9e: {  	s30 =	simm.s32 $0x7100;
	[tilespmem:v4+s28+$0x0] =	vst.idx.msk $0xffff, v7;
	v4 =	vor.u32 v5, v6  }
0x9f: {  	v5 =	vld.idx.msk [tilespmem:v32+s30+$0x0], $0xffff;
	v6 =	vor.u32 v2, v4  }
0xa0: {  	v7 =	vld.idx.msk [tilespmem:v33+s30+$0x0], $0xffff;
	v4 =	vor.u32 v3, v4;
	_ =	sdelay $0x3  }
0xa1: {  	[tilespmem:v6+s28+$0x0] =	vst.idx.msk $0xffff, v5  }
0xa2: {  	p0 =	por $0x0, $0x0;
	[tilespmem:v4+s28+$0x0] =	vst.idx.msk $0xffff, v7  }
0xa3: {  	v4 =	vld @!p0 [tilespmem:s2+$0x0];
	_ =	sdelay $0x4  }
0xa4: {  	(v2sf) =	vpush @!p0 v4, $0x0;
	_ =	sdelay $0x3  }
0xa5: {  	(v2sf) =	vpush @!p0 v4, $0x1;
	_ =	sdelay $0x3  }
0xa6: {  	(v2sf) =	vpush @!p0 v4, $0x2;
	_ =	sdelay $0x3  }
0xa7: {  	(v2sf) =	vpush @!p0 v4, $0x3;
	_ =	sdelay $0x2  }
0xa8: {  	s12 =	spop @!p0 (v2sf)  }
0xa9: {  	s15 =	simm.s32 @!p0 $0x400;
	(v2sf) =	vpush @!p0 v4, $0x4;
	s12 =	sand.u32 @!p0 $0xFFFFF80, s12  }
0xaa: {  	s14 =	simm.s32 @!p0 $0x100;
	s13 =	simm.s32 @!p0 $0x7A1400;
	s12 =	sadd.s32 @!p0 s0, s12  }
0xab: {  	[tilespmem:s14], [sflag:$0x1] =	stream.strided.gather @!p0 [hbm4b:s12+s15], $0x1000, s13, s15, $0x38;
	[tilespmem:$0x12100] =	vst v63  }
0xac: {  	s12 =	spop @!p0 (v2sf)  }
0xad: {  	(v2sf) =	vpush @!p0 v4, $0x5;
	s12 =	sand.u32 @!p0 $0xFFFFF80, s12  }
0xae: {  	s14 =	simm.s32 @!p0 $0x1100;
	s12 =	sadd.s32 @!p0 s0, s12  }
0xaf: {  	[tilespmem:s14], [sflag:$0x1] =	stream.strided.gather @!p0 [hbm4b:s12+s15], $0x1000, s13, s15, $0x38;
	[tilespmem:$0x12100] =	vst v63  }
0xb0: {  	s12 =	spop @!p0 (v2sf)  }
0xb1: {  	(v2sf) =	vpush @!p0 v4, $0x6;
	s12 =	sand.u32 @!p0 $0xFFFFF80, s12  }
0xb2: {  	s14 =	simm.s32 @!p0 $0x2100;
	s12 =	sadd.s32 @!p0 s0, s12  }
0xb3: {  	[tilespmem:s14], [sflag:$0x1] =	stream.strided.gather @!p0 [hbm4b:s12+s15], $0x1000, s13, s15, $0x38;
	[tilespmem:$0x12100] =	vst v63  }
0xb4: {  	s12 =	spop @!p0 (v2sf)  }
0xb5: {  	(v2sf) =	vpush @!p0 v4, $0x7;
	s12 =	sand.u32 @!p0 $0xFFFFF80, s12  }
0xb6: {  	s14 =	simm.s32 @!p0 $0x3100;
	s12 =	sadd.s32 @!p0 s0, s12  }
0xb7: {  	[tilespmem:s14], [sflag:$0x1] =	stream.strided.gather @!p0 [hbm4b:s12+s15], $0x1000, s13, s15, $0x38;
	[tilespmem:$0x12100] =	vst v63  }
0xb8: {  	s12 =	spop @!p0 (v2sf)  }
0xb9: {  	s12 =	sand.u32 @!p0 $0xFFFFF80, s12  }
0xba: {  	s14 =	simm.s32 @!p0 $0x4100;
	s12 =	sadd.s32 @!p0 s0, s12  }
0xbb: {  	[tilespmem:s14], [sflag:$0x1] =	stream.strided.gather @!p0 [hbm4b:s12+s15], $0x1000, s13, s15, $0x38;
	[tilespmem:$0x12100] =	vst v63  }
0xbc: {  	s12 =	spop @!p0 (v2sf)  }
0xbd: {  	s12 =	sand.u32 @!p0 $0xFFFFF80, s12  }
0xbe: {  	s14 =	simm.s32 @!p0 $0x5100;
	s12 =	sadd.s32 @!p0 s0, s12  }
0xbf: {  	[tilespmem:s14], [sflag:$0x1] =	stream.strided.gather @!p0 [hbm4b:s12+s15], $0x1000, s13, s15, $0x38;
	[tilespmem:$0x12100] =	vst v63  }
0xc0: {  	s12 =	spop @!p0 (v2sf)  }
0xc1: {  	s12 =	sand.u32 @!p0 $0xFFFFF80, s12  }
0xc2: {  	s14 =	simm.s32 @!p0 $0x6100;
	s12 =	sadd.s32 @!p0 s0, s12  }
0xc3: {  	[tilespmem:s14], [sflag:$0x1] =	stream.strided.gather @!p0 [hbm4b:s12+s15], $0x1000, s13, s15, $0x38;
	[tilespmem:$0x12100] =	vst v63  }
0xc4: {  	s12 =	spop @!p0 (v2sf)  }
0xc5: {  	s12 =	sand.u32 @!p0 $0xFFFFF80, s12  }
0xc6: {  	s14 =	simm.s32 @!p0 $0x7100;
	s12 =	sadd.s32 @!p0 s0, s12  }
0xc7: {  	[tilespmem:s14], [sflag:$0x1] =	stream.strided.gather @!p0 [hbm4b:s12+s15], $0x1000, s13, s15, $0x38;
	[tilespmem:$0x12100] =	vst v63  }
0xc8: {  	_ =	swait.ge [sflag:s29], $0x1000  }
0xc9: {  	[sflag:s29] =	ssyncset.done $0x0  }
0xca: {  	[sflag:s29] =	ssyncadd.s32 $0xFFFFF000  }
0xcb: {  	_ =	swait.ge [sflag:s29], $0x1000  }
0xcc: {  	[sflag:s29] =	ssyncset.done $0x0  }
0xcd: {  	[sflag:s29] =	ssyncadd.s32 $0xFFFFF000  }
0xce: {  	_ =	swait.ge [sflag:s29], $0x1000  }
0xcf: {  	[sflag:s29] =	ssyncset.done $0x0  }
0xd0: {  	[sflag:s29] =	ssyncadd.s32 $0xFFFFF000  }
0xd1: {  	_ =	swait.ge [sflag:s29], $0x1000  }
0xd2: {  	[sflag:s29] =	ssyncset.done $0x0  }
0xd3: {  	[sflag:s29] =	ssyncadd.s32 $0xFFFFF000  }
0xd4: {  	_ =	swait.ge [sflag:s29], $0x1000  }
0xd5: {  	[sflag:s29] =	ssyncset.done $0x0  }
0xd6: {  	[sflag:s29] =	ssyncadd.s32 $0xFFFFF000  }
0xd7: {  	_ =	swait.ge [sflag:s29], $0x1000  }
0xd8: {  	[sflag:s29] =	ssyncset.done $0x0  }
0xd9: {  	[sflag:s29] =	ssyncadd.s32 $0xFFFFF000  }
0xda: {  	s11 =	sand.u32 $0x7F, s11;
	_ =	swait.ge [sflag:s29], $0x1000  }
0xdb: {  	s31 =	simm.s32 $0x8;
	v4 =	vor.u32 s11, v0;
	[sflag:s29] =	ssyncset.done $0x0  }
0xdc: {  	v5 =	vor.u32 s11, v1;
	v6 =	vmov s31;
	[sflag:s29] =	ssyncadd.s32 $0xFFFFF000  }
0xdd: {  	v7 =	vshll.u32 v6, $0x3;
	_ =	swait.ge [sflag:s29], $0x1000  }
0xde: {  	v6 =	vand.u32 $0x78, v6;
	v7 =	vand.u32 $0x400, v7;
	[sflag:s29] =	ssyncset.done $0x0  }
0xdf: {  	v6 =	vor.u32 v6, v7;
	s12 =	simm.s32 $0x8100;
	[sflag:s29] =	ssyncadd.s32 $0xFFFFF000  }
0xe0: {  	v7 =	vor.u32 v2, v6;
	v4 =	vld.idx.msk [tilespmem:v4+s12+$0x0], $0xffff  }
0xe1: {  	s10 =	sand.u32 $0x7F, s10;
	v6 =	vor.u32 v3, v6;
	v5 =	vld.idx.msk [tilespmem:v5+s12+$0x0], $0xffff  }
0xe2: {  	v36 =	vor.u32 s10, v0;
	s20 =	simm.s32 $0x9  }
0xe3: {  	v37 =	vor.u32 s10, v1;
	v38 =	vmov s20  }
0xe4: {  	v39 =	vshll.u32 v38, $0x3  }
0xe5: {  	[tilespmem:v7+s28+$0x0] =	vst.idx.msk $0xffff, v4;
	v4 =	vand.u32 $0x79, v38;
	v7 =	vand.u32 $0x400, v39  }
0xe6: {  	s13 =	simm.s32 $0x9100;
	[tilespmem:v6+s28+$0x0] =	vst.idx.msk $0xffff, v5;
	v4 =	vor.u32 v4, v7  }
0xe7: {  	v5 =	vld.idx.msk [tilespmem:v36+s13+$0x0], $0xffff;
	v6 =	vor.u32 v2, v4  }
0xe8: {  	s7 =	sand.u32 $0x7F, s7;
	v7 =	vld.idx.msk [tilespmem:v37+s13+$0x0], $0xffff;
	v4 =	vor.u32 v3, v4  }
0xe9: {  	v40 =	vor.u32 s7, v0;
	s21 =	simm.s32 $0xA  }
0xea: {  	v41 =	vor.u32 s7, v1;
	v42 =	vmov s21  }
0xeb: {  	v43 =	vshll.u32 v42, $0x3  }
0xec: {  	[tilespmem:v6+s28+$0x0] =	vst.idx.msk $0xffff, v5;
	v5 =	vand.u32 $0x7A, v42;
	v6 =	vand.u32 $0x400, v43  }
0xed: {  	s14 =	simm.s32 $0xA100;
	[tilespmem:v4+s28+$0x0] =	vst.idx.msk $0xffff, v7;
	v4 =	vor.u32 v5, v6  }
0xee: {  	v5 =	vld.idx.msk [tilespmem:v40+s14+$0x0], $0xffff;
	v6 =	vor.u32 v2, v4  }
0xef: {  	s6 =	sand.u32 $0x7F, s6;
	v7 =	vld.idx.msk [tilespmem:v41+s14+$0x0], $0xffff;
	v4 =	vor.u32 v3, v4  }
0xf0: {  	v44 =	vor.u32 s6, v0;
	s23 =	simm.s32 $0xB  }
0xf1: {  	v45 =	vor.u32 s6, v1;
	v46 =	vmov s23  }
0xf2: {  	v47 =	vshll.u32 v46, $0x3  }
0xf3: {  	[tilespmem:v6+s28+$0x0] =	vst.idx.msk $0xffff, v5;
	v5 =	vand.u32 $0x7B, v46;
	v6 =	vand.u32 $0x400, v47  }
0xf4: {  	s15 =	simm.s32 $0xB100;
	[tilespmem:v4+s28+$0x0] =	vst.idx.msk $0xffff, v7;
	v4 =	vor.u32 v5, v6  }
0xf5: {  	v5 =	vld.idx.msk [tilespmem:v44+s15+$0x0], $0xffff;
	v6 =	vor.u32 v2, v4  }
0xf6: {  	s5 =	sand.u32 $0x7F, s5;
	v7 =	vld.idx.msk [tilespmem:v45+s15+$0x0], $0xffff;
	v4 =	vor.u32 v3, v4  }
0xf7: {  	v48 =	vor.u32 s5, v0;
	s24 =	simm.s32 $0xC  }
0xf8: {  	v49 =	vor.u32 s5, v1;
	v50 =	vmov s24  }
0xf9: {  	v51 =	vshll.u32 v50, $0x3  }
0xfa: {  	[tilespmem:v6+s28+$0x0] =	vst.idx.msk $0xffff, v5;
	v5 =	vand.u32 $0x7C, v50;
	v6 =	vand.u32 $0x400, v51  }
0xfb: {  	s16 =	simm.s32 $0xC100;
	[tilespmem:v4+s28+$0x0] =	vst.idx.msk $0xffff, v7;
	v4 =	vor.u32 v5, v6  }
0xfc: {  	v5 =	vld.idx.msk [tilespmem:v48+s16+$0x0], $0xffff;
	v6 =	vor.u32 v2, v4  }
0xfd: {  	s4 =	sand.u32 $0x7F, s4;
	v7 =	vld.idx.msk [tilespmem:v49+s16+$0x0], $0xffff;
	v4 =	vor.u32 v3, v4  }
0xfe: {  	v52 =	vor.u32 s4, v0;
	s25 =	simm.s32 $0xD  }
0xff: {  	v53 =	vor.u32 s4, v1;
	v54 =	vmov s25  }
0x100: {  	v55 =	vshll.u32 v54, $0x3  }
0x101: {  	[tilespmem:v6+s28+$0x0] =	vst.idx.msk $0xffff, v5;
	v5 =	vand.u32 $0x7D, v54;
	v6 =	vand.u32 $0x400, v55  }
0x102: {  	s17 =	simm.s32 $0xD100;
	[tilespmem:v4+s28+$0x0] =	vst.idx.msk $0xffff, v7;
	v4 =	vor.u32 v5, v6  }
0x103: {  	v5 =	vld.idx.msk [tilespmem:v52+s17+$0x0], $0xffff;
	v6 =	vor.u32 v2, v4  }
0x104: {  	s3 =	sand.u32 $0x7F, s3;
	v7 =	vld.idx.msk [tilespmem:v53+s17+$0x0], $0xffff;
	v4 =	vor.u32 v3, v4  }
0x105: {  	v56 =	vor.u32 s3, v0;
	s30 =	simm.s32 $0xE  }
0x106: {  	v57 =	vor.u32 s3, v1;
	v58 =	vmov s30  }
0x107: {  	v59 =	vshll.u32 v58, $0x3  }
0x108: {  	[tilespmem:v6+s28+$0x0] =	vst.idx.msk $0xffff, v5;
	v5 =	vand.u32 $0x7E, v58;
	v6 =	vand.u32 $0x400, v59  }
0x109: {  	s18 =	simm.s32 $0xE100;
	[tilespmem:v4+s28+$0x0] =	vst.idx.msk $0xffff, v7;
	v4 =	vor.u32 v5, v6  }
0x10a: {  	v5 =	vld.idx.msk [tilespmem:v56+s18+$0x0], $0xffff;
	v6 =	vor.u32 v2, v4  }
0x10b: {  	s1 =	sand.u32 $0x7F, s1;
	v7 =	vld.idx.msk [tilespmem:v57+s18+$0x0], $0xffff;
	v4 =	vor.u32 v3, v4  }
0x10c: {  	v60 =	vor.u32 s1, v0;
	s31 =	simm.s32 $0xF  }
0x10d: {  	v63 =	vor.u32 s1, v1;
	v61 =	vmov s31  }
0x10e: {  	v62 =	vshll.u32 v61, $0x3  }
0x10f: {  	[tilespmem:v6+s28+$0x0] =	vst.idx.msk $0xffff, v5;
	v5 =	vand.u32 $0x7F, v61;
	v6 =	vand.u32 $0x400, v62  }
0x110: {  	s19 =	simm.s32 $0xF100;
	[tilespmem:v4+s28+$0x0] =	vst.idx.msk $0xffff, v7;
	v5 =	vor.u32 v5, v6  }
0x111: {  	v6 =	vld.idx.msk [tilespmem:v60+s19+$0x0], $0xffff;
	v7 =	vor.u32 v2, v5  }
0x112: {  	v4 =	vld.idx.msk [tilespmem:v63+s19+$0x0], $0xffff;
	v5 =	vor.u32 v3, v5;
	_ =	sdelay $0x2  }
0x113: {  	s3 =	simm.s32 $0x1F  }
0x114: {  	s23 =	simm.s32 $0x6100;
	s24 =	simm.s32 $0x2100;
	s25 =	simm.s32 $0x4100;
	[tilespmem:v7+s28+$0x0] =	vst.idx.msk $0xffff, v6  }
.LBB2_2:
0x115: {  	[tilespmem:v5+s28+$0x0] =	vst.idx.msk $0xffff, v4;
	s2 =	sadd.s32 $0x10, s2;
	s30 =	smov.u32 s3;
	s3 =	sadd.s32 $0x10, s3  }
0x116: {  	v4 =	vld [tilespmem:s2+$0xFFFFFFF0];
	p0 =	sne.s32 s3, $0x10F;
	_ =	sdelay $0x4  }
0x117: {  	(v2sf) =	vpush v4, $0x8  }
0x118: {  	(v2sf) =	vpush v4, $0x9  }
0x119: {  	(v2sf) =	vpush v4, $0xA;
	_ =	sdelay $0x1  }
0x11a: {  	(v2sf) =	vpush v4, $0xB;
	_ =	sdelay $0x1  }
0x11b: {  	(v2sf) =	vpush v4, $0xC;
	_ =	sdelay $0x1  }
0x11c: {  	(v2sf) =	vpush v4, $0xD;
	_ =	sdelay $0x1  }
0x11d: {  	(v2sf) =	vpush v4, $0xE;
	_ =	sdelay $0x1  }
0x11e: {  	(v2sf) =	vpush v4, $0xF;
	_ =	sdelay $0x1  }
0x11f: {  	(v2sf) =	vpush v4, $0x0  }
0x120: {  	s1 =	spop (v2sf)  }
0x121: {  	s4 =	sand.u32 $0xFFFFF80, s1;
	s6 =	sand.u32 $0x7F, s1;
	s1 =	spop (v2sf);
	(v2sf) =	vpush v4, $0x1  }
0x122: {  	s5 =	sadd.s32 s0, s4;
	s7 =	sand.u32 $0xFFFFF80, s1;
	s4 =	spop (v2sf)  }
0x123: {  	[tilespmem:s12], [sflag:$0x2] =	stream.strided.gather [hbm4b:s5+s8], $0x1000, s9, s8, $0x38;
	[tilespmem:$0x12100] =	vst v63  }
0x124: {  	(v2sf) =	vpush v4, $0x2;
	s10 =	sand.u32 $0xFFFFF80, s4  }
0x125: {  	s7 =	sadd.s32 s0, s7;
	s5 =	spop (v2sf);
	(v2sf) =	vpush v4, $0x3;
	s10 =	sadd.s32 s0, s10  }
0x126: {  	[tilespmem:s13], [sflag:$0x2] =	stream.strided.gather [hbm4b:s7+s8], $0x1000, s9, s8, $0x38;
	(v2sf) =	vpush v4, $0x4;
	[tilespmem:$0x12100] =	vst v63  }
0x127: {  	s11 =	sand.u32 $0xFFFFF80, s5;
	s13 =	simm.s32 $0xF100;
	s7 =	spop (v2sf);
	(v2sf) =	vpush v4, $0x5  }
0x128: {  	[tilespmem:s14], [sflag:$0x2] =	stream.strided.gather [hbm4b:s10+s8], $0x1000, s9, s8, $0x38;
	(v2sf) =	vpush v4, $0x6;
	[tilespmem:$0x12100] =	vst v63  }
0x129: {  	s10 =	sadd.s32 s0, s11;
	s11 =	sand.u32 $0xFFFFF80, s7;
	s31 =	spop (v2sf);
	(v2sf) =	vpush v4, $0x7  }
0x12a: {  	[tilespmem:s15], [sflag:$0x2] =	stream.strided.gather [hbm4b:s10+s8], $0x1000, s9, s8, $0x38;
	[tilespmem:$0x12100] =	vst v63  }
0x12b: {  	s10 =	sadd.s32 s0, s11;
	s11 =	sand.u32 $0xFFFFF80, s31;
	s20 =	spop (v2sf)  }
0x12c: {  	[tilespmem:s16], [sflag:$0x2] =	stream.strided.gather [hbm4b:s10+s8], $0x1000, s9, s8, $0x38;
	[tilespmem:$0x12100] =	vst v63  }
0x12d: {  	s10 =	sadd.s32 s0, s11;
	s11 =	sand.u32 $0xFFFFF80, s20;
	s21 =	spop (v2sf)  }
0x12e: {  	[tilespmem:s17], [sflag:$0x2] =	stream.strided.gather [hbm4b:s10+s8], $0x1000, s9, s8, $0x38;
	[tilespmem:$0x12100] =	vst v63  }
0x12f: {  	s10 =	sadd.s32 s0, s11;
	s11 =	sand.u32 $0xFFFFF80, s21;
	s12 =	spop (v2sf)  }
0x130: {  	[tilespmem:s18], [sflag:$0x2] =	stream.strided.gather [hbm4b:s10+s8], $0x1000, s9, s8, $0x38;
	[tilespmem:$0x12100] =	vst v63  }
0x131: {  	s10 =	sadd.s32 s0, s11;
	s19 =	sand.u32 $0x7F, s12;
	s11 =	spop (v2sf)  }
0x132: {  	[tilespmem:s13], [sflag:$0x2] =	stream.strided.gather [hbm4b:s10+s8], $0x1000, s9, s8, $0x38;
	[tilespmem:$0x12100] =	vst v63  }
0x133: {  	_ =	swait.ge [sflag:s26], $0x1000  }
0x134: {  	s18 =	sand.u32 $0x7F, s11;
	s10 =	spop (v2sf)  }
0x135: {  	[sflag:s26] =	ssyncset.done $0x0;
	s17 =	sand.u32 $0x7F, s10;
	s10 =	spop (v2sf)  }
0x136: {  	[sflag:s26] =	ssyncadd.s32 $0xFFFFF000;
	s16 =	sand.u32 $0x7F, s10;
	s10 =	spop (v2sf)  }
0x137: {  	_ =	swait.ge [sflag:s26], $0x1000  }
0x138: {  	s15 =	sand.u32 $0x7F, s10;
	s10 =	spop (v2sf)  }
0x139: {  	[sflag:s26] =	ssyncset.done $0x0;
	s14 =	sand.u32 $0x7F, s10;
	s10 =	spop (v2sf)  }
0x13a: {  	[sflag:s26] =	ssyncadd.s32 $0xFFFFF000;
	s13 =	sand.u32 $0x7F, s10;
	s10 =	spop (v2sf)  }
0x13b: {  	s11 =	sand.u32 $0x7F, s1;
	_ =	swait.ge [sflag:s26], $0x1000;
	s12 =	sand.u32 $0x7F, s10  }
0x13c: {  	s1 =	sand.u32 $0x7F, s5;
	s10 =	sand.u32 $0x7F, s4;
	[sflag:s26] =	ssyncset.done $0x0  }
0x13d: {  	s7 =	sand.u32 $0x7F, s7;
	s5 =	sand.u32 $0x7F, s31;
	[sflag:s26] =	ssyncadd.s32 $0xFFFFF000  }
0x13e: {  	s31 =	sand.u32 $0x7F, s21;
	s4 =	sand.u32 $0x7F, s20;
	_ =	swait.ge [sflag:s26], $0x1000  }
0x13f: {  	[sflag:s26] =	ssyncset.done $0x0  }
0x140: {  	[sflag:s26] =	ssyncadd.s32 $0xFFFFF000  }
0x141: {  	_ =	swait.ge [sflag:s26], $0x1000  }
0x142: {  	[sflag:s26] =	ssyncset.done $0x0  }
0x143: {  	[sflag:s26] =	ssyncadd.s32 $0xFFFFF000  }
0x144: {  	_ =	swait.ge [sflag:s26], $0x1000  }
0x145: {  	[sflag:s26] =	ssyncset.done $0x0  }
0x146: {  	[sflag:s26] =	ssyncadd.s32 $0xFFFFF000  }
0x147: {  	_ =	swait.ge [sflag:s26], $0x1000  }
0x148: {  	v4 =	vor.u32 s19, v0;
	[sflag:s26] =	ssyncset.done $0x0  }
0x149: {  	v5 =	vor.u32 s19, v1;
	s20 =	sadd.s32 $0xFFFFFFF1, s30;
	[sflag:s26] =	ssyncadd.s32 $0xFFFFF000  }
0x14a: {  	v6 =	vmov s20;
	_ =	swait.ge [sflag:s26], $0x1000  }
0x14b: {  	v7 =	vshll.u32 v6, $0x3;
	[sflag:s26] =	ssyncset.done $0x0  }
0x14c: {  	v6 =	vand.u32 $0x70, v6;
	v7 =	vand.u32 $0x400, v7;
	[sflag:s26] =	ssyncadd.s32 $0xFFFFF000  }
0x14d: {  	v6 =	vor.u32 v6, v7;
	v4 =	vld.idx.msk [tilespmem:v4+s22+$0x0], $0xffff  }
0x14e: {  	v7 =	vor.u32 v2, v6;
	v5 =	vld.idx.msk [tilespmem:v5+s22+$0x0], $0xffff  }
0x14f: {  	v6 =	vor.u32 v3, v6  }
0x150: {  	v8 =	vor.u32 s18, v0  }
0x151: {  	s19 =	sadd.s32 $0xFFFFFFF2, s30;
	v9 =	vor.u32 s18, v1  }
0x152: {  	v10 =	vmov s19  }
0x153: {  	[tilespmem:v7+s28+$0x0] =	vst.idx.msk $0xffff, v4;
	v4 =	vshll.u32 v10, $0x3  }
0x154: {  	s18 =	simm.s32 $0x1100;
	[tilespmem:v6+s28+$0x0] =	vst.idx.msk $0xffff, v5;
	v5 =	vand.u32 $0x71, v10;
	v4 =	vand.u32 $0x400, v4  }
0x155: {  	v6 =	vld.idx.msk [tilespmem:v8+s18+$0x0], $0xffff;
	v4 =	vor.u32 v5, v4  }
0x156: {  	v5 =	vld.idx.msk [tilespmem:v9+s18+$0x0], $0xffff;
	v7 =	vor.u32 v2, v4  }
0x157: {  	v4 =	vor.u32 v3, v4  }
0x158: {  	v8 =	vor.u32 s17, v0  }
0x159: {  	s18 =	sadd.s32 $0xFFFFFFF3, s30;
	v9 =	vor.u32 s17, v1  }
0x15a: {  	v10 =	vmov s18  }
0x15b: {  	[tilespmem:v7+s28+$0x0] =	vst.idx.msk $0xffff, v6;
	v6 =	vshll.u32 v10, $0x3  }
0x15c: {  	[tilespmem:v4+s28+$0x0] =	vst.idx.msk $0xffff, v5;
	v4 =	vand.u32 $0x72, v10;
	v5 =	vand.u32 $0x400, v6  }
0x15d: {  	v6 =	vld.idx.msk [tilespmem:v8+s24+$0x0], $0xffff;
	v4 =	vor.u32 v4, v5  }
0x15e: {  	v5 =	vld.idx.msk [tilespmem:v9+s24+$0x0], $0xffff;
	v7 =	vor.u32 v2, v4  }
0x15f: {  	v4 =	vor.u32 v3, v4  }
0x160: {  	v8 =	vor.u32 s16, v0  }
0x161: {  	s17 =	sadd.s32 $0xFFFFFFF4, s30;
	v9 =	vor.u32 s16, v1  }
0x162: {  	v10 =	vmov s17  }
0x163: {  	[tilespmem:v7+s28+$0x0] =	vst.idx.msk $0xffff, v6;
	v6 =	vshll.u32 v10, $0x3  }
0x164: {  	s16 =	simm.s32 $0x3100;
	[tilespmem:v4+s28+$0x0] =	vst.idx.msk $0xffff, v5;
	v4 =	vand.u32 $0x73, v10;
	v5 =	vand.u32 $0x400, v6  }
0x165: {  	v6 =	vld.idx.msk [tilespmem:v8+s16+$0x0], $0xffff;
	v4 =	vor.u32 v4, v5  }
0x166: {  	v5 =	vld.idx.msk [tilespmem:v9+s16+$0x0], $0xffff;
	v7 =	vor.u32 v2, v4  }
0x167: {  	v4 =	vor.u32 v3, v4  }
0x168: {  	v8 =	vor.u32 s15, v0  }
0x169: {  	s16 =	sadd.s32 $0xFFFFFFF5, s30;
	v9 =	vor.u32 s15, v1  }
0x16a: {  	v10 =	vmov s16  }
0x16b: {  	[tilespmem:v7+s28+$0x0] =	vst.idx.msk $0xffff, v6;
	v6 =	vshll.u32 v10, $0x3  }
0x16c: {  	[tilespmem:v4+s28+$0x0] =	vst.idx.msk $0xffff, v5;
	v4 =	vand.u32 $0x74, v10;
	v5 =	vand.u32 $0x400, v6  }
0x16d: {  	v6 =	vld.idx.msk [tilespmem:v8+s25+$0x0], $0xffff;
	v4 =	vor.u32 v4, v5  }
0x16e: {  	v5 =	vld.idx.msk [tilespmem:v9+s25+$0x0], $0xffff;
	v7 =	vor.u32 v2, v4  }
0x16f: {  	v4 =	vor.u32 v3, v4  }
0x170: {  	v8 =	vor.u32 s14, v0  }
0x171: {  	s15 =	sadd.s32 $0xFFFFFFF6, s30;
	v9 =	vor.u32 s14, v1  }
0x172: {  	v10 =	vmov s15  }
0x173: {  	[tilespmem:v7+s28+$0x0] =	vst.idx.msk $0xffff, v6;
	v6 =	vshll.u32 v10, $0x3  }
0x174: {  	s14 =	simm.s32 $0x5100;
	[tilespmem:v4+s28+$0x0] =	vst.idx.msk $0xffff, v5;
	v4 =	vand.u32 $0x75, v10;
	v5 =	vand.u32 $0x400, v6  }
0x175: {  	v6 =	vld.idx.msk [tilespmem:v8+s14+$0x0], $0xffff;
	v4 =	vor.u32 v4, v5  }
0x176: {  	v5 =	vld.idx.msk [tilespmem:v9+s14+$0x0], $0xffff;
	v7 =	vor.u32 v2, v4  }
0x177: {  	v4 =	vor.u32 v3, v4  }
0x178: {  	v8 =	vor.u32 s13, v0  }
0x179: {  	s14 =	sadd.s32 $0xFFFFFFF7, s30;
	v9 =	vor.u32 s13, v1  }
0x17a: {  	v10 =	vmov s14  }
0x17b: {  	[tilespmem:v7+s28+$0x0] =	vst.idx.msk $0xffff, v6;
	v6 =	vshll.u32 v10, $0x3  }
0x17c: {  	[tilespmem:v4+s28+$0x0] =	vst.idx.msk $0xffff, v5;
	v4 =	vand.u32 $0x76, v10;
	v5 =	vand.u32 $0x400, v6  }
0x17d: {  	v6 =	vld.idx.msk [tilespmem:v8+s23+$0x0], $0xffff;
	v4 =	vor.u32 v4, v5  }
0x17e: {  	v5 =	vld.idx.msk [tilespmem:v9+s23+$0x0], $0xffff;
	v7 =	vor.u32 v2, v4  }
0x17f: {  	v4 =	vor.u32 v3, v4  }
0x180: {  	v8 =	vor.u32 s12, v0  }
0x181: {  	s13 =	sadd.s32 $0xFFFFFFF8, s30;
	v9 =	vor.u32 s12, v1  }
0x182: {  	v10 =	vmov s13  }
0x183: {  	[tilespmem:v7+s28+$0x0] =	vst.idx.msk $0xffff, v6;
	v6 =	vshll.u32 v10, $0x3  }
0x184: {  	s12 =	simm.s32 $0x7100;
	[tilespmem:v4+s28+$0x0] =	vst.idx.msk $0xffff, v5;
	v4 =	vand.u32 $0x77, v10;
	v5 =	vand.u32 $0x400, v6  }
0x185: {  	v6 =	vld.idx.msk [tilespmem:v8+s12+$0x0], $0xffff;
	v4 =	vor.u32 v4, v5  }
0x186: {  	v5 =	vld.idx.msk [tilespmem:v9+s12+$0x0], $0xffff;
	v7 =	vor.u32 v2, v4  }
0x187: {  	v4 =	vor.u32 v3, v4;
	_ =	sdelay $0x3  }
0x188: {  	[tilespmem:v7+s28+$0x0] =	vst.idx.msk $0xffff, v6  }
0x189: {  	p1 =	seq.s32 s30, $0xFF;
	[tilespmem:v4+s28+$0x0] =	vst.idx.msk $0xffff, v5  }
0x18a: {  	v4 =	vld @!p1 [tilespmem:s2+$0x0];
	_ =	sdelay $0x4  }
0x18b: {  	(v2sf) =	vpush @!p1 v4, $0x0  }
0x18c: {  	(v2sf) =	vpush @!p1 v4, $0x1  }
0x18d: {  	(v2sf) =	vpush @!p1 v4, $0x2;
	_ =	sdelay $0x1  }
0x18e: {  	(v2sf) =	vpush @!p1 v4, $0x3;
	_ =	sdelay $0x1  }
0x18f: {  	(v2sf) =	vpush @!p1 v4, $0x4;
	_ =	sdelay $0x1  }
0x190: {  	(v2sf) =	vpush @!p1 v4, $0x5;
	_ =	sdelay $0x1  }
0x191: {  	(v2sf) =	vpush @!p1 v4, $0x6;
	_ =	sdelay $0x1  }
0x192: {  	(v2sf) =	vpush @!p1 v4, $0x7  }
0x193: {  	s13 =	simm.s32 @!p1 $0x5100;
	s12 =	simm.s32 @!p1 $0x4100  }
0x194: {  	s16 =	simm.s32 @!p1 $0x3100;
	s15 =	simm.s32 @!p1 $0x2100;
	s14 =	simm.s32 @!p1 $0x1100  }
0x195: {  	s18 =	simm.s32 @!p1 $0x100;
	s17 =	simm.s32 @!p1 $0x7A1400;
	s19 =	spop @!p1 (v2sf)  }
0x196: {  	s20 =	simm.s32 @!p1 $0x400;
	s19 =	sand.u32 @!p1 $0xFFFFF80, s19;
	s21 =	spop @!p1 (v2sf)  }
0x197: {  	s19 =	sadd.s32 @!p1 s0, s19;
	s21 =	sand.u32 @!p1 $0xFFFFF80, s21;
	s22 =	spop @!p1 (v2sf)  }
0x198: {  	[tilespmem:s18], [sflag:$0x1] =	stream.strided.gather @!p1 [hbm4b:s19+s20], $0x1000, s17, s20, $0x38;
	[tilespmem:$0x12100] =	vst v63  }
0x199: {  	s18 =	sadd.s32 @!p1 s0, s21  }
0x19a: {  	s19 =	sand.u32 @!p1 $0xFFFFF80, s22;
	s22 =	simm.s32 $0x100;
	s21 =	spop @!p1 (v2sf)  }
0x19b: {  	[tilespmem:s14], [sflag:$0x1] =	stream.strided.gather @!p1 [hbm4b:s18+s20], $0x1000, s17, s20, $0x38;
	[tilespmem:$0x12100] =	vst v63  }
0x19c: {  	s14 =	sadd.s32 @!p1 s0, s19;
	s18 =	sand.u32 @!p1 $0xFFFFF80, s21;
	s19 =	spop @!p1 (v2sf)  }
0x19d: {  	[tilespmem:s15], [sflag:$0x1] =	stream.strided.gather @!p1 [hbm4b:s14+s20], $0x1000, s17, s20, $0x38;
	[tilespmem:$0x12100] =	vst v63  }
0x19e: {  	s14 =	sadd.s32 @!p1 s0, s18  }
0x19f: {  	s15 =	sand.u32 @!p1 $0xFFFFF80, s19;
	s19 =	simm.s32 $0xF100;
	s18 =	spop @!p1 (v2sf)  }
0x1a0: {  	[tilespmem:s16], [sflag:$0x1] =	stream.strided.gather @!p1 [hbm4b:s14+s20], $0x1000, s17, s20, $0x38;
	[tilespmem:$0x12100] =	vst v63  }
0x1a1: {  	s14 =	sadd.s32 @!p1 s0, s15  }
0x1a2: {  	s15 =	sand.u32 @!p1 $0xFFFFF80, s18;
	s18 =	simm.s32 $0xE100;
	s16 =	spop @!p1 (v2sf)  }
0x1a3: {  	[tilespmem:s12], [sflag:$0x1] =	stream.strided.gather @!p1 [hbm4b:s14+s20], $0x1000, s17, s20, $0x38;
	[tilespmem:$0x12100] =	vst v63  }
0x1a4: {  	s12 =	sadd.s32 @!p1 s0, s15  }
0x1a5: {  	s14 =	sand.u32 @!p1 $0xFFFFF80, s16;
	s16 =	simm.s32 $0xC100;
	s15 =	spop @!p1 (v2sf)  }
0x1a6: {  	[tilespmem:s13], [sflag:$0x1] =	stream.strided.gather @!p1 [hbm4b:s12+s20], $0x1000, s17, s20, $0x38;
	[tilespmem:$0x12100] =	vst v63  }
0x1a7: {  	s12 =	sadd.s32 @!p1 s0, s14  }
0x1a8: {  	s13 =	simm.s32 @!p1 $0x6100;
	s14 =	sand.u32 @!p1 $0xFFFFF80, s15;
	s15 =	simm.s32 $0xB100  }
0x1a9: {  	[tilespmem:s13], [sflag:$0x1] =	stream.strided.gather @!p1 [hbm4b:s12+s20], $0x1000, s17, s20, $0x38;
	[tilespmem:$0x12100] =	vst v63  }
0x1aa: {  	s12 =	sadd.s32 @!p1 s0, s14;
	s14 =	simm.s32 $0xA100;
	s13 =	simm.s32 @!p1 $0x7100  }
0x1ab: {  	[tilespmem:s13], [sflag:$0x1] =	stream.strided.gather @!p1 [hbm4b:s12+s20], $0x1000, s17, s20, $0x38;
	[tilespmem:$0x12100] =	vst v63  }
0x1ac: {  	s17 =	simm.s32 $0xD100;
	s13 =	simm.s32 $0x9100  }
0x1ad: {  	_ =	swait.ge [sflag:s29], $0x1000  }
0x1ae: {  	[sflag:s29] =	ssyncset.done $0x0  }
0x1af: {  	[sflag:s29] =	ssyncadd.s32 $0xFFFFF000  }
0x1b0: {  	_ =	swait.ge [sflag:s29], $0x1000  }
0x1b1: {  	[sflag:s29] =	ssyncset.done $0x0  }
0x1b2: {  	[sflag:s29] =	ssyncadd.s32 $0xFFFFF000  }
0x1b3: {  	_ =	swait.ge [sflag:s29], $0x1000  }
0x1b4: {  	[sflag:s29] =	ssyncset.done $0x0  }
0x1b5: {  	[sflag:s29] =	ssyncadd.s32 $0xFFFFF000  }
0x1b6: {  	_ =	swait.ge [sflag:s29], $0x1000  }
0x1b7: {  	[sflag:s29] =	ssyncset.done $0x0  }
0x1b8: {  	[sflag:s29] =	ssyncadd.s32 $0xFFFFF000  }
0x1b9: {  	_ =	swait.ge [sflag:s29], $0x1000  }
0x1ba: {  	[sflag:s29] =	ssyncset.done $0x0  }
0x1bb: {  	[sflag:s29] =	ssyncadd.s32 $0xFFFFF000  }
0x1bc: {  	_ =	swait.ge [sflag:s29], $0x1000  }
0x1bd: {  	[sflag:s29] =	ssyncset.done $0x0  }
0x1be: {  	[sflag:s29] =	ssyncadd.s32 $0xFFFFF000  }
0x1bf: {  	_ =	swait.ge [sflag:s29], $0x1000  }
0x1c0: {  	v4 =	vor.u32 s6, v0;
	[sflag:s29] =	ssyncset.done $0x0  }
0x1c1: {  	v5 =	vor.u32 s6, v1;
	s12 =	sadd.s32 $0xFFFFFFF9, s30;
	[sflag:s29] =	ssyncadd.s32 $0xFFFFF000  }
0x1c2: {  	v6 =	vmov s12;
	s12 =	simm.s32 $0x8100;
	_ =	swait.ge [sflag:s29], $0x1000  }
0x1c3: {  	v7 =	vshll.u32 v6, $0x3;
	[sflag:s29] =	ssyncset.done $0x0  }
0x1c4: {  	v6 =	vand.u32 $0x78, v6;
	v7 =	vand.u32 $0x400, v7;
	[sflag:s29] =	ssyncadd.s32 $0xFFFFF000  }
0x1c5: {  	v6 =	vor.u32 v6, v7;
	v4 =	vld.idx.msk [tilespmem:v4+s12+$0x0], $0xffff  }
0x1c6: {  	v7 =	vor.u32 v2, v6;
	v5 =	vld.idx.msk [tilespmem:v5+s12+$0x0], $0xffff  }
0x1c7: {  	v6 =	vor.u32 v3, v6  }
0x1c8: {  	v8 =	vor.u32 s11, v0  }
0x1c9: {  	v9 =	vor.u32 s11, v1;
	s6 =	sadd.s32 $0xFFFFFFFA, s30  }
0x1ca: {  	v10 =	vmov s6  }
0x1cb: {  	[tilespmem:v7+s28+$0x0] =	vst.idx.msk $0xffff, v4;
	v4 =	vshll.u32 v10, $0x3  }
0x1cc: {  	[tilespmem:v6+s28+$0x0] =	vst.idx.msk $0xffff, v5;
	v5 =	vand.u32 $0x79, v10;
	v4 =	vand.u32 $0x400, v4  }
0x1cd: {  	v6 =	vld.idx.msk [tilespmem:v8+s13+$0x0], $0xffff;
	v4 =	vor.u32 v5, v4  }
0x1ce: {  	v5 =	vld.idx.msk [tilespmem:v9+s13+$0x0], $0xffff;
	v7 =	vor.u32 v2, v4  }
0x1cf: {  	v4 =	vor.u32 v3, v4  }
0x1d0: {  	v8 =	vor.u32 s10, v0  }
0x1d1: {  	s6 =	sadd.s32 $0xFFFFFFFB, s30;
	v9 =	vor.u32 s10, v1  }
0x1d2: {  	v10 =	vmov s6  }
0x1d3: {  	[tilespmem:v7+s28+$0x0] =	vst.idx.msk $0xffff, v6;
	v6 =	vshll.u32 v10, $0x3  }
0x1d4: {  	[tilespmem:v4+s28+$0x0] =	vst.idx.msk $0xffff, v5;
	v4 =	vand.u32 $0x7A, v10;
	v5 =	vand.u32 $0x400, v6  }
0x1d5: {  	v6 =	vld.idx.msk [tilespmem:v8+s14+$0x0], $0xffff;
	v4 =	vor.u32 v4, v5  }
0x1d6: {  	v5 =	vld.idx.msk [tilespmem:v9+s14+$0x0], $0xffff;
	v7 =	vor.u32 v2, v4  }
0x1d7: {  	v4 =	vor.u32 v3, v4  }
0x1d8: {  	v8 =	vor.u32 s1, v0  }
0x1d9: {  	s6 =	sadd.s32 $0xFFFFFFFC, s30;
	v9 =	vor.u32 s1, v1  }
0x1da: {  	v10 =	vmov s6  }
0x1db: {  	[tilespmem:v7+s28+$0x0] =	vst.idx.msk $0xffff, v6;
	v6 =	vshll.u32 v10, $0x3  }
0x1dc: {  	[tilespmem:v4+s28+$0x0] =	vst.idx.msk $0xffff, v5;
	v4 =	vand.u32 $0x7B, v10;
	v5 =	vand.u32 $0x400, v6  }
0x1dd: {  	v6 =	vld.idx.msk [tilespmem:v8+s15+$0x0], $0xffff;
	v4 =	vor.u32 v4, v5  }
0x1de: {  	v5 =	vld.idx.msk [tilespmem:v9+s15+$0x0], $0xffff;
	v7 =	vor.u32 v2, v4  }
0x1df: {  	v4 =	vor.u32 v3, v4  }
0x1e0: {  	v8 =	vor.u32 s7, v0  }
0x1e1: {  	s1 =	sadd.s32 $0xFFFFFFFD, s30;
	v9 =	vor.u32 s7, v1  }
0x1e2: {  	v10 =	vmov s1  }
0x1e3: {  	[tilespmem:v7+s28+$0x0] =	vst.idx.msk $0xffff, v6;
	v6 =	vshll.u32 v10, $0x3  }
0x1e4: {  	[tilespmem:v4+s28+$0x0] =	vst.idx.msk $0xffff, v5;
	v4 =	vand.u32 $0x7C, v10;
	v5 =	vand.u32 $0x400, v6  }
0x1e5: {  	v6 =	vld.idx.msk [tilespmem:v8+s16+$0x0], $0xffff;
	v4 =	vor.u32 v4, v5  }
0x1e6: {  	v5 =	vld.idx.msk [tilespmem:v9+s16+$0x0], $0xffff;
	v7 =	vor.u32 v2, v4  }
0x1e7: {  	v4 =	vor.u32 v3, v4  }
0x1e8: {  	v8 =	vor.u32 s5, v0  }
0x1e9: {  	s1 =	sadd.s32 $0xFFFFFFFE, s30;
	v9 =	vor.u32 s5, v1  }
0x1ea: {  	v10 =	vmov s1  }
0x1eb: {  	[tilespmem:v7+s28+$0x0] =	vst.idx.msk $0xffff, v6;
	v6 =	vshll.u32 v10, $0x3  }
0x1ec: {  	[tilespmem:v4+s28+$0x0] =	vst.idx.msk $0xffff, v5;
	v4 =	vand.u32 $0x7D, v10;
	v5 =	vand.u32 $0x400, v6  }
0x1ed: {  	v6 =	vld.idx.msk [tilespmem:v8+s17+$0x0], $0xffff;
	v4 =	vor.u32 v4, v5  }
0x1ee: {  	v5 =	vld.idx.msk [tilespmem:v9+s17+$0x0], $0xffff;
	v7 =	vor.u32 v2, v4  }
0x1ef: {  	v4 =	vor.u32 v3, v4  }
0x1f0: {  	v8 =	vor.u32 s4, v0  }
0x1f1: {  	s1 =	sadd.s32 $0xFFFFFFFF, s30;
	v9 =	vor.u32 s4, v1  }
0x1f2: {  	v10 =	vmov s1  }
0x1f3: {  	[tilespmem:v7+s28+$0x0] =	vst.idx.msk $0xffff, v6;
	v6 =	vshll.u32 v10, $0x3  }
0x1f4: {  	[tilespmem:v4+s28+$0x0] =	vst.idx.msk $0xffff, v5;
	v4 =	vand.u32 $0x7E, v10;
	v5 =	vand.u32 $0x400, v6  }
0x1f5: {  	v6 =	vld.idx.msk [tilespmem:v8+s18+$0x0], $0xffff;
	v4 =	vor.u32 v4, v5  }
0x1f6: {  	v5 =	vld.idx.msk [tilespmem:v9+s18+$0x0], $0xffff;
	v7 =	vor.u32 v2, v4  }
0x1f7: {  	v4 =	vor.u32 v3, v4  }
0x1f8: {  	v8 =	vor.u32 s31, v0  }
0x1f9: {  	v9 =	vor.u32 s31, v1  }
0x1fa: {  	v10 =	vmov s30  }
0x1fb: {  	[tilespmem:v7+s28+$0x0] =	vst.idx.msk $0xffff, v6;
	v6 =	vshll.u32 v10, $0x3  }
0x1fc: {  	[tilespmem:v4+s28+$0x0] =	vst.idx.msk $0xffff, v5;
	v4 =	vand.u32 $0x7F, v10;
	v5 =	vand.u32 $0x400, v6  }
0x1fd: {  	v6 =	vld.idx.msk [tilespmem:v8+s19+$0x0], $0xffff;
	v5 =	vor.u32 v4, v5  }
0x1fe: {  	v4 =	vld.idx.msk [tilespmem:v9+s19+$0x0], $0xffff;
	v7 =	vor.u32 v2, v5  }
.Ltmp0:
0x1ff: {  	v5 =	vor.u32 v3, v5;
	(pc) =	sbr.rel @p0 .LBB2_2-.Ltmp0, $2  }
0x200: {  	_ =	sdelay $0x2  }
0x201: {  	[tilespmem:v7+s28+$0x0] =	vst.idx.msk $0xffff, v6  }
0x202: {  	_ =	sdelay $0x3  }
0x203: {  	[tilespmem:v5+s28+$0x0] =	vst.idx.msk $0xffff, v4;
	s1 =	rddreg [dreg:$0x5];
	s2 =	simm.s32 $0x800;
	s3 =	simm.s32 $0x10000  }
0x204: {  	[hbm4b:s1+s2] =	stream.strided.scatter [tilespmem:s28], [sflag:$0x3], $0x2000, s3, s2, $0x38;
	[tilespmem:$0x12100] =	vst v63  }
0x205: {  	s3 =	simm.s32 $0x3  }
0x206: {  	_ =	swait.ge [sflag:s3], $0x2000  }
0x207: {  	s25 =	rddreg [dreg:$0x7]  }
0x208: {  	s30 =	rddreg [dreg:$0x6];
	s2 =	sadd.s32 $0x1, s25  }
0x209: {  	p0 =	sne.s32 s2, s30  }
.Ltmp1:
0x20a: {  	_ = 	snop;
	(pc) =	sbr.rel @p0 .LBB2_1-.Ltmp1, $4  }
0x20b: {  	_ = 	snop  }
0x20c: {  	s20 =	simm.s32 $0x1100;
	s21 =	simm.s32 $0x2100;
	s23 =	simm.s32 $0x3100  }
0x20d: {  	s24 =	simm.s32 $0x4100;
	s31 =	simm.s32 $0x6100;
	[sflag:s3] =	ssyncset.done $0x0  }
0x20e: {  	s4 =	simm.s32 $0x7100;
	[sflag:s3] =	ssyncadd.s32 $0xFFFFE000;
	s25 =	simm.s32 $0x5100  }
0x20f: {  	_ =	sfence.sel $0x180000  }
0x210: {  	[bflag:$0x0] =	sbarrier.arrive $0xFFFF  }
0x211: {  	_ =	strace $0x90000047  }
0x212: {  	s0 =	stileid.u32;
	[bflag:$0x2] =	sbarrier.arrive $0xFFFF  }
0x213: {  	p0 =	sne.s32 s0, $0x0;
	s0 =	rddreg [dreg:$0x3]  }
0x214: {  	s0 =	sadd.s32 @!p0 $0x100000, s0  }
0x215: {  	[sflag:s0] =	ssyncadd.tile.s32 @!p0 $0x1;
	_ =	shalt  }
.Lfunc_end2:
_tile_overlayer_lowered:
.L_overlay_start_2:
0x216: {  	(tag) =	ssettag $0x2  }
0x217: {  	s0 =	rddreg [dreg:$0x0];
	s2 =	stileid.u32  }
0x218: {  	s1 =	rddreg [dreg:$0x1];
	p0 =	sne.s32 s2, $0x0  }
0x219: {  	s3 =	rddreg [dreg:$0x2];
	[bflag:$0x3] =	sbarrier.arrive $0xFFFF;
	s2 =	simm.s32 @!p0 $0x1C03  }
0x21a: {  	[timem:s3], [sflag:s2] =	dma.local @!p0 [hbm:s0], s1  }
0x21b: {  	s0 =	simm.s32 @!p0 $0x3  }
0x21c: {  	_ =	swait.ge @!p0 [sflag:s0], s1  }
0x21d: {  	s1 =	ssub.s32 @!p0 $0x0, s1;
	[sflag:s0] =	ssyncset.done @!p0 $0x0  }
0x21e: {  	[sflag:s0] =	ssyncadd.s32 @!p0 s1  }
0x21f: {  	[bflag:$0x3] =	sbarrier.arrive $0xFFFF  }
0x220: {  	_ =	shalt  }

</sc_bundles>
